<compile_context>
chip_gen: v7x
topology: tpu7x:2x2x1
jax: 0.10.2.dev20260603
libtpu: 0.0.44.dev20260713+nightly
codegen_flags: <defaults>
</compile_context>

<pallas_src>
import functools

import jax
import jax.numpy as jnp
from jax import lax
from jax.experimental import pallas as pl
from jax.experimental.pallas import tpu as pltpu
from jax.experimental.pallas import tpu_sc as plsc

N = 10000
E = 320000
D = 128

NC = 2
NS = 16
NW = NC * NS

EROWS = 2560
EPAD = EROWS * 128 - E
RW = EROWS // NW
CHUNK = 8
RB = 2
HLF = RW // 2

NB = N + 64
HB = 10240
HT = HB // NS

T_CHUNK = 624
T_LAST = N - 15 * T_CHUNK

_mesh = plsc.VectorSubcoreMesh(core_axis_name="c", subcore_axis_name="s",
                               num_cores=NC, num_subcores=NS)


@functools.partial(
    pl.kernel,
    out_type=(jax.ShapeDtypeStruct((HB,), jnp.float32),
              jax.ShapeDtypeStruct((HB,), jnp.float32),
              jax.ShapeDtypeStruct((HB,), jnp.float32),
              jax.ShapeDtypeStruct((HB,), jnp.float32)),
    mesh=_mesh,
    scratch_types=[
        pltpu.VMEM((RW, 128), jnp.int32),
        pltpu.VMEM((RW, 128), jnp.int32),
        pltpu.VMEM((128,), jnp.float32),
        pltpu.VMEM_SHARED((HB,), jnp.float32),
        pltpu.VMEM_SHARED((HB,), jnp.float32),
        pltpu.SemaphoreType.DMA,
    ],
)
def _hist_sc(s2d, r2d, ones_hbm, z1d_hbm, hs_a, hr_a, hs_b, hr_b,
             sidx_v, ridx_v, ones_v, hs_sh, hr_sh, sem):
    c = lax.axis_index("c")
    s = lax.axis_index("s")
    g = s * NC + c

    off = s * HT
    pltpu.sync_copy(z1d_hbm, hs_sh.at[pl.ds(off, HT)])
    pltpu.sync_copy(z1d_hbm, hr_sh.at[pl.ds(off, HT)])
    pltpu.sync_copy(ones_hbm, ones_v)
    plsc.subcore_barrier()

    row0 = g * RW
    pltpu.sync_copy(s2d.at[pl.ds(row0, RW)], sidx_v)
    pltpu.sync_copy(r2d.at[pl.ds(row0, RW)], ridx_v)

    def fire(i, _):
        for j in range(CHUNK):
            r = i * CHUNK + j
            pltpu.async_copy(ones_v, hs_sh.at[sidx_v.at[r]], sem, add=True)
            pltpu.async_copy(ones_v, hr_sh.at[ridx_v.at[r]], sem, add=True)
        return 0

    lax.fori_loop(0, RW // CHUNK, fire, 0)

    def drn(i, _):
        for j in range(2 * CHUNK):
            pltpu.make_async_copy(z1d_hbm.at[pl.ds(0, 128)], ones_v,
                                  sem).wait()
        return 0

    lax.fori_loop(0, RW // CHUNK, drn, 0)
    plsc.subcore_barrier()

    @pl.when(c == 0)
    def _():
        pltpu.sync_copy(hs_sh.at[pl.ds(off, HT)], hs_a.at[pl.ds(off, HT)])
        pltpu.sync_copy(hr_sh.at[pl.ds(off, HT)], hr_a.at[pl.ds(off, HT)])

    @pl.when(c == 1)
    def _():
        pltpu.sync_copy(hs_sh.at[pl.ds(off, HT)], hs_b.at[pl.ds(off, HT)])
        pltpu.sync_copy(hr_sh.at[pl.ds(off, HT)], hr_b.at[pl.ds(off, HT)])


def _matmul_body(nodes_ref, w_ref, out_ref):
    out_ref[...] = jnp.dot(nodes_ref[...], w_ref[...],
                           preferred_element_type=jnp.float32)


def _matmul_tc(nodes_pad, W):
    BR = 1024
    return pl.pallas_call(
        _matmul_body,
        grid=(HB // BR,),
        in_specs=[pl.BlockSpec((BR, D), lambda i: (i, 0)),
                  pl.BlockSpec((D, D), lambda i: (0, 0))],
        out_specs=pl.BlockSpec((BR, D), lambda i: (i, 0)),
        out_shape=jax.ShapeDtypeStruct((HB, D), jnp.float32),
    )(nodes_pad, W)


def _scale_body(x_ref, hs0_ref, hs1_ref, hr0_ref, hr1_ref, eye_ref, out_ref):
    cs = hs0_ref[...] + hs1_ref[...]
    cr = hr0_ref[...] + hr1_ref[...]
    scale = lax.rsqrt((2.0 * cs + 2.0) * (2.0 * cr + 2.0))
    for j in range(8):
        diag = eye_ref[...] * scale[j:j + 1, :]
        out_ref[pl.ds(j * 128, 128), :] = jnp.dot(
            diag, x_ref[pl.ds(j * 128, 128), :],
            preferred_element_type=jnp.float32,
            precision=lax.Precision.HIGHEST)


def _scale_tc(x, hs0, hs1, hr0, hr1, eye):
    BR = 1024
    return pl.pallas_call(
        _scale_body,
        grid=(HB // BR,),
        in_specs=[
            pl.BlockSpec((BR, D), lambda i: (i, 0)),
            pl.BlockSpec((8, 128), lambda i: (i, 0)),
            pl.BlockSpec((8, 128), lambda i: (i, 0)),
            pl.BlockSpec((8, 128), lambda i: (i, 0)),
            pl.BlockSpec((8, 128), lambda i: (i, 0)),
            pl.BlockSpec((128, 128), lambda i: (0, 0)),
        ],
        out_specs=pl.BlockSpec((BR, D), lambda i: (i, 0)),
        out_shape=jax.ShapeDtypeStruct((HB, D), jnp.float32),
    )(x, hs0, hs1, hr0, hr1, eye)


@functools.partial(
    pl.kernel,
    out_type=(jax.ShapeDtypeStruct((N, D), jnp.float32),
              jax.ShapeDtypeStruct((N, D), jnp.float32)),
    mesh=_mesh,
    scratch_types=[
        pltpu.VMEM((HLF, 128), jnp.int32),
        pltpu.VMEM((HLF, 128), jnp.int32),
        pltpu.VMEM((RB, 128, D), jnp.float32),
        pltpu.VMEM_SHARED((NB, D), jnp.float32),
        pltpu.SemaphoreType.DMA,
        pltpu.SemaphoreType.DMA,
        pltpu.SemaphoreType.DMA,
        pltpu.SemaphoreType.DMA,
    ],
)
def _message_sc(xs_hbm, s2d, r2d, z2d_hbm, out_a, out_b,
                sidx_v, ridx_v, rows_v, acc_sh, gsem0, gsem1, ssem0, ssem1):
    c = lax.axis_index("c")
    s = lax.axis_index("s")
    g = s * NC + c

    off = s * T_CHUNK
    erow0 = g * RW

    pltpu.sync_copy(s2d.at[pl.ds(erow0, HLF)], sidx_v)
    pltpu.sync_copy(r2d.at[pl.ds(erow0, HLF)], ridx_v)
    pltpu.async_copy(xs_hbm.at[sidx_v.at[0]], rows_v.at[0], gsem0)

    @pl.when((c == 0) & (s == NS - 1))
    def _():
        pltpu.sync_copy(xs_hbm.at[pl.ds(off, T_LAST)],
                        acc_sh.at[pl.ds(off, T_LAST)])

    @pl.when((c == 0) & (s != NS - 1))
    def _():
        pltpu.sync_copy(xs_hbm.at[pl.ds(off, T_CHUNK)],
                        acc_sh.at[pl.ds(off, T_CHUNK)])

    @pl.when((c == 1) & (s == NS - 1))
    def _():
        pltpu.sync_copy(z2d_hbm.at[pl.ds(0, T_LAST)],
                        acc_sh.at[pl.ds(off, T_LAST)])

    @pl.when((c == 1) & (s != NS - 1))
    def _():
        pltpu.sync_copy(z2d_hbm.at[pl.ds(0, T_CHUNK)],
                        acc_sh.at[pl.ds(off, T_CHUNK)])

    plsc.subcore_barrier()

    gsems = (gsem0, gsem1)
    ssems = (ssem0, ssem1)

    def drain(sem, k):
        pltpu.make_async_copy(xs_hbm.at[pl.ds(0, 128)],
                              rows_v.at[k], sem).wait()

    for half in range(2):
        if half == 1:
            pltpu.sync_copy(s2d.at[pl.ds(erow0 + HLF, HLF)], sidx_v)
            pltpu.sync_copy(r2d.at[pl.ds(erow0 + HLF, HLF)], ridx_v)
            pltpu.async_copy(xs_hbm.at[sidx_v.at[0]], rows_v.at[0], gsem0)

        def ring(i, _):
            for j in range(8):
                r = i * 8 + j
                k = j % 2
                drain(gsems[k], k)
                pltpu.async_copy(rows_v.at[k], acc_sh.at[ridx_v.at[r]],
                                 ssems[k], add=True)

                @pl.when(r + 1 < HLF)
                def _():
                    @pl.when(r >= 1)
                    def _():
                        drain(ssems[1 - k], 1 - k)

                    pltpu.async_copy(xs_hbm.at[sidx_v.at[r + 1]],
                                     rows_v.at[1 - k], gsems[1 - k])
            return 0

        lax.fori_loop(0, HLF // 8, ring, 0)
        drain(ssems[0], 0)
        drain(ssems[1], 1)

    plsc.subcore_barrier()

    @pl.when((c == 0) & (s == NS - 1))
    def _():
        pltpu.sync_copy(acc_sh.at[pl.ds(off, T_LAST)],
                        out_a.at[pl.ds(off, T_LAST)])

    @pl.when((c == 0) & (s != NS - 1))
    def _():
        pltpu.sync_copy(acc_sh.at[pl.ds(off, T_CHUNK)],
                        out_a.at[pl.ds(off, T_CHUNK)])

    @pl.when((c == 1) & (s == NS - 1))
    def _():
        pltpu.sync_copy(acc_sh.at[pl.ds(off, T_LAST)],
                        out_b.at[pl.ds(off, T_LAST)])

    @pl.when((c == 1) & (s != NS - 1))
    def _():
        pltpu.sync_copy(acc_sh.at[pl.ds(off, T_CHUNK)],
                        out_b.at[pl.ds(off, T_CHUNK)])


def _add_body(a_ref, b_ref, out_ref):
    out_ref[...] = a_ref[...] + b_ref[...]


def _add_tc(a, b):
    BR = 1000
    return pl.pallas_call(
        _add_body,
        grid=(N // BR,),
        in_specs=[pl.BlockSpec((BR, D), lambda i: (i, 0)),
                  pl.BlockSpec((BR, D), lambda i: (i, 0))],
        out_specs=pl.BlockSpec((BR, D), lambda i: (i, 0)),
        out_shape=jax.ShapeDtypeStruct((N, D), jnp.float32),
    )(a, b)


def kernel(nodes, senders, receivers, W):
    ar = jnp.arange(EPAD, dtype=jnp.int32)
    pad_trash = N + (ar % 64)

    def interleave(x, pad):
        xw = x.reshape(NW, E // NW)
        pw = pad.reshape(NW, EPAD // NW)
        return jnp.concatenate([xw, pw], axis=1).reshape(EROWS, 128)

    s2dp = interleave(senders, pad_trash)
    r2dp = interleave(receivers, pad_trash)

    nodes_pad = jnp.concatenate([nodes, jnp.zeros((HB - N, D), jnp.float32)])
    ones128 = jnp.ones((128,), jnp.float32)
    z1d = jnp.zeros((HT,), jnp.float32)
    z2d = jnp.zeros((T_LAST, D), jnp.float32)
    eye = jnp.eye(128, dtype=jnp.float32)

    x = _matmul_tc(nodes_pad, W)
    hs_a, hr_a, hs_b, hr_b = _hist_sc(s2dp, r2dp, ones128, z1d)

    xs = _scale_tc(x,
                   hs_a.reshape(80, 128), hs_b.reshape(80, 128),
                   hr_a.reshape(80, 128), hr_b.reshape(80, 128), eye)
    pa, pb = _message_sc(xs, s2dp, r2dp, z2d)
    return _add_tc(pa, pb)

# --- scband reference (transcript-rebuilt; emitter-appended) ---
"""Pipeline reference for scband-gcnconv-86277303042052 (READ-ONLY COPY).

The authoritative reference and input builder live on the scoring server;
editing this copy changes nothing except your own understanding.
"""

import jax, jax.numpy as jnp
import numpy as np

N = 10000
E = 320000
D_IN = 128
D_OUT = 128


def setup_inputs(seed: int = 0) -> dict:
    key = jax.random.key(seed)
    k1, k2, k3, k4 = jax.random.split(key, 4)
    nodes = jax.random.normal(k1, (N, D_IN), dtype=jnp.float32)
    senders = jax.random.randint(k2, (E,), 0, N, dtype=jnp.int32)
    receivers = jax.random.randint(k3, (E,), 0, N, dtype=jnp.int32)
    # hk.Linear(out_channels, with_bias=False): W has shape [in, out],
    # truncated-normal init with stddev 1/sqrt(fan_in)
    W = jax.random.truncated_normal(k4, -2.0, 2.0, (D_IN, D_OUT), dtype=jnp.float32) * (1.0 / np.sqrt(D_IN))
    return {"nodes": nodes, "senders": senders, "receivers": receivers, "W": W}


def reference(nodes, senders, receivers, W):
    num_nodes = nodes.shape[0]
    # nodes = self.linear(nodes)
    x = nodes @ W
    # edges is None -> ones
    num_edges = receivers.shape[0]
    edges = jnp.ones((num_edges, 1), dtype=x.dtype)
    # add self loops (improved=False -> fill_value=1.0)
    loop = jnp.arange(num_nodes, dtype=receivers.dtype)
    conv_receivers = jnp.concatenate((receivers, loop), axis=0)
    conv_senders = jnp.concatenate((senders, loop), axis=0)
    fill_self_edges = jnp.ones((num_nodes, 1), dtype=x.dtype) * 1.0
    edges = jnp.concatenate((edges, fill_self_edges), axis=0)
    # symmetric normalization (per the module's node-wise formulation)
    d = edges + jnp.ones_like(conv_senders).reshape(-1, 1)
    d = d.reshape(-1)
    sender_degree = jax.ops.segment_sum(d, conv_senders, num_segments=num_nodes)
    receiver_degree = jax.ops.segment_sum(d, conv_receivers, num_segments=num_nodes)
    di = jax.lax.rsqrt(jnp.maximum(sender_degree, 1.0))[:, None]
    dj = jax.lax.rsqrt(jnp.maximum(receiver_degree, 1.0))[:, None]
    norm_vals = di * dj
    x = x * norm_vals
    # message passing: gather from senders, weight by edge values, scatter-add to receivers
    messages = x[conv_senders].transpose()
    messages = jnp.multiply(messages, jnp.squeeze(edges)).transpose()
    out = jax.ops.segment_sum(messages, conv_receivers, num_segments=num_nodes)
    return out

if __name__ == "__main__":
    import jax
    _d = setup_inputs()
    print(jax.jit(kernel)(*tuple(_d.values())))

</pallas_src>

<mosaic_0001>
#map = affine_map<(d0, d1) -> (0, 0)>
#map1 = affine_map<(d0, d1) -> (0)>
module attributes {stable_mosaic.version = 14 : i64} {
  func.func @_hist_sc(%arg0: i32, %arg1: i32, %arg2: memref<2560x128xi32, #tpu.memory_space<hbm>>, %arg3: memref<2560x128xi32, #tpu.memory_space<hbm>>, %arg4: memref<128xf32, #tpu.memory_space<hbm>>, %arg5: memref<640xf32, #tpu.memory_space<hbm>>, %arg6: memref<10240xf32, #tpu.memory_space<hbm>>, %arg7: memref<10240xf32, #tpu.memory_space<hbm>>, %arg8: memref<10240xf32, #tpu.memory_space<hbm>>, %arg9: memref<10240xf32, #tpu.memory_space<hbm>>, %arg10: memref<80x128xi32, #tpu.memory_space<vmem>>, %arg11: memref<80x128xi32, #tpu.memory_space<vmem>>, %arg12: memref<128xf32, #tpu.memory_space<vmem>>, %arg13: memref<10240xf32, #tpu.memory_space<vmem_shared>>, %arg14: memref<10240xf32, #tpu.memory_space<vmem_shared>>, %arg15: memref<!tpu.dma_semaphore, #tpu.memory_space<semaphore_mem>>) attributes {dimension_semantics = [#tpu.dimension_semantics<core_parallel>, #tpu.dimension_semantics<subcore_parallel>], iteration_bounds = array<i64: 2, 16>, scalar_prefetch = 0 : i64, scratch_operands = 6 : i64, tpu.core_type = #tpu.core_type<sc_vector_subcore>, window_params = [{transform_indices = #map}, {transform_indices = #map}, {transform_indices = #map1}, {transform_indices = #map1}, {transform_indices = #map1}, {transform_indices = #map1}, {transform_indices = #map1}, {transform_indices = #map1}]} {
    %mul3A = arith.constant 2 : i32
    %mul3A_0 = arith.muli %arg1, %mul3A : i32
    %add3A = arith.addi %mul3A_0, %arg0 : i32
    %mul3A_1 = arith.constant 640 : i32
    %mul3A_2 = arith.muli %arg1, %mul3A_1 : i32
    "tpu.region"() ({
      %run_scoped3A = tpu.sem_alloc : memref<!tpu.dma_semaphore, #tpu.memory_space<semaphore_mem>>
      %dma_start3A = tpu.memref_slice %arg13[%mul3A_2] : memref<10240xf32, #tpu.memory_space<vmem_shared>> -> memref<640xf32, #tpu.memory_space<vmem_shared>>
      tpu.enqueue_dma source(%arg5 : memref<640xf32, #tpu.memory_space<hbm>>) target(%dma_start3A : memref<640xf32, #tpu.memory_space<vmem_shared>>) target_semaphore(%run_scoped3A : memref<!tpu.dma_semaphore, #tpu.memory_space<semaphore_mem>>)
      %dma_wait3A = tpu.memref_slice %arg13[%mul3A_2] : memref<10240xf32, #tpu.memory_space<vmem_shared>> -> memref<640xf32, #tpu.memory_space<vmem_shared>>
      tpu.wait_dma2 semaphore(%run_scoped3A : memref<!tpu.dma_semaphore, #tpu.memory_space<semaphore_mem>>) src(%arg5 : memref<640xf32, #tpu.memory_space<hbm>>) dst(%dma_wait3A : memref<640xf32, #tpu.memory_space<vmem_shared>>)
      tpu.yield
    }) : () -> ()
    "tpu.region"() ({
      %run_scoped3A = tpu.sem_alloc : memref<!tpu.dma_semaphore, #tpu.memory_space<semaphore_mem>>
      %dma_start3A = tpu.memref_slice %arg14[%mul3A_2] : memref<10240xf32, #tpu.memory_space<vmem_shared>> -> memref<640xf32, #tpu.memory_space<vmem_shared>>
      tpu.enqueue_dma source(%arg5 : memref<640xf32, #tpu.memory_space<hbm>>) target(%dma_start3A : memref<640xf32, #tpu.memory_space<vmem_shared>>) target_semaphore(%run_scoped3A : memref<!tpu.dma_semaphore, #tpu.memory_space<semaphore_mem>>)
      %dma_wait3A = tpu.memref_slice %arg14[%mul3A_2] : memref<10240xf32, #tpu.memory_space<vmem_shared>> -> memref<640xf32, #tpu.memory_space<vmem_shared>>
      tpu.wait_dma2 semaphore(%run_scoped3A : memref<!tpu.dma_semaphore, #tpu.memory_space<semaphore_mem>>) src(%arg5 : memref<640xf32, #tpu.memory_space<hbm>>) dst(%dma_wait3A : memref<640xf32, #tpu.memory_space<vmem_shared>>)
      tpu.yield
    }) : () -> ()
    "tpu.region"() ({
      %run_scoped3A = tpu.sem_alloc : memref<!tpu.dma_semaphore, #tpu.memory_space<semaphore_mem>>
      tpu.enqueue_dma source(%arg4 : memref<128xf32, #tpu.memory_space<hbm>>) target(%arg12 : memref<128xf32, #tpu.memory_space<vmem>>) target_semaphore(%run_scoped3A : memref<!tpu.dma_semaphore, #tpu.memory_space<semaphore_mem>>)
      tpu.wait_dma2 semaphore(%run_scoped3A : memref<!tpu.dma_semaphore, #tpu.memory_space<semaphore_mem>>) src(%arg4 : memref<128xf32, #tpu.memory_space<hbm>>) dst(%arg12 : memref<128xf32, #tpu.memory_space<vmem>>)
      tpu.yield
    }) : () -> ()
    %barrier3A = arith.constant 0 : index
    tpu.barrier barrier_id(%barrier3A)
    %mul3A_3 = arith.constant 80 : i32
    %mul3A_4 = arith.muli %add3A, %mul3A_3 : i32
    "tpu.region"() ({
      %run_scoped3A = tpu.sem_alloc : memref<!tpu.dma_semaphore, #tpu.memory_space<semaphore_mem>>
      %dma_start3A = arith.constant 0 : i32
      %dma_start3A_26 = tpu.memref_slice %arg2[%mul3A_4, %dma_start3A] : memref<2560x128xi32, #tpu.memory_space<hbm>> -> memref<80x128xi32, #tpu.memory_space<hbm>>
      %dma_start3A_27 = arith.constant 0 : i32
      %dma_start3A_28 = tpu.memref_slice %arg2[%mul3A_4, %dma_start3A_27] : memref<2560x128xi32, #tpu.memory_space<hbm>> -> memref<80x128xi32, #tpu.memory_space<hbm>>
      tpu.enqueue_dma source(%dma_start3A_28 : memref<80x128xi32, #tpu.memory_space<hbm>>) target(%arg10 : memref<80x128xi32, #tpu.memory_space<vmem>>) target_semaphore(%run_scoped3A : memref<!tpu.dma_semaphore, #tpu.memory_space<semaphore_mem>>)
      %dma_wait3A = arith.constant 0 : i32
      %dma_wait3A_29 = tpu.memref_slice %arg2[%mul3A_4, %dma_wait3A] : memref<2560x128xi32, #tpu.memory_space<hbm>> -> memref<80x128xi32, #tpu.memory_space<hbm>>
      %dma_wait3A_30 = arith.constant 0 : i32
      %dma_wait3A_31 = tpu.memref_slice %arg2[%mul3A_4, %dma_wait3A_30] : memref<2560x128xi32, #tpu.memory_space<hbm>> -> memref<80x128xi32, #tpu.memory_space<hbm>>
      tpu.wait_dma2 semaphore(%run_scoped3A : memref<!tpu.dma_semaphore, #tpu.memory_space<semaphore_mem>>) src(%dma_wait3A_31 : memref<80x128xi32, #tpu.memory_space<hbm>>) dst(%arg10 : memref<80x128xi32, #tpu.memory_space<vmem>>)
      tpu.yield
    }) : () -> ()
    "tpu.region"() ({
      %run_scoped3A = tpu.sem_alloc : memref<!tpu.dma_semaphore, #tpu.memory_space<semaphore_mem>>
      %dma_start3A = arith.constant 0 : i32
      %dma_start3A_26 = tpu.memref_slice %arg3[%mul3A_4, %dma_start3A] : memref<2560x128xi32, #tpu.memory_space<hbm>> -> memref<80x128xi32, #tpu.memory_space<hbm>>
      %dma_start3A_27 = arith.constant 0 : i32
      %dma_start3A_28 = tpu.memref_slice %arg3[%mul3A_4, %dma_start3A_27] : memref<2560x128xi32, #tpu.memory_space<hbm>> -> memref<80x128xi32, #tpu.memory_space<hbm>>
      tpu.enqueue_dma source(%dma_start3A_28 : memref<80x128xi32, #tpu.memory_space<hbm>>) target(%arg11 : memref<80x128xi32, #tpu.memory_space<vmem>>) target_semaphore(%run_scoped3A : memref<!tpu.dma_semaphore, #tpu.memory_space<semaphore_mem>>)
      %dma_wait3A = arith.constant 0 : i32
      %dma_wait3A_29 = tpu.memref_slice %arg3[%mul3A_4, %dma_wait3A] : memref<2560x128xi32, #tpu.memory_space<hbm>> -> memref<80x128xi32, #tpu.memory_space<hbm>>
      %dma_wait3A_30 = arith.constant 0 : i32
      %dma_wait3A_31 = tpu.memref_slice %arg3[%mul3A_4, %dma_wait3A_30] : memref<2560x128xi32, #tpu.memory_space<hbm>> -> memref<80x128xi32, #tpu.memory_space<hbm>>
      tpu.wait_dma2 semaphore(%run_scoped3A : memref<!tpu.dma_semaphore, #tpu.memory_space<semaphore_mem>>) src(%dma_wait3A_31 : memref<80x128xi32, #tpu.memory_space<hbm>>) dst(%arg11 : memref<80x128xi32, #tpu.memory_space<vmem>>)
      tpu.yield
    }) : () -> ()
    %scan3A = arith.constant 0 : i32
    %scan3A_5 = arith.constant 0 : i32
    %scan3A_6 = arith.constant 10 : i32
    %scan3A_7 = arith.addi %scan3A_5, %scan3A_6 : i32
    %scan3A_8 = arith.constant 1 : i32
    %scan3A_9 = scf.for %scan3A_26 = %scan3A_5 to %scan3A_7 step %scan3A_8 iter_args(%scan3A_27 = %scan3A) -> (i32)  : i32 {
      %mul3A_28 = arith.constant 8 : i32
      %mul3A_29 = arith.muli %scan3A_26, %mul3A_28 : i32
      %add3A_30 = arith.constant 0 : i32
      %add3A_31 = arith.addi %mul3A_29, %add3A_30 : i32
      %dma_start3A = arith.constant 0 : i32
      %dma_start3A_32 = tpu.memref_slice %arg10[%add3A_31, %dma_start3A] : memref<80x128xi32, #tpu.memory_space<vmem>> -> memref<1x128xi32, #tpu.memory_space<vmem>>
      %dma_start3A_33 = tpu.memref_squeeze %dma_start3A_32 : memref<1x128xi32, #tpu.memory_space<vmem>> -> memref<128xi32, #tpu.memory_space<vmem>>
      %dma_start3A_34 = arith.constant 0 : i32
      %dma_start3A_35 = tpu.memref_slice %arg13[%dma_start3A_34] : memref<10240xf32, #tpu.memory_space<vmem_shared>> -> memref<10240xf32, #tpu.memory_space<vmem_shared>>
      tpu.enqueue_indirect_dma source(%arg12 : memref<128xf32, #tpu.memory_space<vmem>>) target(%dma_start3A_35 : memref<10240xf32, #tpu.memory_space<vmem_shared>>) offsets(%dma_start3A_33 : memref<128xi32, #tpu.memory_space<vmem>>) semaphore(%arg15 : memref<!tpu.dma_semaphore, #tpu.memory_space<semaphore_mem>>) {add = true}
      %dma_start3A_36 = arith.constant 0 : i32
      %dma_start3A_37 = tpu.memref_slice %arg11[%add3A_31, %dma_start3A_36] : memref<80x128xi32, #tpu.memory_space<vmem>> -> memref<1x128xi32, #tpu.memory_space<vmem>>
      %dma_start3A_38 = tpu.memref_squeeze %dma_start3A_37 : memref<1x128xi32, #tpu.memory_space<vmem>> -> memref<128xi32, #tpu.memory_space<vmem>>
      %dma_start3A_39 = arith.constant 0 : i32
      %dma_start3A_40 = tpu.memref_slice %arg14[%dma_start3A_39] : memref<10240xf32, #tpu.memory_space<vmem_shared>> -> memref<10240xf32, #tpu.memory_space<vmem_shared>>
      tpu.enqueue_indirect_dma source(%arg12 : memref<128xf32, #tpu.memory_space<vmem>>) target(%dma_start3A_40 : memref<10240xf32, #tpu.memory_space<vmem_shared>>) offsets(%dma_start3A_38 : memref<128xi32, #tpu.memory_space<vmem>>) semaphore(%arg15 : memref<!tpu.dma_semaphore, #tpu.memory_space<semaphore_mem>>) {add = true}
      %mul3A_41 = arith.constant 8 : i32
      %mul3A_42 = arith.muli %scan3A_26, %mul3A_41 : i32
      %add3A_43 = arith.constant 1 : i32
      %add3A_44 = arith.addi %mul3A_42, %add3A_43 : i32
      %dma_start3A_45 = arith.constant 0 : i32
      %dma_start3A_46 = tpu.memref_slice %arg10[%add3A_44, %dma_start3A_45] : memref<80x128xi32, #tpu.memory_space<vmem>> -> memref<1x128xi32, #tpu.memory_space<vmem>>
      %dma_start3A_47 = tpu.memref_squeeze %dma_start3A_46 : memref<1x128xi32, #tpu.memory_space<vmem>> -> memref<128xi32, #tpu.memory_space<vmem>>
      %dma_start3A_48 = arith.constant 0 : i32
      %dma_start3A_49 = tpu.memref_slice %arg13[%dma_start3A_48] : memref<10240xf32, #tpu.memory_space<vmem_shared>> -> memref<10240xf32, #tpu.memory_space<vmem_shared>>
      tpu.enqueue_indirect_dma source(%arg12 : memref<128xf32, #tpu.memory_space<vmem>>) target(%dma_start3A_49 : memref<10240xf32, #tpu.memory_space<vmem_shared>>) offsets(%dma_start3A_47 : memref<128xi32, #tpu.memory_space<vmem>>) semaphore(%arg15 : memref<!tpu.dma_semaphore, #tpu.memory_space<semaphore_mem>>) {add = true}
      %dma_start3A_50 = arith.constant 0 : i32
      %dma_start3A_51 = tpu.memref_slice %arg11[%add3A_44, %dma_start3A_50] : memref<80x128xi32, #tpu.memory_space<vmem>> -> memref<1x128xi32, #tpu.memory_space<vmem>>
      %dma_start3A_52 = tpu.memref_squeeze %dma_start3A_51 : memref<1x128xi32, #tpu.memory_space<vmem>> -> memref<128xi32, #tpu.memory_space<vmem>>
      %dma_start3A_53 = arith.constant 0 : i32
      %dma_start3A_54 = tpu.memref_slice %arg14[%dma_start3A_53] : memref<10240xf32, #tpu.memory_space<vmem_shared>> -> memref<10240xf32, #tpu.memory_space<vmem_shared>>
      tpu.enqueue_indirect_dma source(%arg12 : memref<128xf32, #tpu.memory_space<vmem>>) target(%dma_start3A_54 : memref<10240xf32, #tpu.memory_space<vmem_shared>>) offsets(%dma_start3A_52 : memref<128xi32, #tpu.memory_space<vmem>>) semaphore(%arg15 : memref<!tpu.dma_semaphore, #tpu.memory_space<semaphore_mem>>) {add = true}
      %mul3A_55 = arith.constant 8 : i32
      %mul3A_56 = arith.muli %scan3A_26, %mul3A_55 : i32
      %add3A_57 = arith.constant 2 : i32
      %add3A_58 = arith.addi %mul3A_56, %add3A_57 : i32
      %dma_start3A_59 = arith.constant 0 : i32
      %dma_start3A_60 = tpu.memref_slice %arg10[%add3A_58, %dma_start3A_59] : memref<80x128xi32, #tpu.memory_space<vmem>> -> memref<1x128xi32, #tpu.memory_space<vmem>>
      %dma_start3A_61 = tpu.memref_squeeze %dma_start3A_60 : memref<1x128xi32, #tpu.memory_space<vmem>> -> memref<128xi32, #tpu.memory_space<vmem>>
      %dma_start3A_62 = arith.constant 0 : i32
      %dma_start3A_63 = tpu.memref_slice %arg13[%dma_start3A_62] : memref<10240xf32, #tpu.memory_space<vmem_shared>> -> memref<10240xf32, #tpu.memory_space<vmem_shared>>
      tpu.enqueue_indirect_dma source(%arg12 : memref<128xf32, #tpu.memory_space<vmem>>) target(%dma_start3A_63 : memref<10240xf32, #tpu.memory_space<vmem_shared>>) offsets(%dma_start3A_61 : memref<128xi32, #tpu.memory_space<vmem>>) semaphore(%arg15 : memref<!tpu.dma_semaphore, #tpu.memory_space<semaphore_mem>>) {add = true}
      %dma_start3A_64 = arith.constant 0 : i32
      %dma_start3A_65 = tpu.memref_slice %arg11[%add3A_58, %dma_start3A_64] : memref<80x128xi32, #tpu.memory_space<vmem>> -> memref<1x128xi32, #tpu.memory_space<vmem>>
      %dma_start3A_66 = tpu.memref_squeeze %dma_start3A_65 : memref<1x128xi32, #tpu.memory_space<vmem>> -> memref<128xi32, #tpu.memory_space<vmem>>
      %dma_start3A_67 = arith.constant 0 : i32
      %dma_start3A_68 = tpu.memref_slice %arg14[%dma_start3A_67] : memref<10240xf32, #tpu.memory_space<vmem_shared>> -> memref<10240xf32, #tpu.memory_space<vmem_shared>>
      tpu.enqueue_indirect_dma source(%arg12 : memref<128xf32, #tpu.memory_space<vmem>>) target(%dma_start3A_68 : memref<10240xf32, #tpu.memory_space<vmem_shared>>) offsets(%dma_start3A_66 : memref<128xi32, #tpu.memory_space<vmem>>) semaphore(%arg15 : memref<!tpu.dma_semaphore, #tpu.memory_space<semaphore_mem>>) {add = true}
      %mul3A_69 = arith.constant 8 : i32
      %mul3A_70 = arith.muli %scan3A_26, %mul3A_69 : i32
      %add3A_71 = arith.constant 3 : i32
      %add3A_72 = arith.addi %mul3A_70, %add3A_71 : i32
      %dma_start3A_73 = arith.constant 0 : i32
      %dma_start3A_74 = tpu.memref_slice %arg10[%add3A_72, %dma_start3A_73] : memref<80x128xi32, #tpu.memory_space<vmem>> -> memref<1x128xi32, #tpu.memory_space<vmem>>
      %dma_start3A_75 = tpu.memref_squeeze %dma_start3A_74 : memref<1x128xi32, #tpu.memory_space<vmem>> -> memref<128xi32, #tpu.memory_space<vmem>>
      %dma_start3A_76 = arith.constant 0 : i32
      %dma_start3A_77 = tpu.memref_slice %arg13[%dma_start3A_76] : memref<10240xf32, #tpu.memory_space<vmem_shared>> -> memref<10240xf32, #tpu.memory_space<vmem_shared>>
      tpu.enqueue_indirect_dma source(%arg12 : memref<128xf32, #tpu.memory_space<vmem>>) target(%dma_start3A_77 : memref<10240xf32, #tpu.memory_space<vmem_shared>>) offsets(%dma_start3A_75 : memref<128xi32, #tpu.memory_space<vmem>>) semaphore(%arg15 : memref<!tpu.dma_semaphore, #tpu.memory_space<semaphore_mem>>) {add = true}
      %dma_start3A_78 = arith.constant 0 : i32
      %dma_start3A_79 = tpu.memref_slice %arg11[%add3A_72, %dma_start3A_78] : memref<80x128xi32, #tpu.memory_space<vmem>> -> memref<1x128xi32, #tpu.memory_space<vmem>>
      %dma_start3A_80 = tpu.memref_squeeze %dma_start3A_79 : memref<1x128xi32, #tpu.memory_space<vmem>> -> memref<128xi32, #tpu.memory_space<vmem>>
      %dma_start3A_81 = arith.constant 0 : i32
      %dma_start3A_82 = tpu.memref_slice %arg14[%dma_start3A_81] : memref<10240xf32, #tpu.memory_space<vmem_shared>> -> memref<10240xf32, #tpu.memory_space<vmem_shared>>
      tpu.enqueue_indirect_dma source(%arg12 : memref<128xf32, #tpu.memory_space<vmem>>) target(%dma_start3A_82 : memref<10240xf32, #tpu.memory_space<vmem_shared>>) offsets(%dma_start3A_80 : memref<128xi32, #tpu.memory_space<vmem>>) semaphore(%arg15 : memref<!tpu.dma_semaphore, #tpu.memory_space<semaphore_mem>>) {add = true}
      %mul3A_83 = arith.constant 8 : i32
      %mul3A_84 = arith.muli %scan3A_26, %mul3A_83 : i32
      %add3A_85 = arith.constant 4 : i32
      %add3A_86 = arith.addi %mul3A_84, %add3A_85 : i32
      %dma_start3A_87 = arith.constant 0 : i32
      %dma_start3A_88 = tpu.memref_slice %arg10[%add3A_86, %dma_start3A_87] : memref<80x128xi32, #tpu.memory_space<vmem>> -> memref<1x128xi32, #tpu.memory_space<vmem>>
      %dma_start3A_89 = tpu.memref_squeeze %dma_start3A_88 : memref<1x128xi32, #tpu.memory_space<vmem>> -> memref<128xi32, #tpu.memory_space<vmem>>
      %dma_start3A_90 = arith.constant 0 : i32
      %dma_start3A_91 = tpu.memref_slice %arg13[%dma_start3A_90] : memref<10240xf32, #tpu.memory_space<vmem_shared>> -> memref<10240xf32, #tpu.memory_space<vmem_shared>>
      tpu.enqueue_indirect_dma source(%arg12 : memref<128xf32, #tpu.memory_space<vmem>>) target(%dma_start3A_91 : memref<10240xf32, #tpu.memory_space<vmem_shared>>) offsets(%dma_start3A_89 : memref<128xi32, #tpu.memory_space<vmem>>) semaphore(%arg15 : memref<!tpu.dma_semaphore, #tpu.memory_space<semaphore_mem>>) {add = true}
      %dma_start3A_92 = arith.constant 0 : i32
      %dma_start3A_93 = tpu.memref_slice %arg11[%add3A_86, %dma_start3A_92] : memref<80x128xi32, #tpu.memory_space<vmem>> -> memref<1x128xi32, #tpu.memory_space<vmem>>
      %dma_start3A_94 = tpu.memref_squeeze %dma_start3A_93 : memref<1x128xi32, #tpu.memory_space<vmem>> -> memref<128xi32, #tpu.memory_space<vmem>>
      %dma_start3A_95 = arith.constant 0 : i32
      %dma_start3A_96 = tpu.memref_slice %arg14[%dma_start3A_95] : memref<10240xf32, #tpu.memory_space<vmem_shared>> -> memref<10240xf32, #tpu.memory_space<vmem_shared>>
      tpu.enqueue_indirect_dma source(%arg12 : memref<128xf32, #tpu.memory_space<vmem>>) target(%dma_start3A_96 : memref<10240xf32, #tpu.memory_space<vmem_shared>>) offsets(%dma_start3A_94 : memref<128xi32, #tpu.memory_space<vmem>>) semaphore(%arg15 : memref<!tpu.dma_semaphore, #tpu.memory_space<semaphore_mem>>) {add = true}
      %mul3A_97 = arith.constant 8 : i32
      %mul3A_98 = arith.muli %scan3A_26, %mul3A_97 : i32
      %add3A_99 = arith.constant 5 : i32
      %add3A_100 = arith.addi %mul3A_98, %add3A_99 : i32
      %dma_start3A_101 = arith.constant 0 : i32
      %dma_start3A_102 = tpu.memref_slice %arg10[%add3A_100, %dma_start3A_101] : memref<80x128xi32, #tpu.memory_space<vmem>> -> memref<1x128xi32, #tpu.memory_space<vmem>>
      %dma_start3A_103 = tpu.memref_squeeze %dma_start3A_102 : memref<1x128xi32, #tpu.memory_space<vmem>> -> memref<128xi32, #tpu.memory_space<vmem>>
      %dma_start3A_104 = arith.constant 0 : i32
      %dma_start3A_105 = tpu.memref_slice %arg13[%dma_start3A_104] : memref<10240xf32, #tpu.memory_space<vmem_shared>> -> memref<10240xf32, #tpu.memory_space<vmem_shared>>
      tpu.enqueue_indirect_dma source(%arg12 : memref<128xf32, #tpu.memory_space<vmem>>) target(%dma_start3A_105 : memref<10240xf32, #tpu.memory_space<vmem_shared>>) offsets(%dma_start3A_103 : memref<128xi32, #tpu.memory_space<vmem>>) semaphore(%arg15 : memref<!tpu.dma_semaphore, #tpu.memory_space<semaphore_mem>>) {add = true}
      %dma_start3A_106 = arith.constant 0 : i32
      %dma_start3A_107 = tpu.memref_slice %arg11[%add3A_100, %dma_start3A_106] : memref<80x128xi32, #tpu.memory_space<vmem>> -> memref<1x128xi32, #tpu.memory_space<vmem>>
      %dma_start3A_108 = tpu.memref_squeeze %dma_start3A_107 : memref<1x128xi32, #tpu.memory_space<vmem>> -> memref<128xi32, #tpu.memory_space<vmem>>
      %dma_start3A_109 = arith.constant 0 : i32
      %dma_start3A_110 = tpu.memref_slice %arg14[%dma_start3A_109] : memref<10240xf32, #tpu.memory_space<vmem_shared>> -> memref<10240xf32, #tpu.memory_space<vmem_shared>>
      tpu.enqueue_indirect_dma source(%arg12 : memref<128xf32, #tpu.memory_space<vmem>>) target(%dma_start3A_110 : memref<10240xf32, #tpu.memory_space<vmem_shared>>) offsets(%dma_start3A_108 : memref<128xi32, #tpu.memory_space<vmem>>) semaphore(%arg15 : memref<!tpu.dma_semaphore, #tpu.memory_space<semaphore_mem>>) {add = true}
      %mul3A_111 = arith.constant 8 : i32
      %mul3A_112 = arith.muli %scan3A_26, %mul3A_111 : i32
      %add3A_113 = arith.constant 6 : i32
      %add3A_114 = arith.addi %mul3A_112, %add3A_113 : i32
      %dma_start3A_115 = arith.constant 0 : i32
      %dma_start3A_116 = tpu.memref_slice %arg10[%add3A_114, %dma_start3A_115] : memref<80x128xi32, #tpu.memory_space<vmem>> -> memref<1x128xi32, #tpu.memory_space<vmem>>
      %dma_start3A_117 = tpu.memref_squeeze %dma_start3A_116 : memref<1x128xi32, #tpu.memory_space<vmem>> -> memref<128xi32, #tpu.memory_space<vmem>>
      %dma_start3A_118 = arith.constant 0 : i32
      %dma_start3A_119 = tpu.memref_slice %arg13[%dma_start3A_118] : memref<10240xf32, #tpu.memory_space<vmem_shared>> -> memref<10240xf32, #tpu.memory_space<vmem_shared>>
      tpu.enqueue_indirect_dma source(%arg12 : memref<128xf32, #tpu.memory_space<vmem>>) target(%dma_start3A_119 : memref<10240xf32, #tpu.memory_space<vmem_shared>>) offsets(%dma_start3A_117 : memref<128xi32, #tpu.memory_space<vmem>>) semaphore(%arg15 : memref<!tpu.dma_semaphore, #tpu.memory_space<semaphore_mem>>) {add = true}
      %dma_start3A_120 = arith.constant 0 : i32
      %dma_start3A_121 = tpu.memref_slice %arg11[%add3A_114, %dma_start3A_120] : memref<80x128xi32, #tpu.memory_space<vmem>> -> memref<1x128xi32, #tpu.memory_space<vmem>>
      %dma_start3A_122 = tpu.memref_squeeze %dma_start3A_121 : memref<1x128xi32, #tpu.memory_space<vmem>> -> memref<128xi32, #tpu.memory_space<vmem>>
      %dma_start3A_123 = arith.constant 0 : i32
      %dma_start3A_124 = tpu.memref_slice %arg14[%dma_start3A_123] : memref<10240xf32, #tpu.memory_space<vmem_shared>> -> memref<10240xf32, #tpu.memory_space<vmem_shared>>
      tpu.enqueue_indirect_dma source(%arg12 : memref<128xf32, #tpu.memory_space<vmem>>) target(%dma_start3A_124 : memref<10240xf32, #tpu.memory_space<vmem_shared>>) offsets(%dma_start3A_122 : memref<128xi32, #tpu.memory_space<vmem>>) semaphore(%arg15 : memref<!tpu.dma_semaphore, #tpu.memory_space<semaphore_mem>>) {add = true}
      %mul3A_125 = arith.constant 8 : i32
      %mul3A_126 = arith.muli %scan3A_26, %mul3A_125 : i32
      %add3A_127 = arith.constant 7 : i32
      %add3A_128 = arith.addi %mul3A_126, %add3A_127 : i32
      %dma_start3A_129 = arith.constant 0 : i32
      %dma_start3A_130 = tpu.memref_slice %arg10[%add3A_128, %dma_start3A_129] : memref<80x128xi32, #tpu.memory_space<vmem>> -> memref<1x128xi32, #tpu.memory_space<vmem>>
      %dma_start3A_131 = tpu.memref_squeeze %dma_start3A_130 : memref<1x128xi32, #tpu.memory_space<vmem>> -> memref<128xi32, #tpu.memory_space<vmem>>
      %dma_start3A_132 = arith.constant 0 : i32
      %dma_start3A_133 = tpu.memref_slice %arg13[%dma_start3A_132] : memref<10240xf32, #tpu.memory_space<vmem_shared>> -> memref<10240xf32, #tpu.memory_space<vmem_shared>>
      tpu.enqueue_indirect_dma source(%arg12 : memref<128xf32, #tpu.memory_space<vmem>>) target(%dma_start3A_133 : memref<10240xf32, #tpu.memory_space<vmem_shared>>) offsets(%dma_start3A_131 : memref<128xi32, #tpu.memory_space<vmem>>) semaphore(%arg15 : memref<!tpu.dma_semaphore, #tpu.memory_space<semaphore_mem>>) {add = true}
      %dma_start3A_134 = arith.constant 0 : i32
      %dma_start3A_135 = tpu.memref_slice %arg11[%add3A_128, %dma_start3A_134] : memref<80x128xi32, #tpu.memory_space<vmem>> -> memref<1x128xi32, #tpu.memory_space<vmem>>
      %dma_start3A_136 = tpu.memref_squeeze %dma_start3A_135 : memref<1x128xi32, #tpu.memory_space<vmem>> -> memref<128xi32, #tpu.memory_space<vmem>>
      %dma_start3A_137 = arith.constant 0 : i32
      %dma_start3A_138 = tpu.memref_slice %arg14[%dma_start3A_137] : memref<10240xf32, #tpu.memory_space<vmem_shared>> -> memref<10240xf32, #tpu.memory_space<vmem_shared>>
      tpu.enqueue_indirect_dma source(%arg12 : memref<128xf32, #tpu.memory_space<vmem>>) target(%dma_start3A_138 : memref<10240xf32, #tpu.memory_space<vmem_shared>>) offsets(%dma_start3A_136 : memref<128xi32, #tpu.memory_space<vmem>>) semaphore(%arg15 : memref<!tpu.dma_semaphore, #tpu.memory_space<semaphore_mem>>) {add = true}
      %scan3A_139 = arith.constant 0 : i32
      scf.yield %scan3A_139 : i32
    }
    %scan3A_10 = arith.constant 10 : i32
    %scan3A_11 = arith.constant 0 : i32
    %scan3A_12 = arith.constant 0 : i32
    %scan3A_13 = arith.constant 10 : i32
    %scan3A_14 = arith.addi %scan3A_12, %scan3A_13 : i32
    %scan3A_15 = arith.constant 1 : i32
    %scan3A_16 = scf.for %scan3A_26 = %scan3A_12 to %scan3A_14 step %scan3A_15 iter_args(%scan3A_27 = %scan3A_11) -> (i32)  : i32 {
      %dma_wait3A = arith.constant 0 : i32
      %dma_wait3A_28 = tpu.memref_slice %arg5[%dma_wait3A] : memref<640xf32, #tpu.memory_space<hbm>> -> memref<128xf32, #tpu.memory_space<hbm>>
      %dma_wait3A_29 = arith.constant 0 : i32
      %dma_wait3A_30 = tpu.memref_slice %arg5[%dma_wait3A_29] : memref<640xf32, #tpu.memory_space<hbm>> -> memref<128xf32, #tpu.memory_space<hbm>>
      tpu.wait_dma2 semaphore(%arg15 : memref<!tpu.dma_semaphore, #tpu.memory_space<semaphore_mem>>) src(%dma_wait3A_30 : memref<128xf32, #tpu.memory_space<hbm>>) dst(%arg12 : memref<128xf32, #tpu.memory_space<vmem>>)
      %dma_wait3A_31 = arith.constant 0 : i32
      %dma_wait3A_32 = tpu.memref_slice %arg5[%dma_wait3A_31] : memref<640xf32, #tpu.memory_space<hbm>> -> memref<128xf32, #tpu.memory_space<hbm>>
      %dma_wait3A_33 = arith.constant 0 : i32
      %dma_wait3A_34 = tpu.memref_slice %arg5[%dma_wait3A_33] : memref<640xf32, #tpu.memory_space<hbm>> -> memref<128xf32, #tpu.memory_space<hbm>>
      tpu.wait_dma2 semaphore(%arg15 : memref<!tpu.dma_semaphore, #tpu.memory_space<semaphore_mem>>) src(%dma_wait3A_34 : memref<128xf32, #tpu.memory_space<hbm>>) dst(%arg12 : memref<128xf32, #tpu.memory_space<vmem>>)
      %dma_wait3A_35 = arith.constant 0 : i32
      %dma_wait3A_36 = tpu.memref_slice %arg5[%dma_wait3A_35] : memref<640xf32, #tpu.memory_space<hbm>> -> memref<128xf32, #tpu.memory_space<hbm>>
      %dma_wait3A_37 = arith.constant 0 : i32
      %dma_wait3A_38 = tpu.memref_slice %arg5[%dma_wait3A_37] : memref<640xf32, #tpu.memory_space<hbm>> -> memref<128xf32, #tpu.memory_space<hbm>>
      tpu.wait_dma2 semaphore(%arg15 : memref<!tpu.dma_semaphore, #tpu.memory_space<semaphore_mem>>) src(%dma_wait3A_38 : memref<128xf32, #tpu.memory_space<hbm>>) dst(%arg12 : memref<128xf32, #tpu.memory_space<vmem>>)
      %dma_wait3A_39 = arith.constant 0 : i32
      %dma_wait3A_40 = tpu.memref_slice %arg5[%dma_wait3A_39] : memref<640xf32, #tpu.memory_space<hbm>> -> memref<128xf32, #tpu.memory_space<hbm>>
      %dma_wait3A_41 = arith.constant 0 : i32
      %dma_wait3A_42 = tpu.memref_slice %arg5[%dma_wait3A_41] : memref<640xf32, #tpu.memory_space<hbm>> -> memref<128xf32, #tpu.memory_space<hbm>>
      tpu.wait_dma2 semaphore(%arg15 : memref<!tpu.dma_semaphore, #tpu.memory_space<semaphore_mem>>) src(%dma_wait3A_42 : memref<128xf32, #tpu.memory_space<hbm>>) dst(%arg12 : memref<128xf32, #tpu.memory_space<vmem>>)
      %dma_wait3A_43 = arith.constant 0 : i32
      %dma_wait3A_44 = tpu.memref_slice %arg5[%dma_wait3A_43] : memref<640xf32, #tpu.memory_space<hbm>> -> memref<128xf32, #tpu.memory_space<hbm>>
      %dma_wait3A_45 = arith.constant 0 : i32
      %dma_wait3A_46 = tpu.memref_slice %arg5[%dma_wait3A_45] : memref<640xf32, #tpu.memory_space<hbm>> -> memref<128xf32, #tpu.memory_space<hbm>>
      tpu.wait_dma2 semaphore(%arg15 : memref<!tpu.dma_semaphore, #tpu.memory_space<semaphore_mem>>) src(%dma_wait3A_46 : memref<128xf32, #tpu.memory_space<hbm>>) dst(%arg12 : memref<128xf32, #tpu.memory_space<vmem>>)
      %dma_wait3A_47 = arith.constant 0 : i32
      %dma_wait3A_48 = tpu.memref_slice %arg5[%dma_wait3A_47] : memref<640xf32, #tpu.memory_space<hbm>> -> memref<128xf32, #tpu.memory_space<hbm>>
      %dma_wait3A_49 = arith.constant 0 : i32
      %dma_wait3A_50 = tpu.memref_slice %arg5[%dma_wait3A_49] : memref<640xf32, #tpu.memory_space<hbm>> -> memref<128xf32, #tpu.memory_space<hbm>>
      tpu.wait_dma2 semaphore(%arg15 : memref<!tpu.dma_semaphore, #tpu.memory_space<semaphore_mem>>) src(%dma_wait3A_50 : memref<128xf32, #tpu.memory_space<hbm>>) dst(%arg12 : memref<128xf32, #tpu.memory_space<vmem>>)
      %dma_wait3A_51 = arith.constant 0 : i32
      %dma_wait3A_52 = tpu.memref_slice %arg5[%dma_wait3A_51] : memref<640xf32, #tpu.memory_space<hbm>> -> memref<128xf32, #tpu.memory_space<hbm>>
      %dma_wait3A_53 = arith.constant 0 : i32
      %dma_wait3A_54 = tpu.memref_slice %arg5[%dma_wait3A_53] : memref<640xf32, #tpu.memory_space<hbm>> -> memref<128xf32, #tpu.memory_space<hbm>>
      tpu.wait_dma2 semaphore(%arg15 : memref<!tpu.dma_semaphore, #tpu.memory_space<semaphore_mem>>) src(%dma_wait3A_54 : memref<128xf32, #tpu.memory_space<hbm>>) dst(%arg12 : memref<128xf32, #tpu.memory_space<vmem>>)
      %dma_wait3A_55 = arith.constant 0 : i32
      %dma_wait3A_56 = tpu.memref_slice %arg5[%dma_wait3A_55] : memref<640xf32, #tpu.memory_space<hbm>> -> memref<128xf32, #tpu.memory_space<hbm>>
      %dma_wait3A_57 = arith.constant 0 : i32
      %dma_wait3A_58 = tpu.memref_slice %arg5[%dma_wait3A_57] : memref<640xf32, #tpu.memory_space<hbm>> -> memref<128xf32, #tpu.memory_space<hbm>>
      tpu.wait_dma2 semaphore(%arg15 : memref<!tpu.dma_semaphore, #tpu.memory_space<semaphore_mem>>) src(%dma_wait3A_58 : memref<128xf32, #tpu.memory_space<hbm>>) dst(%arg12 : memref<128xf32, #tpu.memory_space<vmem>>)
      %dma_wait3A_59 = arith.constant 0 : i32
      %dma_wait3A_60 = tpu.memref_slice %arg5[%dma_wait3A_59] : memref<640xf32, #tpu.memory_space<hbm>> -> memref<128xf32, #tpu.memory_space<hbm>>
      %dma_wait3A_61 = arith.constant 0 : i32
      %dma_wait3A_62 = tpu.memref_slice %arg5[%dma_wait3A_61] : memref<640xf32, #tpu.memory_space<hbm>> -> memref<128xf32, #tpu.memory_space<hbm>>
      tpu.wait_dma2 semaphore(%arg15 : memref<!tpu.dma_semaphore, #tpu.memory_space<semaphore_mem>>) src(%dma_wait3A_62 : memref<128xf32, #tpu.memory_space<hbm>>) dst(%arg12 : memref<128xf32, #tpu.memory_space<vmem>>)
      %dma_wait3A_63 = arith.constant 0 : i32
      %dma_wait3A_64 = tpu.memref_slice %arg5[%dma_wait3A_63] : memref<640xf32, #tpu.memory_space<hbm>> -> memref<128xf32, #tpu.memory_space<hbm>>
      %dma_wait3A_65 = arith.constant 0 : i32
      %dma_wait3A_66 = tpu.memref_slice %arg5[%dma_wait3A_65] : memref<640xf32, #tpu.memory_space<hbm>> -> memref<128xf32, #tpu.memory_space<hbm>>
      tpu.wait_dma2 semaphore(%arg15 : memref<!tpu.dma_semaphore, #tpu.memory_space<semaphore_mem>>) src(%dma_wait3A_66 : memref<128xf32, #tpu.memory_space<hbm>>) dst(%arg12 : memref<128xf32, #tpu.memory_space<vmem>>)
      %dma_wait3A_67 = arith.constant 0 : i32
      %dma_wait3A_68 = tpu.memref_slice %arg5[%dma_wait3A_67] : memref<640xf32, #tpu.memory_space<hbm>> -> memref<128xf32, #tpu.memory_space<hbm>>
      %dma_wait3A_69 = arith.constant 0 : i32
      %dma_wait3A_70 = tpu.memref_slice %arg5[%dma_wait3A_69] : memref<640xf32, #tpu.memory_space<hbm>> -> memref<128xf32, #tpu.memory_space<hbm>>
      tpu.wait_dma2 semaphore(%arg15 : memref<!tpu.dma_semaphore, #tpu.memory_space<semaphore_mem>>) src(%dma_wait3A_70 : memref<128xf32, #tpu.memory_space<hbm>>) dst(%arg12 : memref<128xf32, #tpu.memory_space<vmem>>)
      %dma_wait3A_71 = arith.constant 0 : i32
      %dma_wait3A_72 = tpu.memref_slice %arg5[%dma_wait3A_71] : memref<640xf32, #tpu.memory_space<hbm>> -> memref<128xf32, #tpu.memory_space<hbm>>
      %dma_wait3A_73 = arith.constant 0 : i32
      %dma_wait3A_74 = tpu.memref_slice %arg5[%dma_wait3A_73] : memref<640xf32, #tpu.memory_space<hbm>> -> memref<128xf32, #tpu.memory_space<hbm>>
      tpu.wait_dma2 semaphore(%arg15 : memref<!tpu.dma_semaphore, #tpu.memory_space<semaphore_mem>>) src(%dma_wait3A_74 : memref<128xf32, #tpu.memory_space<hbm>>) dst(%arg12 : memref<128xf32, #tpu.memory_space<vmem>>)
      %dma_wait3A_75 = arith.constant 0 : i32
      %dma_wait3A_76 = tpu.memref_slice %arg5[%dma_wait3A_75] : memref<640xf32, #tpu.memory_space<hbm>> -> memref<128xf32, #tpu.memory_space<hbm>>
      %dma_wait3A_77 = arith.constant 0 : i32
      %dma_wait3A_78 = tpu.memref_slice %arg5[%dma_wait3A_77] : memref<640xf32, #tpu.memory_space<hbm>> -> memref<128xf32, #tpu.memory_space<hbm>>
      tpu.wait_dma2 semaphore(%arg15 : memref<!tpu.dma_semaphore, #tpu.memory_space<semaphore_mem>>) src(%dma_wait3A_78 : memref<128xf32, #tpu.memory_space<hbm>>) dst(%arg12 : memref<128xf32, #tpu.memory_space<vmem>>)
      %dma_wait3A_79 = arith.constant 0 : i32
      %dma_wait3A_80 = tpu.memref_slice %arg5[%dma_wait3A_79] : memref<640xf32, #tpu.memory_space<hbm>> -> memref<128xf32, #tpu.memory_space<hbm>>
      %dma_wait3A_81 = arith.constant 0 : i32
      %dma_wait3A_82 = tpu.memref_slice %arg5[%dma_wait3A_81] : memref<640xf32, #tpu.memory_space<hbm>> -> memref<128xf32, #tpu.memory_space<hbm>>
      tpu.wait_dma2 semaphore(%arg15 : memref<!tpu.dma_semaphore, #tpu.memory_space<semaphore_mem>>) src(%dma_wait3A_82 : memref<128xf32, #tpu.memory_space<hbm>>) dst(%arg12 : memref<128xf32, #tpu.memory_space<vmem>>)
      %dma_wait3A_83 = arith.constant 0 : i32
      %dma_wait3A_84 = tpu.memref_slice %arg5[%dma_wait3A_83] : memref<640xf32, #tpu.memory_space<hbm>> -> memref<128xf32, #tpu.memory_space<hbm>>
      %dma_wait3A_85 = arith.constant 0 : i32
      %dma_wait3A_86 = tpu.memref_slice %arg5[%dma_wait3A_85] : memref<640xf32, #tpu.memory_space<hbm>> -> memref<128xf32, #tpu.memory_space<hbm>>
      tpu.wait_dma2 semaphore(%arg15 : memref<!tpu.dma_semaphore, #tpu.memory_space<semaphore_mem>>) src(%dma_wait3A_86 : memref<128xf32, #tpu.memory_space<hbm>>) dst(%arg12 : memref<128xf32, #tpu.memory_space<vmem>>)
      %dma_wait3A_87 = arith.constant 0 : i32
      %dma_wait3A_88 = tpu.memref_slice %arg5[%dma_wait3A_87] : memref<640xf32, #tpu.memory_space<hbm>> -> memref<128xf32, #tpu.memory_space<hbm>>
      %dma_wait3A_89 = arith.constant 0 : i32
      %dma_wait3A_90 = tpu.memref_slice %arg5[%dma_wait3A_89] : memref<640xf32, #tpu.memory_space<hbm>> -> memref<128xf32, #tpu.memory_space<hbm>>
      tpu.wait_dma2 semaphore(%arg15 : memref<!tpu.dma_semaphore, #tpu.memory_space<semaphore_mem>>) src(%dma_wait3A_90 : memref<128xf32, #tpu.memory_space<hbm>>) dst(%arg12 : memref<128xf32, #tpu.memory_space<vmem>>)
      %scan3A_91 = arith.constant 0 : i32
      scf.yield %scan3A_91 : i32
    }
    %scan3A_17 = arith.constant 10 : i32
    %barrier3A_18 = arith.constant 0 : index
    tpu.barrier barrier_id(%barrier3A_18)
    %eq3A = arith.constant 0 : i32
    %eq3A_19 = arith.cmpi eq, %arg0, %eq3A : i32
    %convert_element_type3A = arith.extui %eq3A_19 : i1 to i32
    %cond3A = arith.constant 0 : i32
    %cond3A_20 = arith.cmpi ne, %convert_element_type3A, %cond3A : i32
    scf.if %cond3A_20 {
      "tpu.region"() ({
        %run_scoped3A = tpu.sem_alloc : memref<!tpu.dma_semaphore, #tpu.memory_space<semaphore_mem>>
        %dma_start3A = tpu.memref_slice %arg6[%mul3A_2] : memref<10240xf32, #tpu.memory_space<hbm>> -> memref<640xf32, #tpu.memory_space<hbm>>
        %dma_start3A_26 = tpu.memref_slice %arg13[%mul3A_2] : memref<10240xf32, #tpu.memory_space<vmem_shared>> -> memref<640xf32, #tpu.memory_space<vmem_shared>>
        tpu.enqueue_dma source(%dma_start3A_26 : memref<640xf32, #tpu.memory_space<vmem_shared>>) target(%dma_start3A : memref<640xf32, #tpu.memory_space<hbm>>) target_semaphore(%run_scoped3A : memref<!tpu.dma_semaphore, #tpu.memory_space<semaphore_mem>>)
        %dma_wait3A = tpu.memref_slice %arg6[%mul3A_2] : memref<10240xf32, #tpu.memory_space<hbm>> -> memref<640xf32, #tpu.memory_space<hbm>>
        %dma_wait3A_27 = tpu.memref_slice %arg13[%mul3A_2] : memref<10240xf32, #tpu.memory_space<vmem_shared>> -> memref<640xf32, #tpu.memory_space<vmem_shared>>
        tpu.wait_dma2 semaphore(%run_scoped3A : memref<!tpu.dma_semaphore, #tpu.memory_space<semaphore_mem>>) src(%dma_wait3A_27 : memref<640xf32, #tpu.memory_space<vmem_shared>>) dst(%dma_wait3A : memref<640xf32, #tpu.memory_space<hbm>>)
        tpu.yield
      }) : () -> ()
      "tpu.region"() ({
        %run_scoped3A = tpu.sem_alloc : memref<!tpu.dma_semaphore, #tpu.memory_space<semaphore_mem>>
        %dma_start3A = tpu.memref_slice %arg7[%mul3A_2] : memref<10240xf32, #tpu.memory_space<hbm>> -> memref<640xf32, #tpu.memory_space<hbm>>
        %dma_start3A_26 = tpu.memref_slice %arg14[%mul3A_2] : memref<10240xf32, #tpu.memory_space<vmem_shared>> -> memref<640xf32, #tpu.memory_space<vmem_shared>>
        tpu.enqueue_dma source(%dma_start3A_26 : memref<640xf32, #tpu.memory_space<vmem_shared>>) target(%dma_start3A : memref<640xf32, #tpu.memory_space<hbm>>) target_semaphore(%run_scoped3A : memref<!tpu.dma_semaphore, #tpu.memory_space<semaphore_mem>>)
        %dma_wait3A = tpu.memref_slice %arg7[%mul3A_2] : memref<10240xf32, #tpu.memory_space<hbm>> -> memref<640xf32, #tpu.memory_space<hbm>>
        %dma_wait3A_27 = tpu.memref_slice %arg14[%mul3A_2] : memref<10240xf32, #tpu.memory_space<vmem_shared>> -> memref<640xf32, #tpu.memory_space<vmem_shared>>
        tpu.wait_dma2 semaphore(%run_scoped3A : memref<!tpu.dma_semaphore, #tpu.memory_space<semaphore_mem>>) src(%dma_wait3A_27 : memref<640xf32, #tpu.memory_space<vmem_shared>>) dst(%dma_wait3A : memref<640xf32, #tpu.memory_space<hbm>>)
        tpu.yield
      }) : () -> ()
    } else {
    }
    %eq3A_21 = arith.constant 1 : i32
    %eq3A_22 = arith.cmpi eq, %arg0, %eq3A_21 : i32
    %convert_element_type3A_23 = arith.extui %eq3A_22 : i1 to i32
    %cond3A_24 = arith.constant 0 : i32
    %cond3A_25 = arith.cmpi ne, %convert_element_type3A_23, %cond3A_24 : i32
    scf.if %cond3A_25 {
      "tpu.region"() ({
        %run_scoped3A = tpu.sem_alloc : memref<!tpu.dma_semaphore, #tpu.memory_space<semaphore_mem>>
        %dma_start3A = tpu.memref_slice %arg8[%mul3A_2] : memref<10240xf32, #tpu.memory_space<hbm>> -> memref<640xf32, #tpu.memory_space<hbm>>
        %dma_start3A_26 = tpu.memref_slice %arg13[%mul3A_2] : memref<10240xf32, #tpu.memory_space<vmem_shared>> -> memref<640xf32, #tpu.memory_space<vmem_shared>>
        tpu.enqueue_dma source(%dma_start3A_26 : memref<640xf32, #tpu.memory_space<vmem_shared>>) target(%dma_start3A : memref<640xf32, #tpu.memory_space<hbm>>) target_semaphore(%run_scoped3A : memref<!tpu.dma_semaphore, #tpu.memory_space<semaphore_mem>>)
        %dma_wait3A = tpu.memref_slice %arg8[%mul3A_2] : memref<10240xf32, #tpu.memory_space<hbm>> -> memref<640xf32, #tpu.memory_space<hbm>>
        %dma_wait3A_27 = tpu.memref_slice %arg13[%mul3A_2] : memref<10240xf32, #tpu.memory_space<vmem_shared>> -> memref<640xf32, #tpu.memory_space<vmem_shared>>
        tpu.wait_dma2 semaphore(%run_scoped3A : memref<!tpu.dma_semaphore, #tpu.memory_space<semaphore_mem>>) src(%dma_wait3A_27 : memref<640xf32, #tpu.memory_space<vmem_shared>>) dst(%dma_wait3A : memref<640xf32, #tpu.memory_space<hbm>>)
        tpu.yield
      }) : () -> ()
      "tpu.region"() ({
        %run_scoped3A = tpu.sem_alloc : memref<!tpu.dma_semaphore, #tpu.memory_space<semaphore_mem>>
        %dma_start3A = tpu.memref_slice %arg9[%mul3A_2] : memref<10240xf32, #tpu.memory_space<hbm>> -> memref<640xf32, #tpu.memory_space<hbm>>
        %dma_start3A_26 = tpu.memref_slice %arg14[%mul3A_2] : memref<10240xf32, #tpu.memory_space<vmem_shared>> -> memref<640xf32, #tpu.memory_space<vmem_shared>>
        tpu.enqueue_dma source(%dma_start3A_26 : memref<640xf32, #tpu.memory_space<vmem_shared>>) target(%dma_start3A : memref<640xf32, #tpu.memory_space<hbm>>) target_semaphore(%run_scoped3A : memref<!tpu.dma_semaphore, #tpu.memory_space<semaphore_mem>>)
        %dma_wait3A = tpu.memref_slice %arg9[%mul3A_2] : memref<10240xf32, #tpu.memory_space<hbm>> -> memref<640xf32, #tpu.memory_space<hbm>>
        %dma_wait3A_27 = tpu.memref_slice %arg14[%mul3A_2] : memref<10240xf32, #tpu.memory_space<vmem_shared>> -> memref<640xf32, #tpu.memory_space<vmem_shared>>
        tpu.wait_dma2 semaphore(%run_scoped3A : memref<!tpu.dma_semaphore, #tpu.memory_space<semaphore_mem>>) src(%dma_wait3A_27 : memref<640xf32, #tpu.memory_space<vmem_shared>>) dst(%dma_wait3A : memref<640xf32, #tpu.memory_space<hbm>>)
        tpu.yield
      }) : () -> ()
    } else {
    }
    return
  }
}

#map = affine_map<(d0, d1) -> (0, 0)>
module attributes {stable_mosaic.version = 14 : i64} {
  func.func @_message_sc(%arg0: i32, %arg1: i32, %arg2: memref<10240x128xf32, #tpu.memory_space<hbm>>, %arg3: memref<2560x128xi32, #tpu.memory_space<hbm>>, %arg4: memref<2560x128xi32, #tpu.memory_space<hbm>>, %arg5: memref<640x128xf32, #tpu.memory_space<hbm>>, %arg6: memref<10000x128xf32, #tpu.memory_space<hbm>>, %arg7: memref<10000x128xf32, #tpu.memory_space<hbm>>, %arg8: memref<40x128xi32, #tpu.memory_space<vmem>>, %arg9: memref<40x128xi32, #tpu.memory_space<vmem>>, %arg10: memref<2x128x128xf32, #tpu.memory_space<vmem>>, %arg11: memref<10064x128xf32, #tpu.memory_space<vmem_shared>>, %arg12: memref<!tpu.dma_semaphore, #tpu.memory_space<semaphore_mem>>, %arg13: memref<!tpu.dma_semaphore, #tpu.memory_space<semaphore_mem>>, %arg14: memref<!tpu.dma_semaphore, #tpu.memory_space<semaphore_mem>>, %arg15: memref<!tpu.dma_semaphore, #tpu.memory_space<semaphore_mem>>) attributes {dimension_semantics = [#tpu.dimension_semantics<core_parallel>, #tpu.dimension_semantics<subcore_parallel>], iteration_bounds = array<i64: 2, 16>, scalar_prefetch = 0 : i64, scratch_operands = 8 : i64, tpu.core_type = #tpu.core_type<sc_vector_subcore>, window_params = [{transform_indices = #map}, {transform_indices = #map}, {transform_indices = #map}, {transform_indices = #map}, {transform_indices = #map}, {transform_indices = #map}]} {
    %mul3A = arith.constant 2 : i32
    %mul3A_0 = arith.muli %arg1, %mul3A : i32
    %add3A = arith.addi %mul3A_0, %arg0 : i32
    %mul3A_1 = arith.constant 624 : i32
    %mul3A_2 = arith.muli %arg1, %mul3A_1 : i32
    %mul3A_3 = arith.constant 80 : i32
    %mul3A_4 = arith.muli %add3A, %mul3A_3 : i32
    "tpu.region"() ({
      %run_scoped3A = tpu.sem_alloc : memref<!tpu.dma_semaphore, #tpu.memory_space<semaphore_mem>>
      %dma_start3A_164 = arith.constant 0 : i32
      %dma_start3A_165 = tpu.memref_slice %arg3[%mul3A_4, %dma_start3A_164] : memref<2560x128xi32, #tpu.memory_space<hbm>> -> memref<40x128xi32, #tpu.memory_space<hbm>>
      %dma_start3A_166 = arith.constant 0 : i32
      %dma_start3A_167 = tpu.memref_slice %arg3[%mul3A_4, %dma_start3A_166] : memref<2560x128xi32, #tpu.memory_space<hbm>> -> memref<40x128xi32, #tpu.memory_space<hbm>>
      tpu.enqueue_dma source(%dma_start3A_167 : memref<40x128xi32, #tpu.memory_space<hbm>>) target(%arg8 : memref<40x128xi32, #tpu.memory_space<vmem>>) target_semaphore(%run_scoped3A : memref<!tpu.dma_semaphore, #tpu.memory_space<semaphore_mem>>)
      %dma_wait3A_168 = arith.constant 0 : i32
      %dma_wait3A_169 = tpu.memref_slice %arg3[%mul3A_4, %dma_wait3A_168] : memref<2560x128xi32, #tpu.memory_space<hbm>> -> memref<40x128xi32, #tpu.memory_space<hbm>>
      %dma_wait3A_170 = arith.constant 0 : i32
      %dma_wait3A_171 = tpu.memref_slice %arg3[%mul3A_4, %dma_wait3A_170] : memref<2560x128xi32, #tpu.memory_space<hbm>> -> memref<40x128xi32, #tpu.memory_space<hbm>>
      tpu.wait_dma2 semaphore(%run_scoped3A : memref<!tpu.dma_semaphore, #tpu.memory_space<semaphore_mem>>) src(%dma_wait3A_171 : memref<40x128xi32, #tpu.memory_space<hbm>>) dst(%arg8 : memref<40x128xi32, #tpu.memory_space<vmem>>)
      tpu.yield
    }) : () -> ()
    "tpu.region"() ({
      %run_scoped3A = tpu.sem_alloc : memref<!tpu.dma_semaphore, #tpu.memory_space<semaphore_mem>>
      %dma_start3A_164 = arith.constant 0 : i32
      %dma_start3A_165 = tpu.memref_slice %arg4[%mul3A_4, %dma_start3A_164] : memref<2560x128xi32, #tpu.memory_space<hbm>> -> memref<40x128xi32, #tpu.memory_space<hbm>>
      %dma_start3A_166 = arith.constant 0 : i32
      %dma_start3A_167 = tpu.memref_slice %arg4[%mul3A_4, %dma_start3A_166] : memref<2560x128xi32, #tpu.memory_space<hbm>> -> memref<40x128xi32, #tpu.memory_space<hbm>>
      tpu.enqueue_dma source(%dma_start3A_167 : memref<40x128xi32, #tpu.memory_space<hbm>>) target(%arg9 : memref<40x128xi32, #tpu.memory_space<vmem>>) target_semaphore(%run_scoped3A : memref<!tpu.dma_semaphore, #tpu.memory_space<semaphore_mem>>)
      %dma_wait3A_168 = arith.constant 0 : i32
      %dma_wait3A_169 = tpu.memref_slice %arg4[%mul3A_4, %dma_wait3A_168] : memref<2560x128xi32, #tpu.memory_space<hbm>> -> memref<40x128xi32, #tpu.memory_space<hbm>>
      %dma_wait3A_170 = arith.constant 0 : i32
      %dma_wait3A_171 = tpu.memref_slice %arg4[%mul3A_4, %dma_wait3A_170] : memref<2560x128xi32, #tpu.memory_space<hbm>> -> memref<40x128xi32, #tpu.memory_space<hbm>>
      tpu.wait_dma2 semaphore(%run_scoped3A : memref<!tpu.dma_semaphore, #tpu.memory_space<semaphore_mem>>) src(%dma_wait3A_171 : memref<40x128xi32, #tpu.memory_space<hbm>>) dst(%arg9 : memref<40x128xi32, #tpu.memory_space<vmem>>)
      tpu.yield
    }) : () -> ()
    %dma_start3A = arith.constant 0 : i32
    %dma_start3A_5 = arith.constant 0 : i32
    %dma_start3A_6 = arith.constant 0 : i32
    %dma_start3A_7 = arith.constant 0 : i32
    %dma_start3A_8 = tpu.memref_slice %arg10[%dma_start3A_5, %dma_start3A_6, %dma_start3A_7] : memref<2x128x128xf32, #tpu.memory_space<vmem>> -> memref<1x128x128xf32, #tpu.memory_space<vmem>>
    %dma_start3A_9 = tpu.memref_squeeze %dma_start3A_8 : memref<1x128x128xf32, #tpu.memory_space<vmem>> -> memref<128x128xf32, #tpu.memory_space<vmem>>
    %dma_start3A_10 = arith.constant 0 : i32
    %dma_start3A_11 = tpu.memref_slice %arg8[%dma_start3A, %dma_start3A_10] : memref<40x128xi32, #tpu.memory_space<vmem>> -> memref<1x128xi32, #tpu.memory_space<vmem>>
    %dma_start3A_12 = tpu.memref_squeeze %dma_start3A_11 : memref<1x128xi32, #tpu.memory_space<vmem>> -> memref<128xi32, #tpu.memory_space<vmem>>
    %dma_start3A_13 = arith.constant 0 : i32
    %dma_start3A_14 = arith.constant 0 : i32
    %dma_start3A_15 = tpu.memref_slice %arg2[%dma_start3A_13, %dma_start3A_14] : memref<10240x128xf32, #tpu.memory_space<hbm>> -> memref<10240x128xf32, #tpu.memory_space<hbm>>
    tpu.enqueue_indirect_dma source(%dma_start3A_15 : memref<10240x128xf32, #tpu.memory_space<hbm>>) target(%dma_start3A_9 : memref<128x128xf32, #tpu.memory_space<vmem>>) offsets(%dma_start3A_12 : memref<128xi32, #tpu.memory_space<vmem>>) semaphore(%arg12 : memref<!tpu.dma_semaphore, #tpu.memory_space<semaphore_mem>>)
    %eq3A = arith.constant 0 : i32
    %eq3A_16 = arith.cmpi eq, %arg0, %eq3A : i32
    %eq3A_17 = arith.constant 15 : i32
    %eq3A_18 = arith.cmpi eq, %arg1, %eq3A_17 : i32
    %and3A = arith.andi %eq3A_16, %eq3A_18 : i1
    %convert_element_type3A = arith.extui %and3A : i1 to i32
    %cond3A = arith.constant 0 : i32
    %cond3A_19 = arith.cmpi ne, %convert_element_type3A, %cond3A : i32
    scf.if %cond3A_19 {
      "tpu.region"() ({
        %run_scoped3A = tpu.sem_alloc : memref<!tpu.dma_semaphore, #tpu.memory_space<semaphore_mem>>
        %dma_start3A_164 = arith.constant 0 : i32
        %dma_start3A_165 = tpu.memref_slice %arg11[%mul3A_2, %dma_start3A_164] : memref<10064x128xf32, #tpu.memory_space<vmem_shared>> -> memref<640x128xf32, #tpu.memory_space<vmem_shared>>
        %dma_start3A_166 = arith.constant 0 : i32
        %dma_start3A_167 = tpu.memref_slice %arg2[%mul3A_2, %dma_start3A_166] : memref<10240x128xf32, #tpu.memory_space<hbm>> -> memref<640x128xf32, #tpu.memory_space<hbm>>
        tpu.enqueue_dma source(%dma_start3A_167 : memref<640x128xf32, #tpu.memory_space<hbm>>) target(%dma_start3A_165 : memref<640x128xf32, #tpu.memory_space<vmem_shared>>) target_semaphore(%run_scoped3A : memref<!tpu.dma_semaphore, #tpu.memory_space<semaphore_mem>>)
        %dma_wait3A_168 = arith.constant 0 : i32
        %dma_wait3A_169 = tpu.memref_slice %arg11[%mul3A_2, %dma_wait3A_168] : memref<10064x128xf32, #tpu.memory_space<vmem_shared>> -> memref<640x128xf32, #tpu.memory_space<vmem_shared>>
        %dma_wait3A_170 = arith.constant 0 : i32
        %dma_wait3A_171 = tpu.memref_slice %arg2[%mul3A_2, %dma_wait3A_170] : memref<10240x128xf32, #tpu.memory_space<hbm>> -> memref<640x128xf32, #tpu.memory_space<hbm>>
        tpu.wait_dma2 semaphore(%run_scoped3A : memref<!tpu.dma_semaphore, #tpu.memory_space<semaphore_mem>>) src(%dma_wait3A_171 : memref<640x128xf32, #tpu.memory_space<hbm>>) dst(%dma_wait3A_169 : memref<640x128xf32, #tpu.memory_space<vmem_shared>>)
        tpu.yield
      }) : () -> ()
    } else {
    }
    %eq3A_20 = arith.constant 0 : i32
    %eq3A_21 = arith.cmpi eq, %arg0, %eq3A_20 : i32
    %ne3A = arith.constant 15 : i32
    %ne3A_22 = arith.cmpi ne, %arg1, %ne3A : i32
    %and3A_23 = arith.andi %eq3A_21, %ne3A_22 : i1
    %convert_element_type3A_24 = arith.extui %and3A_23 : i1 to i32
    %cond3A_25 = arith.constant 0 : i32
    %cond3A_26 = arith.cmpi ne, %convert_element_type3A_24, %cond3A_25 : i32
    scf.if %cond3A_26 {
      "tpu.region"() ({
        %run_scoped3A = tpu.sem_alloc : memref<!tpu.dma_semaphore, #tpu.memory_space<semaphore_mem>>
        %dma_start3A_164 = arith.constant 0 : i32
        %dma_start3A_165 = tpu.memref_slice %arg11[%mul3A_2, %dma_start3A_164] : memref<10064x128xf32, #tpu.memory_space<vmem_shared>> -> memref<624x128xf32, #tpu.memory_space<vmem_shared>>
        %dma_start3A_166 = arith.constant 0 : i32
        %dma_start3A_167 = tpu.memref_slice %arg2[%mul3A_2, %dma_start3A_166] : memref<10240x128xf32, #tpu.memory_space<hbm>> -> memref<624x128xf32, #tpu.memory_space<hbm>>
        tpu.enqueue_dma source(%dma_start3A_167 : memref<624x128xf32, #tpu.memory_space<hbm>>) target(%dma_start3A_165 : memref<624x128xf32, #tpu.memory_space<vmem_shared>>) target_semaphore(%run_scoped3A : memref<!tpu.dma_semaphore, #tpu.memory_space<semaphore_mem>>)
        %dma_wait3A_168 = arith.constant 0 : i32
        %dma_wait3A_169 = tpu.memref_slice %arg11[%mul3A_2, %dma_wait3A_168] : memref<10064x128xf32, #tpu.memory_space<vmem_shared>> -> memref<624x128xf32, #tpu.memory_space<vmem_shared>>
        %dma_wait3A_170 = arith.constant 0 : i32
        %dma_wait3A_171 = tpu.memref_slice %arg2[%mul3A_2, %dma_wait3A_170] : memref<10240x128xf32, #tpu.memory_space<hbm>> -> memref<624x128xf32, #tpu.memory_space<hbm>>
        tpu.wait_dma2 semaphore(%run_scoped3A : memref<!tpu.dma_semaphore, #tpu.memory_space<semaphore_mem>>) src(%dma_wait3A_171 : memref<624x128xf32, #tpu.memory_space<hbm>>) dst(%dma_wait3A_169 : memref<624x128xf32, #tpu.memory_space<vmem_shared>>)
        tpu.yield
      }) : () -> ()
    } else {
    }
    %eq3A_27 = arith.constant 1 : i32
    %eq3A_28 = arith.cmpi eq, %arg0, %eq3A_27 : i32
    %eq3A_29 = arith.constant 15 : i32
    %eq3A_30 = arith.cmpi eq, %arg1, %eq3A_29 : i32
    %and3A_31 = arith.andi %eq3A_28, %eq3A_30 : i1
    %convert_element_type3A_32 = arith.extui %and3A_31 : i1 to i32
    %cond3A_33 = arith.constant 0 : i32
    %cond3A_34 = arith.cmpi ne, %convert_element_type3A_32, %cond3A_33 : i32
    scf.if %cond3A_34 {
      "tpu.region"() ({
        %run_scoped3A = tpu.sem_alloc : memref<!tpu.dma_semaphore, #tpu.memory_space<semaphore_mem>>
        %dma_start3A_164 = arith.constant 0 : i32
        %dma_start3A_165 = tpu.memref_slice %arg11[%mul3A_2, %dma_start3A_164] : memref<10064x128xf32, #tpu.memory_space<vmem_shared>> -> memref<640x128xf32, #tpu.memory_space<vmem_shared>>
        %dma_start3A_166 = arith.constant 0 : i32
        %dma_start3A_167 = arith.constant 0 : i32
        %dma_start3A_168 = tpu.memref_slice %arg5[%dma_start3A_166, %dma_start3A_167] : memref<640x128xf32, #tpu.memory_space<hbm>> -> memref<640x128xf32, #tpu.memory_space<hbm>>
        tpu.enqueue_dma source(%dma_start3A_168 : memref<640x128xf32, #tpu.memory_space<hbm>>) target(%dma_start3A_165 : memref<640x128xf32, #tpu.memory_space<vmem_shared>>) target_semaphore(%run_scoped3A : memref<!tpu.dma_semaphore, #tpu.memory_space<semaphore_mem>>)
        %dma_wait3A_169 = arith.constant 0 : i32
        %dma_wait3A_170 = tpu.memref_slice %arg11[%mul3A_2, %dma_wait3A_169] : memref<10064x128xf32, #tpu.memory_space<vmem_shared>> -> memref<640x128xf32, #tpu.memory_space<vmem_shared>>
        %dma_wait3A_171 = arith.constant 0 : i32
        %dma_wait3A_172 = arith.constant 0 : i32
        %dma_wait3A_173 = tpu.memref_slice %arg5[%dma_wait3A_171, %dma_wait3A_172] : memref<640x128xf32, #tpu.memory_space<hbm>> -> memref<640x128xf32, #tpu.memory_space<hbm>>
        tpu.wait_dma2 semaphore(%run_scoped3A : memref<!tpu.dma_semaphore, #tpu.memory_space<semaphore_mem>>) src(%dma_wait3A_173 : memref<640x128xf32, #tpu.memory_space<hbm>>) dst(%dma_wait3A_170 : memref<640x128xf32, #tpu.memory_space<vmem_shared>>)
        tpu.yield
      }) : () -> ()
    } else {
    }
    %eq3A_35 = arith.constant 1 : i32
    %eq3A_36 = arith.cmpi eq, %arg0, %eq3A_35 : i32
    %ne3A_37 = arith.constant 15 : i32
    %ne3A_38 = arith.cmpi ne, %arg1, %ne3A_37 : i32
    %and3A_39 = arith.andi %eq3A_36, %ne3A_38 : i1
    %convert_element_type3A_40 = arith.extui %and3A_39 : i1 to i32
    %cond3A_41 = arith.constant 0 : i32
    %cond3A_42 = arith.cmpi ne, %convert_element_type3A_40, %cond3A_41 : i32
    scf.if %cond3A_42 {
      "tpu.region"() ({
        %run_scoped3A = tpu.sem_alloc : memref<!tpu.dma_semaphore, #tpu.memory_space<semaphore_mem>>
        %dma_start3A_164 = arith.constant 0 : i32
        %dma_start3A_165 = tpu.memref_slice %arg11[%mul3A_2, %dma_start3A_164] : memref<10064x128xf32, #tpu.memory_space<vmem_shared>> -> memref<624x128xf32, #tpu.memory_space<vmem_shared>>
        %dma_start3A_166 = arith.constant 0 : i32
        %dma_start3A_167 = arith.constant 0 : i32
        %dma_start3A_168 = tpu.memref_slice %arg5[%dma_start3A_166, %dma_start3A_167] : memref<640x128xf32, #tpu.memory_space<hbm>> -> memref<624x128xf32, #tpu.memory_space<hbm>>
        tpu.enqueue_dma source(%dma_start3A_168 : memref<624x128xf32, #tpu.memory_space<hbm>>) target(%dma_start3A_165 : memref<624x128xf32, #tpu.memory_space<vmem_shared>>) target_semaphore(%run_scoped3A : memref<!tpu.dma_semaphore, #tpu.memory_space<semaphore_mem>>)
        %dma_wait3A_169 = arith.constant 0 : i32
        %dma_wait3A_170 = tpu.memref_slice %arg11[%mul3A_2, %dma_wait3A_169] : memref<10064x128xf32, #tpu.memory_space<vmem_shared>> -> memref<624x128xf32, #tpu.memory_space<vmem_shared>>
        %dma_wait3A_171 = arith.constant 0 : i32
        %dma_wait3A_172 = arith.constant 0 : i32
        %dma_wait3A_173 = tpu.memref_slice %arg5[%dma_wait3A_171, %dma_wait3A_172] : memref<640x128xf32, #tpu.memory_space<hbm>> -> memref<624x128xf32, #tpu.memory_space<hbm>>
        tpu.wait_dma2 semaphore(%run_scoped3A : memref<!tpu.dma_semaphore, #tpu.memory_space<semaphore_mem>>) src(%dma_wait3A_173 : memref<624x128xf32, #tpu.memory_space<hbm>>) dst(%dma_wait3A_170 : memref<624x128xf32, #tpu.memory_space<vmem_shared>>)
        tpu.yield
      }) : () -> ()
    } else {
    }
    %barrier3A = arith.constant 0 : index
    tpu.barrier barrier_id(%barrier3A)
    %scan3A = arith.constant 0 : i32
    %scan3A_43 = arith.constant 0 : i32
    %scan3A_44 = arith.constant 5 : i32
    %scan3A_45 = arith.addi %scan3A_43, %scan3A_44 : i32
    %scan3A_46 = arith.constant 1 : i32
    %scan3A_47 = scf.for %scan3A_164 = %scan3A_43 to %scan3A_45 step %scan3A_46 iter_args(%scan3A_165 = %scan3A) -> (i32)  : i32 {
      %mul3A_166 = arith.constant 8 : i32
      %mul3A_167 = arith.muli %scan3A_164, %mul3A_166 : i32
      %add3A_168 = arith.constant 0 : i32
      %add3A_169 = arith.addi %mul3A_167, %add3A_168 : i32
      %dma_wait3A_170 = arith.constant 0 : i32
      %dma_wait3A_171 = arith.constant 0 : i32
      %dma_wait3A_172 = arith.constant 0 : i32
      %dma_wait3A_173 = tpu.memref_slice %arg10[%dma_wait3A_170, %dma_wait3A_171, %dma_wait3A_172] : memref<2x128x128xf32, #tpu.memory_space<vmem>> -> memref<1x128x128xf32, #tpu.memory_space<vmem>>
      %dma_wait3A_174 = tpu.memref_squeeze %dma_wait3A_173 : memref<1x128x128xf32, #tpu.memory_space<vmem>> -> memref<128x128xf32, #tpu.memory_space<vmem>>
      %dma_wait3A_175 = arith.constant 0 : i32
      %dma_wait3A_176 = arith.constant 0 : i32
      %dma_wait3A_177 = tpu.memref_slice %arg2[%dma_wait3A_175, %dma_wait3A_176] : memref<10240x128xf32, #tpu.memory_space<hbm>> -> memref<128x128xf32, #tpu.memory_space<hbm>>
      %dma_wait3A_178 = arith.constant 0 : i32
      %dma_wait3A_179 = arith.constant 0 : i32
      %dma_wait3A_180 = tpu.memref_slice %arg10[%dma_wait3A_170, %dma_wait3A_178, %dma_wait3A_179] : memref<2x128x128xf32, #tpu.memory_space<vmem>> -> memref<1x128x128xf32, #tpu.memory_space<vmem>>
      %dma_wait3A_181 = tpu.memref_squeeze %dma_wait3A_180 : memref<1x128x128xf32, #tpu.memory_space<vmem>> -> memref<128x128xf32, #tpu.memory_space<vmem>>
      %dma_wait3A_182 = arith.constant 0 : i32
      %dma_wait3A_183 = arith.constant 0 : i32
      %dma_wait3A_184 = tpu.memref_slice %arg2[%dma_wait3A_182, %dma_wait3A_183] : memref<10240x128xf32, #tpu.memory_space<hbm>> -> memref<128x128xf32, #tpu.memory_space<hbm>>
      tpu.wait_dma2 semaphore(%arg12 : memref<!tpu.dma_semaphore, #tpu.memory_space<semaphore_mem>>) src(%dma_wait3A_184 : memref<128x128xf32, #tpu.memory_space<hbm>>) dst(%dma_wait3A_181 : memref<128x128xf32, #tpu.memory_space<vmem>>)
      %dma_start3A_185 = arith.constant 0 : i32
      %dma_start3A_186 = arith.constant 0 : i32
      %dma_start3A_187 = arith.constant 0 : i32
      %dma_start3A_188 = tpu.memref_slice %arg10[%dma_start3A_185, %dma_start3A_186, %dma_start3A_187] : memref<2x128x128xf32, #tpu.memory_space<vmem>> -> memref<1x128x128xf32, #tpu.memory_space<vmem>>
      %dma_start3A_189 = tpu.memref_squeeze %dma_start3A_188 : memref<1x128x128xf32, #tpu.memory_space<vmem>> -> memref<128x128xf32, #tpu.memory_space<vmem>>
      %dma_start3A_190 = arith.constant 0 : i32
      %dma_start3A_191 = tpu.memref_slice %arg9[%add3A_169, %dma_start3A_190] : memref<40x128xi32, #tpu.memory_space<vmem>> -> memref<1x128xi32, #tpu.memory_space<vmem>>
      %dma_start3A_192 = tpu.memref_squeeze %dma_start3A_191 : memref<1x128xi32, #tpu.memory_space<vmem>> -> memref<128xi32, #tpu.memory_space<vmem>>
      %dma_start3A_193 = arith.constant 0 : i32
      %dma_start3A_194 = arith.constant 0 : i32
      %dma_start3A_195 = tpu.memref_slice %arg11[%dma_start3A_193, %dma_start3A_194] : memref<10064x128xf32, #tpu.memory_space<vmem_shared>> -> memref<10064x128xf32, #tpu.memory_space<vmem_shared>>
      tpu.enqueue_indirect_dma source(%dma_start3A_189 : memref<128x128xf32, #tpu.memory_space<vmem>>) target(%dma_start3A_195 : memref<10064x128xf32, #tpu.memory_space<vmem_shared>>) offsets(%dma_start3A_192 : memref<128xi32, #tpu.memory_space<vmem>>) semaphore(%arg14 : memref<!tpu.dma_semaphore, #tpu.memory_space<semaphore_mem>>) {add = true}
      %add3A_196 = arith.constant 1 : i32
      %add3A_197 = arith.addi %add3A_169, %add3A_196 : i32
      %lt3A = arith.constant 40 : i32
      %lt3A_198 = arith.cmpi slt, %add3A_197, %lt3A : i32
      %convert_element_type3A_199 = arith.extui %lt3A_198 : i1 to i32
      %cond3A_200 = arith.constant 0 : i32
      %cond3A_201 = arith.cmpi ne, %convert_element_type3A_199, %cond3A_200 : i32
      scf.if %cond3A_201 {
        %ge3A = arith.constant 1 : i32
        %ge3A_462 = arith.cmpi sge, %add3A_169, %ge3A : i32
        %convert_element_type3A_463 = arith.extui %ge3A_462 : i1 to i32
        %cond3A_464 = arith.constant 0 : i32
        %cond3A_465 = arith.cmpi ne, %convert_element_type3A_463, %cond3A_464 : i32
        scf.if %cond3A_465 {
          %dma_wait3A_479 = arith.constant 1 : i32
          %dma_wait3A_480 = arith.constant 0 : i32
          %dma_wait3A_481 = arith.constant 0 : i32
          %dma_wait3A_482 = tpu.memref_slice %arg10[%dma_wait3A_479, %dma_wait3A_480, %dma_wait3A_481] : memref<2x128x128xf32, #tpu.memory_space<vmem>> -> memref<1x128x128xf32, #tpu.memory_space<vmem>>
          %dma_wait3A_483 = tpu.memref_squeeze %dma_wait3A_482 : memref<1x128x128xf32, #tpu.memory_space<vmem>> -> memref<128x128xf32, #tpu.memory_space<vmem>>
          %dma_wait3A_484 = arith.constant 0 : i32
          %dma_wait3A_485 = arith.constant 0 : i32
          %dma_wait3A_486 = tpu.memref_slice %arg2[%dma_wait3A_484, %dma_wait3A_485] : memref<10240x128xf32, #tpu.memory_space<hbm>> -> memref<128x128xf32, #tpu.memory_space<hbm>>
          %dma_wait3A_487 = arith.constant 0 : i32
          %dma_wait3A_488 = arith.constant 0 : i32
          %dma_wait3A_489 = tpu.memref_slice %arg10[%dma_wait3A_479, %dma_wait3A_487, %dma_wait3A_488] : memref<2x128x128xf32, #tpu.memory_space<vmem>> -> memref<1x128x128xf32, #tpu.memory_space<vmem>>
          %dma_wait3A_490 = tpu.memref_squeeze %dma_wait3A_489 : memref<1x128x128xf32, #tpu.memory_space<vmem>> -> memref<128x128xf32, #tpu.memory_space<vmem>>
          %dma_wait3A_491 = arith.constant 0 : i32
          %dma_wait3A_492 = arith.constant 0 : i32
          %dma_wait3A_493 = tpu.memref_slice %arg2[%dma_wait3A_491, %dma_wait3A_492] : memref<10240x128xf32, #tpu.memory_space<hbm>> -> memref<128x128xf32, #tpu.memory_space<hbm>>
          tpu.wait_dma2 semaphore(%arg15 : memref<!tpu.dma_semaphore, #tpu.memory_space<semaphore_mem>>) src(%dma_wait3A_493 : memref<128x128xf32, #tpu.memory_space<hbm>>) dst(%dma_wait3A_490 : memref<128x128xf32, #tpu.memory_space<vmem>>)
        } else {
        }
        %add3A_466 = arith.constant 1 : i32
        %add3A_467 = arith.addi %add3A_169, %add3A_466 : i32
        %dma_start3A_468 = arith.constant 1 : i32
        %dma_start3A_469 = arith.constant 0 : i32
        %dma_start3A_470 = arith.constant 0 : i32
        %dma_start3A_471 = tpu.memref_slice %arg10[%dma_start3A_468, %dma_start3A_469, %dma_start3A_470] : memref<2x128x128xf32, #tpu.memory_space<vmem>> -> memref<1x128x128xf32, #tpu.memory_space<vmem>>
        %dma_start3A_472 = tpu.memref_squeeze %dma_start3A_471 : memref<1x128x128xf32, #tpu.memory_space<vmem>> -> memref<128x128xf32, #tpu.memory_space<vmem>>
        %dma_start3A_473 = arith.constant 0 : i32
        %dma_start3A_474 = tpu.memref_slice %arg8[%add3A_467, %dma_start3A_473] : memref<40x128xi32, #tpu.memory_space<vmem>> -> memref<1x128xi32, #tpu.memory_space<vmem>>
        %dma_start3A_475 = tpu.memref_squeeze %dma_start3A_474 : memref<1x128xi32, #tpu.memory_space<vmem>> -> memref<128xi32, #tpu.memory_space<vmem>>
        %dma_start3A_476 = arith.constant 0 : i32
        %dma_start3A_477 = arith.constant 0 : i32
        %dma_start3A_478 = tpu.memref_slice %arg2[%dma_start3A_476, %dma_start3A_477] : memref<10240x128xf32, #tpu.memory_space<hbm>> -> memref<10240x128xf32, #tpu.memory_space<hbm>>
        tpu.enqueue_indirect_dma source(%dma_start3A_478 : memref<10240x128xf32, #tpu.memory_space<hbm>>) target(%dma_start3A_472 : memref<128x128xf32, #tpu.memory_space<vmem>>) offsets(%dma_start3A_475 : memref<128xi32, #tpu.memory_space<vmem>>) semaphore(%arg13 : memref<!tpu.dma_semaphore, #tpu.memory_space<semaphore_mem>>)
      } else {
      }
      %mul3A_202 = arith.constant 8 : i32
      %mul3A_203 = arith.muli %scan3A_164, %mul3A_202 : i32
      %add3A_204 = arith.constant 1 : i32
      %add3A_205 = arith.addi %mul3A_203, %add3A_204 : i32
      %dma_wait3A_206 = arith.constant 1 : i32
      %dma_wait3A_207 = arith.constant 0 : i32
      %dma_wait3A_208 = arith.constant 0 : i32
      %dma_wait3A_209 = tpu.memref_slice %arg10[%dma_wait3A_206, %dma_wait3A_207, %dma_wait3A_208] : memref<2x128x128xf32, #tpu.memory_space<vmem>> -> memref<1x128x128xf32, #tpu.memory_space<vmem>>
      %dma_wait3A_210 = tpu.memref_squeeze %dma_wait3A_209 : memref<1x128x128xf32, #tpu.memory_space<vmem>> -> memref<128x128xf32, #tpu.memory_space<vmem>>
      %dma_wait3A_211 = arith.constant 0 : i32
      %dma_wait3A_212 = arith.constant 0 : i32
      %dma_wait3A_213 = tpu.memref_slice %arg2[%dma_wait3A_211, %dma_wait3A_212] : memref<10240x128xf32, #tpu.memory_space<hbm>> -> memref<128x128xf32, #tpu.memory_space<hbm>>
      %dma_wait3A_214 = arith.constant 0 : i32
      %dma_wait3A_215 = arith.constant 0 : i32
      %dma_wait3A_216 = tpu.memref_slice %arg10[%dma_wait3A_206, %dma_wait3A_214, %dma_wait3A_215] : memref<2x128x128xf32, #tpu.memory_space<vmem>> -> memref<1x128x128xf32, #tpu.memory_space<vmem>>
      %dma_wait3A_217 = tpu.memref_squeeze %dma_wait3A_216 : memref<1x128x128xf32, #tpu.memory_space<vmem>> -> memref<128x128xf32, #tpu.memory_space<vmem>>
      %dma_wait3A_218 = arith.constant 0 : i32
      %dma_wait3A_219 = arith.constant 0 : i32
      %dma_wait3A_220 = tpu.memref_slice %arg2[%dma_wait3A_218, %dma_wait3A_219] : memref<10240x128xf32, #tpu.memory_space<hbm>> -> memref<128x128xf32, #tpu.memory_space<hbm>>
      tpu.wait_dma2 semaphore(%arg13 : memref<!tpu.dma_semaphore, #tpu.memory_space<semaphore_mem>>) src(%dma_wait3A_220 : memref<128x128xf32, #tpu.memory_space<hbm>>) dst(%dma_wait3A_217 : memref<128x128xf32, #tpu.memory_space<vmem>>)
      %dma_start3A_221 = arith.constant 1 : i32
      %dma_start3A_222 = arith.constant 0 : i32
      %dma_start3A_223 = arith.constant 0 : i32
      %dma_start3A_224 = tpu.memref_slice %arg10[%dma_start3A_221, %dma_start3A_222, %dma_start3A_223] : memref<2x128x128xf32, #tpu.memory_space<vmem>> -> memref<1x128x128xf32, #tpu.memory_space<vmem>>
      %dma_start3A_225 = tpu.memref_squeeze %dma_start3A_224 : memref<1x128x128xf32, #tpu.memory_space<vmem>> -> memref<128x128xf32, #tpu.memory_space<vmem>>
      %dma_start3A_226 = arith.constant 0 : i32
      %dma_start3A_227 = tpu.memref_slice %arg9[%add3A_205, %dma_start3A_226] : memref<40x128xi32, #tpu.memory_space<vmem>> -> memref<1x128xi32, #tpu.memory_space<vmem>>
      %dma_start3A_228 = tpu.memref_squeeze %dma_start3A_227 : memref<1x128xi32, #tpu.memory_space<vmem>> -> memref<128xi32, #tpu.memory_space<vmem>>
      %dma_start3A_229 = arith.constant 0 : i32
      %dma_start3A_230 = arith.constant 0 : i32
      %dma_start3A_231 = tpu.memref_slice %arg11[%dma_start3A_229, %dma_start3A_230] : memref<10064x128xf32, #tpu.memory_space<vmem_shared>> -> memref<10064x128xf32, #tpu.memory_space<vmem_shared>>
      tpu.enqueue_indirect_dma source(%dma_start3A_225 : memref<128x128xf32, #tpu.memory_space<vmem>>) target(%dma_start3A_231 : memref<10064x128xf32, #tpu.memory_space<vmem_shared>>) offsets(%dma_start3A_228 : memref<128xi32, #tpu.memory_space<vmem>>) semaphore(%arg15 : memref<!tpu.dma_semaphore, #tpu.memory_space<semaphore_mem>>) {add = true}
      %add3A_232 = arith.constant 1 : i32
      %add3A_233 = arith.addi %add3A_205, %add3A_232 : i32
      %lt3A_234 = arith.constant 40 : i32
      %lt3A_235 = arith.cmpi slt, %add3A_233, %lt3A_234 : i32
      %convert_element_type3A_236 = arith.extui %lt3A_235 : i1 to i32
      %cond3A_237 = arith.constant 0 : i32
      %cond3A_238 = arith.cmpi ne, %convert_element_type3A_236, %cond3A_237 : i32
      scf.if %cond3A_238 {
        %ge3A = arith.constant 1 : i32
        %ge3A_462 = arith.cmpi sge, %add3A_205, %ge3A : i32
        %convert_element_type3A_463 = arith.extui %ge3A_462 : i1 to i32
        %cond3A_464 = arith.constant 0 : i32
        %cond3A_465 = arith.cmpi ne, %convert_element_type3A_463, %cond3A_464 : i32
        scf.if %cond3A_465 {
          %dma_wait3A_479 = arith.constant 0 : i32
          %dma_wait3A_480 = arith.constant 0 : i32
          %dma_wait3A_481 = arith.constant 0 : i32
          %dma_wait3A_482 = tpu.memref_slice %arg10[%dma_wait3A_479, %dma_wait3A_480, %dma_wait3A_481] : memref<2x128x128xf32, #tpu.memory_space<vmem>> -> memref<1x128x128xf32, #tpu.memory_space<vmem>>
          %dma_wait3A_483 = tpu.memref_squeeze %dma_wait3A_482 : memref<1x128x128xf32, #tpu.memory_space<vmem>> -> memref<128x128xf32, #tpu.memory_space<vmem>>
          %dma_wait3A_484 = arith.constant 0 : i32
          %dma_wait3A_485 = arith.constant 0 : i32
          %dma_wait3A_486 = tpu.memref_slice %arg2[%dma_wait3A_484, %dma_wait3A_485] : memref<10240x128xf32, #tpu.memory_space<hbm>> -> memref<128x128xf32, #tpu.memory_space<hbm>>
          %dma_wait3A_487 = arith.constant 0 : i32
          %dma_wait3A_488 = arith.constant 0 : i32
          %dma_wait3A_489 = tpu.memref_slice %arg10[%dma_wait3A_479, %dma_wait3A_487, %dma_wait3A_488] : memref<2x128x128xf32, #tpu.memory_space<vmem>> -> memref<1x128x128xf32, #tpu.memory_space<vmem>>
          %dma_wait3A_490 = tpu.memref_squeeze %dma_wait3A_489 : memref<1x128x128xf32, #tpu.memory_space<vmem>> -> memref<128x128xf32, #tpu.memory_space<vmem>>
          %dma_wait3A_491 = arith.constant 0 : i32
          %dma_wait3A_492 = arith.constant 0 : i32
          %dma_wait3A_493 = tpu.memref_slice %arg2[%dma_wait3A_491, %dma_wait3A_492] : memref<10240x128xf32, #tpu.memory_space<hbm>> -> memref<128x128xf32, #tpu.memory_space<hbm>>
          tpu.wait_dma2 semaphore(%arg14 : memref<!tpu.dma_semaphore, #tpu.memory_space<semaphore_mem>>) src(%dma_wait3A_493 : memref<128x128xf32, #tpu.memory_space<hbm>>) dst(%dma_wait3A_490 : memref<128x128xf32, #tpu.memory_space<vmem>>)
        } else {
        }
        %add3A_466 = arith.constant 1 : i32
        %add3A_467 = arith.addi %add3A_205, %add3A_466 : i32
        %dma_start3A_468 = arith.constant 0 : i32
        %dma_start3A_469 = arith.constant 0 : i32
        %dma_start3A_470 = arith.constant 0 : i32
        %dma_start3A_471 = tpu.memref_slice %arg10[%dma_start3A_468, %dma_start3A_469, %dma_start3A_470] : memref<2x128x128xf32, #tpu.memory_space<vmem>> -> memref<1x128x128xf32, #tpu.memory_space<vmem>>
        %dma_start3A_472 = tpu.memref_squeeze %dma_start3A_471 : memref<1x128x128xf32, #tpu.memory_space<vmem>> -> memref<128x128xf32, #tpu.memory_space<vmem>>
        %dma_start3A_473 = arith.constant 0 : i32
        %dma_start3A_474 = tpu.memref_slice %arg8[%add3A_467, %dma_start3A_473] : memref<40x128xi32, #tpu.memory_space<vmem>> -> memref<1x128xi32, #tpu.memory_space<vmem>>
        %dma_start3A_475 = tpu.memref_squeeze %dma_start3A_474 : memref<1x128xi32, #tpu.memory_space<vmem>> -> memref<128xi32, #tpu.memory_space<vmem>>
        %dma_start3A_476 = arith.constant 0 : i32
        %dma_start3A_477 = arith.constant 0 : i32
        %dma_start3A_478 = tpu.memref_slice %arg2[%dma_start3A_476, %dma_start3A_477] : memref<10240x128xf32, #tpu.memory_space<hbm>> -> memref<10240x128xf32, #tpu.memory_space<hbm>>
        tpu.enqueue_indirect_dma source(%dma_start3A_478 : memref<10240x128xf32, #tpu.memory_space<hbm>>) target(%dma_start3A_472 : memref<128x128xf32, #tpu.memory_space<vmem>>) offsets(%dma_start3A_475 : memref<128xi32, #tpu.memory_space<vmem>>) semaphore(%arg12 : memref<!tpu.dma_semaphore, #tpu.memory_space<semaphore_mem>>)
      } else {
      }
      %mul3A_239 = arith.constant 8 : i32
      %mul3A_240 = arith.muli %scan3A_164, %mul3A_239 : i32
      %add3A_241 = arith.constant 2 : i32
      %add3A_242 = arith.addi %mul3A_240, %add3A_241 : i32
      %dma_wait3A_243 = arith.constant 0 : i32
      %dma_wait3A_244 = arith.constant 0 : i32
      %dma_wait3A_245 = arith.constant 0 : i32
      %dma_wait3A_246 = tpu.memref_slice %arg10[%dma_wait3A_243, %dma_wait3A_244, %dma_wait3A_245] : memref<2x128x128xf32, #tpu.memory_space<vmem>> -> memref<1x128x128xf32, #tpu.memory_space<vmem>>
      %dma_wait3A_247 = tpu.memref_squeeze %dma_wait3A_246 : memref<1x128x128xf32, #tpu.memory_space<vmem>> -> memref<128x128xf32, #tpu.memory_space<vmem>>
      %dma_wait3A_248 = arith.constant 0 : i32
      %dma_wait3A_249 = arith.constant 0 : i32
      %dma_wait3A_250 = tpu.memref_slice %arg2[%dma_wait3A_248, %dma_wait3A_249] : memref<10240x128xf32, #tpu.memory_space<hbm>> -> memref<128x128xf32, #tpu.memory_space<hbm>>
      %dma_wait3A_251 = arith.constant 0 : i32
      %dma_wait3A_252 = arith.constant 0 : i32
      %dma_wait3A_253 = tpu.memref_slice %arg10[%dma_wait3A_243, %dma_wait3A_251, %dma_wait3A_252] : memref<2x128x128xf32, #tpu.memory_space<vmem>> -> memref<1x128x128xf32, #tpu.memory_space<vmem>>
      %dma_wait3A_254 = tpu.memref_squeeze %dma_wait3A_253 : memref<1x128x128xf32, #tpu.memory_space<vmem>> -> memref<128x128xf32, #tpu.memory_space<vmem>>
      %dma_wait3A_255 = arith.constant 0 : i32
      %dma_wait3A_256 = arith.constant 0 : i32
      %dma_wait3A_257 = tpu.memref_slice %arg2[%dma_wait3A_255, %dma_wait3A_256] : memref<10240x128xf32, #tpu.memory_space<hbm>> -> memref<128x128xf32, #tpu.memory_space<hbm>>
      tpu.wait_dma2 semaphore(%arg12 : memref<!tpu.dma_semaphore, #tpu.memory_space<semaphore_mem>>) src(%dma_wait3A_257 : memref<128x128xf32, #tpu.memory_space<hbm>>) dst(%dma_wait3A_254 : memref<128x128xf32, #tpu.memory_space<vmem>>)
      %dma_start3A_258 = arith.constant 0 : i32
      %dma_start3A_259 = arith.constant 0 : i32
      %dma_start3A_260 = arith.constant 0 : i32
      %dma_start3A_261 = tpu.memref_slice %arg10[%dma_start3A_258, %dma_start3A_259, %dma_start3A_260] : memref<2x128x128xf32, #tpu.memory_space<vmem>> -> memref<1x128x128xf32, #tpu.memory_space<vmem>>
      %dma_start3A_262 = tpu.memref_squeeze %dma_start3A_261 : memref<1x128x128xf32, #tpu.memory_space<vmem>> -> memref<128x128xf32, #tpu.memory_space<vmem>>
      %dma_start3A_263 = arith.constant 0 : i32
      %dma_start3A_264 = tpu.memref_slice %arg9[%add3A_242, %dma_start3A_263] : memref<40x128xi32, #tpu.memory_space<vmem>> -> memref<1x128xi32, #tpu.memory_space<vmem>>
      %dma_start3A_265 = tpu.memref_squeeze %dma_start3A_264 : memref<1x128xi32, #tpu.memory_space<vmem>> -> memref<128xi32, #tpu.memory_space<vmem>>
      %dma_start3A_266 = arith.constant 0 : i32
      %dma_start3A_267 = arith.constant 0 : i32
      %dma_start3A_268 = tpu.memref_slice %arg11[%dma_start3A_266, %dma_start3A_267] : memref<10064x128xf32, #tpu.memory_space<vmem_shared>> -> memref<10064x128xf32, #tpu.memory_space<vmem_shared>>
      tpu.enqueue_indirect_dma source(%dma_start3A_262 : memref<128x128xf32, #tpu.memory_space<vmem>>) target(%dma_start3A_268 : memref<10064x128xf32, #tpu.memory_space<vmem_shared>>) offsets(%dma_start3A_265 : memref<128xi32, #tpu.memory_space<vmem>>) semaphore(%arg14 : memref<!tpu.dma_semaphore, #tpu.memory_space<semaphore_mem>>) {add = true}
      %add3A_269 = arith.constant 1 : i32
      %add3A_270 = arith.addi %add3A_242, %add3A_269 : i32
      %lt3A_271 = arith.constant 40 : i32
      %lt3A_272 = arith.cmpi slt, %add3A_270, %lt3A_271 : i32
      %convert_element_type3A_273 = arith.extui %lt3A_272 : i1 to i32
      %cond3A_274 = arith.constant 0 : i32
      %cond3A_275 = arith.cmpi ne, %convert_element_type3A_273, %cond3A_274 : i32
      scf.if %cond3A_275 {
        %ge3A = arith.constant 1 : i32
        %ge3A_462 = arith.cmpi sge, %add3A_242, %ge3A : i32
        %convert_element_type3A_463 = arith.extui %ge3A_462 : i1 to i32
        %cond3A_464 = arith.constant 0 : i32
        %cond3A_465 = arith.cmpi ne, %convert_element_type3A_463, %cond3A_464 : i32
        scf.if %cond3A_465 {
          %dma_wait3A_479 = arith.constant 1 : i32
          %dma_wait3A_480 = arith.constant 0 : i32
          %dma_wait3A_481 = arith.constant 0 : i32
          %dma_wait3A_482 = tpu.memref_slice %arg10[%dma_wait3A_479, %dma_wait3A_480, %dma_wait3A_481] : memref<2x128x128xf32, #tpu.memory_space<vmem>> -> memref<1x128x128xf32, #tpu.memory_space<vmem>>
          %dma_wait3A_483 = tpu.memref_squeeze %dma_wait3A_482 : memref<1x128x128xf32, #tpu.memory_space<vmem>> -> memref<128x128xf32, #tpu.memory_space<vmem>>
          %dma_wait3A_484 = arith.constant 0 : i32
          %dma_wait3A_485 = arith.constant 0 : i32
          %dma_wait3A_486 = tpu.memref_slice %arg2[%dma_wait3A_484, %dma_wait3A_485] : memref<10240x128xf32, #tpu.memory_space<hbm>> -> memref<128x128xf32, #tpu.memory_space<hbm>>
          %dma_wait3A_487 = arith.constant 0 : i32
          %dma_wait3A_488 = arith.constant 0 : i32
          %dma_wait3A_489 = tpu.memref_slice %arg10[%dma_wait3A_479, %dma_wait3A_487, %dma_wait3A_488] : memref<2x128x128xf32, #tpu.memory_space<vmem>> -> memref<1x128x128xf32, #tpu.memory_space<vmem>>
          %dma_wait3A_490 = tpu.memref_squeeze %dma_wait3A_489 : memref<1x128x128xf32, #tpu.memory_space<vmem>> -> memref<128x128xf32, #tpu.memory_space<vmem>>
          %dma_wait3A_491 = arith.constant 0 : i32
          %dma_wait3A_492 = arith.constant 0 : i32
          %dma_wait3A_493 = tpu.memref_slice %arg2[%dma_wait3A_491, %dma_wait3A_492] : memref<10240x128xf32, #tpu.memory_space<hbm>> -> memref<128x128xf32, #tpu.memory_space<hbm>>
          tpu.wait_dma2 semaphore(%arg15 : memref<!tpu.dma_semaphore, #tpu.memory_space<semaphore_mem>>) src(%dma_wait3A_493 : memref<128x128xf32, #tpu.memory_space<hbm>>) dst(%dma_wait3A_490 : memref<128x128xf32, #tpu.memory_space<vmem>>)
        } else {
        }
        %add3A_466 = arith.constant 1 : i32
        %add3A_467 = arith.addi %add3A_242, %add3A_466 : i32
        %dma_start3A_468 = arith.constant 1 : i32
        %dma_start3A_469 = arith.constant 0 : i32
        %dma_start3A_470 = arith.constant 0 : i32
        %dma_start3A_471 = tpu.memref_slice %arg10[%dma_start3A_468, %dma_start3A_469, %dma_start3A_470] : memref<2x128x128xf32, #tpu.memory_space<vmem>> -> memref<1x128x128xf32, #tpu.memory_space<vmem>>
        %dma_start3A_472 = tpu.memref_squeeze %dma_start3A_471 : memref<1x128x128xf32, #tpu.memory_space<vmem>> -> memref<128x128xf32, #tpu.memory_space<vmem>>
        %dma_start3A_473 = arith.constant 0 : i32
        %dma_start3A_474 = tpu.memref_slice %arg8[%add3A_467, %dma_start3A_473] : memref<40x128xi32, #tpu.memory_space<vmem>> -> memref<1x128xi32, #tpu.memory_space<vmem>>
        %dma_start3A_475 = tpu.memref_squeeze %dma_start3A_474 : memref<1x128xi32, #tpu.memory_space<vmem>> -> memref<128xi32, #tpu.memory_space<vmem>>
        %dma_start3A_476 = arith.constant 0 : i32
        %dma_start3A_477 = arith.constant 0 : i32
        %dma_start3A_478 = tpu.memref_slice %arg2[%dma_start3A_476, %dma_start3A_477] : memref<10240x128xf32, #tpu.memory_space<hbm>> -> memref<10240x128xf32, #tpu.memory_space<hbm>>
        tpu.enqueue_indirect_dma source(%dma_start3A_478 : memref<10240x128xf32, #tpu.memory_space<hbm>>) target(%dma_start3A_472 : memref<128x128xf32, #tpu.memory_space<vmem>>) offsets(%dma_start3A_475 : memref<128xi32, #tpu.memory_space<vmem>>) semaphore(%arg13 : memref<!tpu.dma_semaphore, #tpu.memory_space<semaphore_mem>>)
      } else {
      }
      %mul3A_276 = arith.constant 8 : i32
      %mul3A_277 = arith.muli %scan3A_164, %mul3A_276 : i32
      %add3A_278 = arith.constant 3 : i32
      %add3A_279 = arith.addi %mul3A_277, %add3A_278 : i32
      %dma_wait3A_280 = arith.constant 1 : i32
      %dma_wait3A_281 = arith.constant 0 : i32
      %dma_wait3A_282 = arith.constant 0 : i32
      %dma_wait3A_283 = tpu.memref_slice %arg10[%dma_wait3A_280, %dma_wait3A_281, %dma_wait3A_282] : memref<2x128x128xf32, #tpu.memory_space<vmem>> -> memref<1x128x128xf32, #tpu.memory_space<vmem>>
      %dma_wait3A_284 = tpu.memref_squeeze %dma_wait3A_283 : memref<1x128x128xf32, #tpu.memory_space<vmem>> -> memref<128x128xf32, #tpu.memory_space<vmem>>
      %dma_wait3A_285 = arith.constant 0 : i32
      %dma_wait3A_286 = arith.constant 0 : i32
      %dma_wait3A_287 = tpu.memref_slice %arg2[%dma_wait3A_285, %dma_wait3A_286] : memref<10240x128xf32, #tpu.memory_space<hbm>> -> memref<128x128xf32, #tpu.memory_space<hbm>>
      %dma_wait3A_288 = arith.constant 0 : i32
      %dma_wait3A_289 = arith.constant 0 : i32
      %dma_wait3A_290 = tpu.memref_slice %arg10[%dma_wait3A_280, %dma_wait3A_288, %dma_wait3A_289] : memref<2x128x128xf32, #tpu.memory_space<vmem>> -> memref<1x128x128xf32, #tpu.memory_space<vmem>>
      %dma_wait3A_291 = tpu.memref_squeeze %dma_wait3A_290 : memref<1x128x128xf32, #tpu.memory_space<vmem>> -> memref<128x128xf32, #tpu.memory_space<vmem>>
      %dma_wait3A_292 = arith.constant 0 : i32
      %dma_wait3A_293 = arith.constant 0 : i32
      %dma_wait3A_294 = tpu.memref_slice %arg2[%dma_wait3A_292, %dma_wait3A_293] : memref<10240x128xf32, #tpu.memory_space<hbm>> -> memref<128x128xf32, #tpu.memory_space<hbm>>
      tpu.wait_dma2 semaphore(%arg13 : memref<!tpu.dma_semaphore, #tpu.memory_space<semaphore_mem>>) src(%dma_wait3A_294 : memref<128x128xf32, #tpu.memory_space<hbm>>) dst(%dma_wait3A_291 : memref<128x128xf32, #tpu.memory_space<vmem>>)
      %dma_start3A_295 = arith.constant 1 : i32
      %dma_start3A_296 = arith.constant 0 : i32
      %dma_start3A_297 = arith.constant 0 : i32
      %dma_start3A_298 = tpu.memref_slice %arg10[%dma_start3A_295, %dma_start3A_296, %dma_start3A_297] : memref<2x128x128xf32, #tpu.memory_space<vmem>> -> memref<1x128x128xf32, #tpu.memory_space<vmem>>
      %dma_start3A_299 = tpu.memref_squeeze %dma_start3A_298 : memref<1x128x128xf32, #tpu.memory_space<vmem>> -> memref<128x128xf32, #tpu.memory_space<vmem>>
      %dma_start3A_300 = arith.constant 0 : i32
      %dma_start3A_301 = tpu.memref_slice %arg9[%add3A_279, %dma_start3A_300] : memref<40x128xi32, #tpu.memory_space<vmem>> -> memref<1x128xi32, #tpu.memory_space<vmem>>
      %dma_start3A_302 = tpu.memref_squeeze %dma_start3A_301 : memref<1x128xi32, #tpu.memory_space<vmem>> -> memref<128xi32, #tpu.memory_space<vmem>>
      %dma_start3A_303 = arith.constant 0 : i32
      %dma_start3A_304 = arith.constant 0 : i32
      %dma_start3A_305 = tpu.memref_slice %arg11[%dma_start3A_303, %dma_start3A_304] : memref<10064x128xf32, #tpu.memory_space<vmem_shared>> -> memref<10064x128xf32, #tpu.memory_space<vmem_shared>>
      tpu.enqueue_indirect_dma source(%dma_start3A_299 : memref<128x128xf32, #tpu.memory_space<vmem>>) target(%dma_start3A_305 : memref<10064x128xf32, #tpu.memory_space<vmem_shared>>) offsets(%dma_start3A_302 : memref<128xi32, #tpu.memory_space<vmem>>) semaphore(%arg15 : memref<!tpu.dma_semaphore, #tpu.memory_space<semaphore_mem>>) {add = true}
      %add3A_306 = arith.constant 1 : i32
      %add3A_307 = arith.addi %add3A_279, %add3A_306 : i32
      %lt3A_308 = arith.constant 40 : i32
      %lt3A_309 = arith.cmpi slt, %add3A_307, %lt3A_308 : i32
      %convert_element_type3A_310 = arith.extui %lt3A_309 : i1 to i32
      %cond3A_311 = arith.constant 0 : i32
      %cond3A_312 = arith.cmpi ne, %convert_element_type3A_310, %cond3A_311 : i32
      scf.if %cond3A_312 {
        %ge3A = arith.constant 1 : i32
        %ge3A_462 = arith.cmpi sge, %add3A_279, %ge3A : i32
        %convert_element_type3A_463 = arith.extui %ge3A_462 : i1 to i32
        %cond3A_464 = arith.constant 0 : i32
        %cond3A_465 = arith.cmpi ne, %convert_element_type3A_463, %cond3A_464 : i32
        scf.if %cond3A_465 {
          %dma_wait3A_479 = arith.constant 0 : i32
          %dma_wait3A_480 = arith.constant 0 : i32
          %dma_wait3A_481 = arith.constant 0 : i32
          %dma_wait3A_482 = tpu.memref_slice %arg10[%dma_wait3A_479, %dma_wait3A_480, %dma_wait3A_481] : memref<2x128x128xf32, #tpu.memory_space<vmem>> -> memref<1x128x128xf32, #tpu.memory_space<vmem>>
          %dma_wait3A_483 = tpu.memref_squeeze %dma_wait3A_482 : memref<1x128x128xf32, #tpu.memory_space<vmem>> -> memref<128x128xf32, #tpu.memory_space<vmem>>
          %dma_wait3A_484 = arith.constant 0 : i32
          %dma_wait3A_485 = arith.constant 0 : i32
          %dma_wait3A_486 = tpu.memref_slice %arg2[%dma_wait3A_484, %dma_wait3A_485] : memref<10240x128xf32, #tpu.memory_space<hbm>> -> memref<128x128xf32, #tpu.memory_space<hbm>>
          %dma_wait3A_487 = arith.constant 0 : i32
          %dma_wait3A_488 = arith.constant 0 : i32
          %dma_wait3A_489 = tpu.memref_slice %arg10[%dma_wait3A_479, %dma_wait3A_487, %dma_wait3A_488] : memref<2x128x128xf32, #tpu.memory_space<vmem>> -> memref<1x128x128xf32, #tpu.memory_space<vmem>>
          %dma_wait3A_490 = tpu.memref_squeeze %dma_wait3A_489 : memref<1x128x128xf32, #tpu.memory_space<vmem>> -> memref<128x128xf32, #tpu.memory_space<vmem>>
          %dma_wait3A_491 = arith.constant 0 : i32
          %dma_wait3A_492 = arith.constant 0 : i32
          %dma_wait3A_493 = tpu.memref_slice %arg2[%dma_wait3A_491, %dma_wait3A_492] : memref<10240x128xf32, #tpu.memory_space<hbm>> -> memref<128x128xf32, #tpu.memory_space<hbm>>
          tpu.wait_dma2 semaphore(%arg14 : memref<!tpu.dma_semaphore, #tpu.memory_space<semaphore_mem>>) src(%dma_wait3A_493 : memref<128x128xf32, #tpu.memory_space<hbm>>) dst(%dma_wait3A_490 : memref<128x128xf32, #tpu.memory_space<vmem>>)
        } else {
        }
        %add3A_466 = arith.constant 1 : i32
        %add3A_467 = arith.addi %add3A_279, %add3A_466 : i32
        %dma_start3A_468 = arith.constant 0 : i32
        %dma_start3A_469 = arith.constant 0 : i32
        %dma_start3A_470 = arith.constant 0 : i32
        %dma_start3A_471 = tpu.memref_slice %arg10[%dma_start3A_468, %dma_start3A_469, %dma_start3A_470] : memref<2x128x128xf32, #tpu.memory_space<vmem>> -> memref<1x128x128xf32, #tpu.memory_space<vmem>>
        %dma_start3A_472 = tpu.memref_squeeze %dma_start3A_471 : memref<1x128x128xf32, #tpu.memory_space<vmem>> -> memref<128x128xf32, #tpu.memory_space<vmem>>
        %dma_start3A_473 = arith.constant 0 : i32
        %dma_start3A_474 = tpu.memref_slice %arg8[%add3A_467, %dma_start3A_473] : memref<40x128xi32, #tpu.memory_space<vmem>> -> memref<1x128xi32, #tpu.memory_space<vmem>>
        %dma_start3A_475 = tpu.memref_squeeze %dma_start3A_474 : memref<1x128xi32, #tpu.memory_space<vmem>> -> memref<128xi32, #tpu.memory_space<vmem>>
        %dma_start3A_476 = arith.constant 0 : i32
        %dma_start3A_477 = arith.constant 0 : i32
        %dma_start3A_478 = tpu.memref_slice %arg2[%dma_start3A_476, %dma_start3A_477] : memref<10240x128xf32, #tpu.memory_space<hbm>> -> memref<10240x128xf32, #tpu.memory_space<hbm>>
        tpu.enqueue_indirect_dma source(%dma_start3A_478 : memref<10240x128xf32, #tpu.memory_space<hbm>>) target(%dma_start3A_472 : memref<128x128xf32, #tpu.memory_space<vmem>>) offsets(%dma_start3A_475 : memref<128xi32, #tpu.memory_space<vmem>>) semaphore(%arg12 : memref<!tpu.dma_semaphore, #tpu.memory_space<semaphore_mem>>)
      } else {
      }
      %mul3A_313 = arith.constant 8 : i32
      %mul3A_314 = arith.muli %scan3A_164, %mul3A_313 : i32
      %add3A_315 = arith.constant 4 : i32
      %add3A_316 = arith.addi %mul3A_314, %add3A_315 : i32
      %dma_wait3A_317 = arith.constant 0 : i32
      %dma_wait3A_318 = arith.constant 0 : i32
      %dma_wait3A_319 = arith.constant 0 : i32
      %dma_wait3A_320 = tpu.memref_slice %arg10[%dma_wait3A_317, %dma_wait3A_318, %dma_wait3A_319] : memref<2x128x128xf32, #tpu.memory_space<vmem>> -> memref<1x128x128xf32, #tpu.memory_space<vmem>>
      %dma_wait3A_321 = tpu.memref_squeeze %dma_wait3A_320 : memref<1x128x128xf32, #tpu.memory_space<vmem>> -> memref<128x128xf32, #tpu.memory_space<vmem>>
      %dma_wait3A_322 = arith.constant 0 : i32
      %dma_wait3A_323 = arith.constant 0 : i32
      %dma_wait3A_324 = tpu.memref_slice %arg2[%dma_wait3A_322, %dma_wait3A_323] : memref<10240x128xf32, #tpu.memory_space<hbm>> -> memref<128x128xf32, #tpu.memory_space<hbm>>
      %dma_wait3A_325 = arith.constant 0 : i32
      %dma_wait3A_326 = arith.constant 0 : i32
      %dma_wait3A_327 = tpu.memref_slice %arg10[%dma_wait3A_317, %dma_wait3A_325, %dma_wait3A_326] : memref<2x128x128xf32, #tpu.memory_space<vmem>> -> memref<1x128x128xf32, #tpu.memory_space<vmem>>
      %dma_wait3A_328 = tpu.memref_squeeze %dma_wait3A_327 : memref<1x128x128xf32, #tpu.memory_space<vmem>> -> memref<128x128xf32, #tpu.memory_space<vmem>>
      %dma_wait3A_329 = arith.constant 0 : i32
      %dma_wait3A_330 = arith.constant 0 : i32
      %dma_wait3A_331 = tpu.memref_slice %arg2[%dma_wait3A_329, %dma_wait3A_330] : memref<10240x128xf32, #tpu.memory_space<hbm>> -> memref<128x128xf32, #tpu.memory_space<hbm>>
      tpu.wait_dma2 semaphore(%arg12 : memref<!tpu.dma_semaphore, #tpu.memory_space<semaphore_mem>>) src(%dma_wait3A_331 : memref<128x128xf32, #tpu.memory_space<hbm>>) dst(%dma_wait3A_328 : memref<128x128xf32, #tpu.memory_space<vmem>>)
      %dma_start3A_332 = arith.constant 0 : i32
      %dma_start3A_333 = arith.constant 0 : i32
      %dma_start3A_334 = arith.constant 0 : i32
      %dma_start3A_335 = tpu.memref_slice %arg10[%dma_start3A_332, %dma_start3A_333, %dma_start3A_334] : memref<2x128x128xf32, #tpu.memory_space<vmem>> -> memref<1x128x128xf32, #tpu.memory_space<vmem>>
      %dma_start3A_336 = tpu.memref_squeeze %dma_start3A_335 : memref<1x128x128xf32, #tpu.memory_space<vmem>> -> memref<128x128xf32, #tpu.memory_space<vmem>>
      %dma_start3A_337 = arith.constant 0 : i32
      %dma_start3A_338 = tpu.memref_slice %arg9[%add3A_316, %dma_start3A_337] : memref<40x128xi32, #tpu.memory_space<vmem>> -> memref<1x128xi32, #tpu.memory_space<vmem>>
      %dma_start3A_339 = tpu.memref_squeeze %dma_start3A_338 : memref<1x128xi32, #tpu.memory_space<vmem>> -> memref<128xi32, #tpu.memory_space<vmem>>
      %dma_start3A_340 = arith.constant 0 : i32
      %dma_start3A_341 = arith.constant 0 : i32
      %dma_start3A_342 = tpu.memref_slice %arg11[%dma_start3A_340, %dma_start3A_341] : memref<10064x128xf32, #tpu.memory_space<vmem_shared>> -> memref<10064x128xf32, #tpu.memory_space<vmem_shared>>
      tpu.enqueue_indirect_dma source(%dma_start3A_336 : memref<128x128xf32, #tpu.memory_space<vmem>>) target(%dma_start3A_342 : memref<10064x128xf32, #tpu.memory_space<vmem_shared>>) offsets(%dma_start3A_339 : memref<128xi32, #tpu.memory_space<vmem>>) semaphore(%arg14 : memref<!tpu.dma_semaphore, #tpu.memory_space<semaphore_mem>>) {add = true}
      %add3A_343 = arith.constant 1 : i32
      %add3A_344 = arith.addi %add3A_316, %add3A_343 : i32
      %lt3A_345 = arith.constant 40 : i32
      %lt3A_346 = arith.cmpi slt, %add3A_344, %lt3A_345 : i32
      %convert_element_type3A_347 = arith.extui %lt3A_346 : i1 to i32
      %cond3A_348 = arith.constant 0 : i32
      %cond3A_349 = arith.cmpi ne, %convert_element_type3A_347, %cond3A_348 : i32
      scf.if %cond3A_349 {
        %ge3A = arith.constant 1 : i32
        %ge3A_462 = arith.cmpi sge, %add3A_316, %ge3A : i32
        %convert_element_type3A_463 = arith.extui %ge3A_462 : i1 to i32
        %cond3A_464 = arith.constant 0 : i32
        %cond3A_465 = arith.cmpi ne, %convert_element_type3A_463, %cond3A_464 : i32
        scf.if %cond3A_465 {
          %dma_wait3A_479 = arith.constant 1 : i32
          %dma_wait3A_480 = arith.constant 0 : i32
          %dma_wait3A_481 = arith.constant 0 : i32
          %dma_wait3A_482 = tpu.memref_slice %arg10[%dma_wait3A_479, %dma_wait3A_480, %dma_wait3A_481] : memref<2x128x128xf32, #tpu.memory_space<vmem>> -> memref<1x128x128xf32, #tpu.memory_space<vmem>>
          %dma_wait3A_483 = tpu.memref_squeeze %dma_wait3A_482 : memref<1x128x128xf32, #tpu.memory_space<vmem>> -> memref<128x128xf32, #tpu.memory_space<vmem>>
          %dma_wait3A_484 = arith.constant 0 : i32
          %dma_wait3A_485 = arith.constant 0 : i32
          %dma_wait3A_486 = tpu.memref_slice %arg2[%dma_wait3A_484, %dma_wait3A_485] : memref<10240x128xf32, #tpu.memory_space<hbm>> -> memref<128x128xf32, #tpu.memory_space<hbm>>
          %dma_wait3A_487 = arith.constant 0 : i32
          %dma_wait3A_488 = arith.constant 0 : i32
          %dma_wait3A_489 = tpu.memref_slice %arg10[%dma_wait3A_479, %dma_wait3A_487, %dma_wait3A_488] : memref<2x128x128xf32, #tpu.memory_space<vmem>> -> memref<1x128x128xf32, #tpu.memory_space<vmem>>
          %dma_wait3A_490 = tpu.memref_squeeze %dma_wait3A_489 : memref<1x128x128xf32, #tpu.memory_space<vmem>> -> memref<128x128xf32, #tpu.memory_space<vmem>>
          %dma_wait3A_491 = arith.constant 0 : i32
          %dma_wait3A_492 = arith.constant 0 : i32
          %dma_wait3A_493 = tpu.memref_slice %arg2[%dma_wait3A_491, %dma_wait3A_492] : memref<10240x128xf32, #tpu.memory_space<hbm>> -> memref<128x128xf32, #tpu.memory_space<hbm>>
          tpu.wait_dma2 semaphore(%arg15 : memref<!tpu.dma_semaphore, #tpu.memory_space<semaphore_mem>>) src(%dma_wait3A_493 : memref<128x128xf32, #tpu.memory_space<hbm>>) dst(%dma_wait3A_490 : memref<128x128xf32, #tpu.memory_space<vmem>>)
        } else {
        }
        %add3A_466 = arith.constant 1 : i32
        %add3A_467 = arith.addi %add3A_316, %add3A_466 : i32
        %dma_start3A_468 = arith.constant 1 : i32
        %dma_start3A_469 = arith.constant 0 : i32
        %dma_start3A_470 = arith.constant 0 : i32
        %dma_start3A_471 = tpu.memref_slice %arg10[%dma_start3A_468, %dma_start3A_469, %dma_start3A_470] : memref<2x128x128xf32, #tpu.memory_space<vmem>> -> memref<1x128x128xf32, #tpu.memory_space<vmem>>
        %dma_start3A_472 = tpu.memref_squeeze %dma_start3A_471 : memref<1x128x128xf32, #tpu.memory_space<vmem>> -> memref<128x128xf32, #tpu.memory_space<vmem>>
        %dma_start3A_473 = arith.constant 0 : i32
        %dma_start3A_474 = tpu.memref_slice %arg8[%add3A_467, %dma_start3A_473] : memref<40x128xi32, #tpu.memory_space<vmem>> -> memref<1x128xi32, #tpu.memory_space<vmem>>
        %dma_start3A_475 = tpu.memref_squeeze %dma_start3A_474 : memref<1x128xi32, #tpu.memory_space<vmem>> -> memref<128xi32, #tpu.memory_space<vmem>>
        %dma_start3A_476 = arith.constant 0 : i32
        %dma_start3A_477 = arith.constant 0 : i32
        %dma_start3A_478 = tpu.memref_slice %arg2[%dma_start3A_476, %dma_start3A_477] : memref<10240x128xf32, #tpu.memory_space<hbm>> -> memref<10240x128xf32, #tpu.memory_space<hbm>>
        tpu.enqueue_indirect_dma source(%dma_start3A_478 : memref<10240x128xf32, #tpu.memory_space<hbm>>) target(%dma_start3A_472 : memref<128x128xf32, #tpu.memory_space<vmem>>) offsets(%dma_start3A_475 : memref<128xi32, #tpu.memory_space<vmem>>) semaphore(%arg13 : memref<!tpu.dma_semaphore, #tpu.memory_space<semaphore_mem>>)
      } else {
      }
      %mul3A_350 = arith.constant 8 : i32
      %mul3A_351 = arith.muli %scan3A_164, %mul3A_350 : i32
      %add3A_352 = arith.constant 5 : i32
      %add3A_353 = arith.addi %mul3A_351, %add3A_352 : i32
      %dma_wait3A_354 = arith.constant 1 : i32
      %dma_wait3A_355 = arith.constant 0 : i32
      %dma_wait3A_356 = arith.constant 0 : i32
      %dma_wait3A_357 = tpu.memref_slice %arg10[%dma_wait3A_354, %dma_wait3A_355, %dma_wait3A_356] : memref<2x128x128xf32, #tpu.memory_space<vmem>> -> memref<1x128x128xf32, #tpu.memory_space<vmem>>
      %dma_wait3A_358 = tpu.memref_squeeze %dma_wait3A_357 : memref<1x128x128xf32, #tpu.memory_space<vmem>> -> memref<128x128xf32, #tpu.memory_space<vmem>>
      %dma_wait3A_359 = arith.constant 0 : i32
      %dma_wait3A_360 = arith.constant 0 : i32
      %dma_wait3A_361 = tpu.memref_slice %arg2[%dma_wait3A_359, %dma_wait3A_360] : memref<10240x128xf32, #tpu.memory_space<hbm>> -> memref<128x128xf32, #tpu.memory_space<hbm>>
      %dma_wait3A_362 = arith.constant 0 : i32
      %dma_wait3A_363 = arith.constant 0 : i32
      %dma_wait3A_364 = tpu.memref_slice %arg10[%dma_wait3A_354, %dma_wait3A_362, %dma_wait3A_363] : memref<2x128x128xf32, #tpu.memory_space<vmem>> -> memref<1x128x128xf32, #tpu.memory_space<vmem>>
      %dma_wait3A_365 = tpu.memref_squeeze %dma_wait3A_364 : memref<1x128x128xf32, #tpu.memory_space<vmem>> -> memref<128x128xf32, #tpu.memory_space<vmem>>
      %dma_wait3A_366 = arith.constant 0 : i32
      %dma_wait3A_367 = arith.constant 0 : i32
      %dma_wait3A_368 = tpu.memref_slice %arg2[%dma_wait3A_366, %dma_wait3A_367] : memref<10240x128xf32, #tpu.memory_space<hbm>> -> memref<128x128xf32, #tpu.memory_space<hbm>>
      tpu.wait_dma2 semaphore(%arg13 : memref<!tpu.dma_semaphore, #tpu.memory_space<semaphore_mem>>) src(%dma_wait3A_368 : memref<128x128xf32, #tpu.memory_space<hbm>>) dst(%dma_wait3A_365 : memref<128x128xf32, #tpu.memory_space<vmem>>)
      %dma_start3A_369 = arith.constant 1 : i32
      %dma_start3A_370 = arith.constant 0 : i32
      %dma_start3A_371 = arith.constant 0 : i32
      %dma_start3A_372 = tpu.memref_slice %arg10[%dma_start3A_369, %dma_start3A_370, %dma_start3A_371] : memref<2x128x128xf32, #tpu.memory_space<vmem>> -> memref<1x128x128xf32, #tpu.memory_space<vmem>>
      %dma_start3A_373 = tpu.memref_squeeze %dma_start3A_372 : memref<1x128x128xf32, #tpu.memory_space<vmem>> -> memref<128x128xf32, #tpu.memory_space<vmem>>
      %dma_start3A_374 = arith.constant 0 : i32
      %dma_start3A_375 = tpu.memref_slice %arg9[%add3A_353, %dma_start3A_374] : memref<40x128xi32, #tpu.memory_space<vmem>> -> memref<1x128xi32, #tpu.memory_space<vmem>>
      %dma_start3A_376 = tpu.memref_squeeze %dma_start3A_375 : memref<1x128xi32, #tpu.memory_space<vmem>> -> memref<128xi32, #tpu.memory_space<vmem>>
      %dma_start3A_377 = arith.constant 0 : i32
      %dma_start3A_378 = arith.constant 0 : i32
      %dma_start3A_379 = tpu.memref_slice %arg11[%dma_start3A_377, %dma_start3A_378] : memref<10064x128xf32, #tpu.memory_space<vmem_shared>> -> memref<10064x128xf32, #tpu.memory_space<vmem_shared>>
      tpu.enqueue_indirect_dma source(%dma_start3A_373 : memref<128x128xf32, #tpu.memory_space<vmem>>) target(%dma_start3A_379 : memref<10064x128xf32, #tpu.memory_space<vmem_shared>>) offsets(%dma_start3A_376 : memref<128xi32, #tpu.memory_space<vmem>>) semaphore(%arg15 : memref<!tpu.dma_semaphore, #tpu.memory_space<semaphore_mem>>) {add = true}
      %add3A_380 = arith.constant 1 : i32
      %add3A_381 = arith.addi %add3A_353, %add3A_380 : i32
      %lt3A_382 = arith.constant 40 : i32
      %lt3A_383 = arith.cmpi slt, %add3A_381, %lt3A_382 : i32
      %convert_element_type3A_384 = arith.extui %lt3A_383 : i1 to i32
      %cond3A_385 = arith.constant 0 : i32
      %cond3A_386 = arith.cmpi ne, %convert_element_type3A_384, %cond3A_385 : i32
      scf.if %cond3A_386 {
        %ge3A = arith.constant 1 : i32
        %ge3A_462 = arith.cmpi sge, %add3A_353, %ge3A : i32
        %convert_element_type3A_463 = arith.extui %ge3A_462 : i1 to i32
        %cond3A_464 = arith.constant 0 : i32
        %cond3A_465 = arith.cmpi ne, %convert_element_type3A_463, %cond3A_464 : i32
        scf.if %cond3A_465 {
          %dma_wait3A_479 = arith.constant 0 : i32
          %dma_wait3A_480 = arith.constant 0 : i32
          %dma_wait3A_481 = arith.constant 0 : i32
          %dma_wait3A_482 = tpu.memref_slice %arg10[%dma_wait3A_479, %dma_wait3A_480, %dma_wait3A_481] : memref<2x128x128xf32, #tpu.memory_space<vmem>> -> memref<1x128x128xf32, #tpu.memory_space<vmem>>
          %dma_wait3A_483 = tpu.memref_squeeze %dma_wait3A_482 : memref<1x128x128xf32, #tpu.memory_space<vmem>> -> memref<128x128xf32, #tpu.memory_space<vmem>>
          %dma_wait3A_484 = arith.constant 0 : i32
          %dma_wait3A_485 = arith.constant 0 : i32
          %dma_wait3A_486 = tpu.memref_slice %arg2[%dma_wait3A_484, %dma_wait3A_485] : memref<10240x128xf32, #tpu.memory_space<hbm>> -> memref<128x128xf32, #tpu.memory_space<hbm>>
          %dma_wait3A_487 = arith.constant 0 : i32
          %dma_wait3A_488 = arith.constant 0 : i32
          %dma_wait3A_489 = tpu.memref_slice %arg10[%dma_wait3A_479, %dma_wait3A_487, %dma_wait3A_488] : memref<2x128x128xf32, #tpu.memory_space<vmem>> -> memref<1x128x128xf32, #tpu.memory_space<vmem>>
          %dma_wait3A_490 = tpu.memref_squeeze %dma_wait3A_489 : memref<1x128x128xf32, #tpu.memory_space<vmem>> -> memref<128x128xf32, #tpu.memory_space<vmem>>
          %dma_wait3A_491 = arith.constant 0 : i32
          %dma_wait3A_492 = arith.constant 0 : i32
          %dma_wait3A_493 = tpu.memref_slice %arg2[%dma_wait3A_491, %dma_wait3A_492] : memref<10240x128xf32, #tpu.memory_space<hbm>> -> memref<128x128xf32, #tpu.memory_space<hbm>>
          tpu.wait_dma2 semaphore(%arg14 : memref<!tpu.dma_semaphore, #tpu.memory_space<semaphore_mem>>) src(%dma_wait3A_493 : memref<128x128xf32, #tpu.memory_space<hbm>>) dst(%dma_wait3A_490 : memref<128x128xf32, #tpu.memory_space<vmem>>)
        } else {
        }
        %add3A_466 = arith.constant 1 : i32
        %add3A_467 = arith.addi %add3A_353, %add3A_466 : i32
        %dma_start3A_468 = arith.constant 0 : i32
        %dma_start3A_469 = arith.constant 0 : i32
        %dma_start3A_470 = arith.constant 0 : i32
        %dma_start3A_471 = tpu.memref_slice %arg10[%dma_start3A_468, %dma_start3A_469, %dma_start3A_470] : memref<2x128x128xf32, #tpu.memory_space<vmem>> -> memref<1x128x128xf32, #tpu.memory_space<vmem>>
        %dma_start3A_472 = tpu.memref_squeeze %dma_start3A_471 : memref<1x128x128xf32, #tpu.memory_space<vmem>> -> memref<128x128xf32, #tpu.memory_space<vmem>>
        %dma_start3A_473 = arith.constant 0 : i32
        %dma_start3A_474 = tpu.memref_slice %arg8[%add3A_467, %dma_start3A_473] : memref<40x128xi32, #tpu.memory_space<vmem>> -> memref<1x128xi32, #tpu.memory_space<vmem>>
        %dma_start3A_475 = tpu.memref_squeeze %dma_start3A_474 : memref<1x128xi32, #tpu.memory_space<vmem>> -> memref<128xi32, #tpu.memory_space<vmem>>
        %dma_start3A_476 = arith.constant 0 : i32
        %dma_start3A_477 = arith.constant 0 : i32
        %dma_start3A_478 = tpu.memref_slice %arg2[%dma_start3A_476, %dma_start3A_477] : memref<10240x128xf32, #tpu.memory_space<hbm>> -> memref<10240x128xf32, #tpu.memory_space<hbm>>
        tpu.enqueue_indirect_dma source(%dma_start3A_478 : memref<10240x128xf32, #tpu.memory_space<hbm>>) target(%dma_start3A_472 : memref<128x128xf32, #tpu.memory_space<vmem>>) offsets(%dma_start3A_475 : memref<128xi32, #tpu.memory_space<vmem>>) semaphore(%arg12 : memref<!tpu.dma_semaphore, #tpu.memory_space<semaphore_mem>>)
      } else {
      }
      %mul3A_387 = arith.constant 8 : i32
      %mul3A_388 = arith.muli %scan3A_164, %mul3A_387 : i32
      %add3A_389 = arith.constant 6 : i32
      %add3A_390 = arith.addi %mul3A_388, %add3A_389 : i32
      %dma_wait3A_391 = arith.constant 0 : i32
      %dma_wait3A_392 = arith.constant 0 : i32
      %dma_wait3A_393 = arith.constant 0 : i32
      %dma_wait3A_394 = tpu.memref_slice %arg10[%dma_wait3A_391, %dma_wait3A_392, %dma_wait3A_393] : memref<2x128x128xf32, #tpu.memory_space<vmem>> -> memref<1x128x128xf32, #tpu.memory_space<vmem>>
      %dma_wait3A_395 = tpu.memref_squeeze %dma_wait3A_394 : memref<1x128x128xf32, #tpu.memory_space<vmem>> -> memref<128x128xf32, #tpu.memory_space<vmem>>
      %dma_wait3A_396 = arith.constant 0 : i32
      %dma_wait3A_397 = arith.constant 0 : i32
      %dma_wait3A_398 = tpu.memref_slice %arg2[%dma_wait3A_396, %dma_wait3A_397] : memref<10240x128xf32, #tpu.memory_space<hbm>> -> memref<128x128xf32, #tpu.memory_space<hbm>>
      %dma_wait3A_399 = arith.constant 0 : i32
      %dma_wait3A_400 = arith.constant 0 : i32
      %dma_wait3A_401 = tpu.memref_slice %arg10[%dma_wait3A_391, %dma_wait3A_399, %dma_wait3A_400] : memref<2x128x128xf32, #tpu.memory_space<vmem>> -> memref<1x128x128xf32, #tpu.memory_space<vmem>>
      %dma_wait3A_402 = tpu.memref_squeeze %dma_wait3A_401 : memref<1x128x128xf32, #tpu.memory_space<vmem>> -> memref<128x128xf32, #tpu.memory_space<vmem>>
      %dma_wait3A_403 = arith.constant 0 : i32
      %dma_wait3A_404 = arith.constant 0 : i32
      %dma_wait3A_405 = tpu.memref_slice %arg2[%dma_wait3A_403, %dma_wait3A_404] : memref<10240x128xf32, #tpu.memory_space<hbm>> -> memref<128x128xf32, #tpu.memory_space<hbm>>
      tpu.wait_dma2 semaphore(%arg12 : memref<!tpu.dma_semaphore, #tpu.memory_space<semaphore_mem>>) src(%dma_wait3A_405 : memref<128x128xf32, #tpu.memory_space<hbm>>) dst(%dma_wait3A_402 : memref<128x128xf32, #tpu.memory_space<vmem>>)
      %dma_start3A_406 = arith.constant 0 : i32
      %dma_start3A_407 = arith.constant 0 : i32
      %dma_start3A_408 = arith.constant 0 : i32
      %dma_start3A_409 = tpu.memref_slice %arg10[%dma_start3A_406, %dma_start3A_407, %dma_start3A_408] : memref<2x128x128xf32, #tpu.memory_space<vmem>> -> memref<1x128x128xf32, #tpu.memory_space<vmem>>
      %dma_start3A_410 = tpu.memref_squeeze %dma_start3A_409 : memref<1x128x128xf32, #tpu.memory_space<vmem>> -> memref<128x128xf32, #tpu.memory_space<vmem>>
      %dma_start3A_411 = arith.constant 0 : i32
      %dma_start3A_412 = tpu.memref_slice %arg9[%add3A_390, %dma_start3A_411] : memref<40x128xi32, #tpu.memory_space<vmem>> -> memref<1x128xi32, #tpu.memory_space<vmem>>
      %dma_start3A_413 = tpu.memref_squeeze %dma_start3A_412 : memref<1x128xi32, #tpu.memory_space<vmem>> -> memref<128xi32, #tpu.memory_space<vmem>>
      %dma_start3A_414 = arith.constant 0 : i32
      %dma_start3A_415 = arith.constant 0 : i32
      %dma_start3A_416 = tpu.memref_slice %arg11[%dma_start3A_414, %dma_start3A_415] : memref<10064x128xf32, #tpu.memory_space<vmem_shared>> -> memref<10064x128xf32, #tpu.memory_space<vmem_shared>>
      tpu.enqueue_indirect_dma source(%dma_start3A_410 : memref<128x128xf32, #tpu.memory_space<vmem>>) target(%dma_start3A_416 : memref<10064x128xf32, #tpu.memory_space<vmem_shared>>) offsets(%dma_start3A_413 : memref<128xi32, #tpu.memory_space<vmem>>) semaphore(%arg14 : memref<!tpu.dma_semaphore, #tpu.memory_space<semaphore_mem>>) {add = true}
      %add3A_417 = arith.constant 1 : i32
      %add3A_418 = arith.addi %add3A_390, %add3A_417 : i32
      %lt3A_419 = arith.constant 40 : i32
      %lt3A_420 = arith.cmpi slt, %add3A_418, %lt3A_419 : i32
      %convert_element_type3A_421 = arith.extui %lt3A_420 : i1 to i32
      %cond3A_422 = arith.constant 0 : i32
      %cond3A_423 = arith.cmpi ne, %convert_element_type3A_421, %cond3A_422 : i32
      scf.if %cond3A_423 {
        %ge3A = arith.constant 1 : i32
        %ge3A_462 = arith.cmpi sge, %add3A_390, %ge3A : i32
        %convert_element_type3A_463 = arith.extui %ge3A_462 : i1 to i32
        %cond3A_464 = arith.constant 0 : i32
        %cond3A_465 = arith.cmpi ne, %convert_element_type3A_463, %cond3A_464 : i32
        scf.if %cond3A_465 {
          %dma_wait3A_479 = arith.constant 1 : i32
          %dma_wait3A_480 = arith.constant 0 : i32
          %dma_wait3A_481 = arith.constant 0 : i32
          %dma_wait3A_482 = tpu.memref_slice %arg10[%dma_wait3A_479, %dma_wait3A_480, %dma_wait3A_481] : memref<2x128x128xf32, #tpu.memory_space<vmem>> -> memref<1x128x128xf32, #tpu.memory_space<vmem>>
          %dma_wait3A_483 = tpu.memref_squeeze %dma_wait3A_482 : memref<1x128x128xf32, #tpu.memory_space<vmem>> -> memref<128x128xf32, #tpu.memory_space<vmem>>
          %dma_wait3A_484 = arith.constant 0 : i32
          %dma_wait3A_485 = arith.constant 0 : i32
          %dma_wait3A_486 = tpu.memref_slice %arg2[%dma_wait3A_484, %dma_wait3A_485] : memref<10240x128xf32, #tpu.memory_space<hbm>> -> memref<128x128xf32, #tpu.memory_space<hbm>>
          %dma_wait3A_487 = arith.constant 0 : i32
          %dma_wait3A_488 = arith.constant 0 : i32
          %dma_wait3A_489 = tpu.memref_slice %arg10[%dma_wait3A_479, %dma_wait3A_487, %dma_wait3A_488] : memref<2x128x128xf32, #tpu.memory_space<vmem>> -> memref<1x128x128xf32, #tpu.memory_space<vmem>>
          %dma_wait3A_490 = tpu.memref_squeeze %dma_wait3A_489 : memref<1x128x128xf32, #tpu.memory_space<vmem>> -> memref<128x128xf32, #tpu.memory_space<vmem>>
          %dma_wait3A_491 = arith.constant 0 : i32
          %dma_wait3A_492 = arith.constant 0 : i32
          %dma_wait3A_493 = tpu.memref_slice %arg2[%dma_wait3A_491, %dma_wait3A_492] : memref<10240x128xf32, #tpu.memory_space<hbm>> -> memref<128x128xf32, #tpu.memory_space<hbm>>
          tpu.wait_dma2 semaphore(%arg15 : memref<!tpu.dma_semaphore, #tpu.memory_space<semaphore_mem>>) src(%dma_wait3A_493 : memref<128x128xf32, #tpu.memory_space<hbm>>) dst(%dma_wait3A_490 : memref<128x128xf32, #tpu.memory_space<vmem>>)
        } else {
        }
        %add3A_466 = arith.constant 1 : i32
        %add3A_467 = arith.addi %add3A_390, %add3A_466 : i32
        %dma_start3A_468 = arith.constant 1 : i32
        %dma_start3A_469 = arith.constant 0 : i32
        %dma_start3A_470 = arith.constant 0 : i32
        %dma_start3A_471 = tpu.memref_slice %arg10[%dma_start3A_468, %dma_start3A_469, %dma_start3A_470] : memref<2x128x128xf32, #tpu.memory_space<vmem>> -> memref<1x128x128xf32, #tpu.memory_space<vmem>>
        %dma_start3A_472 = tpu.memref_squeeze %dma_start3A_471 : memref<1x128x128xf32, #tpu.memory_space<vmem>> -> memref<128x128xf32, #tpu.memory_space<vmem>>
        %dma_start3A_473 = arith.constant 0 : i32
        %dma_start3A_474 = tpu.memref_slice %arg8[%add3A_467, %dma_start3A_473] : memref<40x128xi32, #tpu.memory_space<vmem>> -> memref<1x128xi32, #tpu.memory_space<vmem>>
        %dma_start3A_475 = tpu.memref_squeeze %dma_start3A_474 : memref<1x128xi32, #tpu.memory_space<vmem>> -> memref<128xi32, #tpu.memory_space<vmem>>
        %dma_start3A_476 = arith.constant 0 : i32
        %dma_start3A_477 = arith.constant 0 : i32
        %dma_start3A_478 = tpu.memref_slice %arg2[%dma_start3A_476, %dma_start3A_477] : memref<10240x128xf32, #tpu.memory_space<hbm>> -> memref<10240x128xf32, #tpu.memory_space<hbm>>
        tpu.enqueue_indirect_dma source(%dma_start3A_478 : memref<10240x128xf32, #tpu.memory_space<hbm>>) target(%dma_start3A_472 : memref<128x128xf32, #tpu.memory_space<vmem>>) offsets(%dma_start3A_475 : memref<128xi32, #tpu.memory_space<vmem>>) semaphore(%arg13 : memref<!tpu.dma_semaphore, #tpu.memory_space<semaphore_mem>>)
      } else {
      }
      %mul3A_424 = arith.constant 8 : i32
      %mul3A_425 = arith.muli %scan3A_164, %mul3A_424 : i32
      %add3A_426 = arith.constant 7 : i32
      %add3A_427 = arith.addi %mul3A_425, %add3A_426 : i32
      %dma_wait3A_428 = arith.constant 1 : i32
      %dma_wait3A_429 = arith.constant 0 : i32
      %dma_wait3A_430 = arith.constant 0 : i32
      %dma_wait3A_431 = tpu.memref_slice %arg10[%dma_wait3A_428, %dma_wait3A_429, %dma_wait3A_430] : memref<2x128x128xf32, #tpu.memory_space<vmem>> -> memref<1x128x128xf32, #tpu.memory_space<vmem>>
      %dma_wait3A_432 = tpu.memref_squeeze %dma_wait3A_431 : memref<1x128x128xf32, #tpu.memory_space<vmem>> -> memref<128x128xf32, #tpu.memory_space<vmem>>
      %dma_wait3A_433 = arith.constant 0 : i32
      %dma_wait3A_434 = arith.constant 0 : i32
      %dma_wait3A_435 = tpu.memref_slice %arg2[%dma_wait3A_433, %dma_wait3A_434] : memref<10240x128xf32, #tpu.memory_space<hbm>> -> memref<128x128xf32, #tpu.memory_space<hbm>>
      %dma_wait3A_436 = arith.constant 0 : i32
      %dma_wait3A_437 = arith.constant 0 : i32
      %dma_wait3A_438 = tpu.memref_slice %arg10[%dma_wait3A_428, %dma_wait3A_436, %dma_wait3A_437] : memref<2x128x128xf32, #tpu.memory_space<vmem>> -> memref<1x128x128xf32, #tpu.memory_space<vmem>>
      %dma_wait3A_439 = tpu.memref_squeeze %dma_wait3A_438 : memref<1x128x128xf32, #tpu.memory_space<vmem>> -> memref<128x128xf32, #tpu.memory_space<vmem>>
      %dma_wait3A_440 = arith.constant 0 : i32
      %dma_wait3A_441 = arith.constant 0 : i32
      %dma_wait3A_442 = tpu.memref_slice %arg2[%dma_wait3A_440, %dma_wait3A_441] : memref<10240x128xf32, #tpu.memory_space<hbm>> -> memref<128x128xf32, #tpu.memory_space<hbm>>
      tpu.wait_dma2 semaphore(%arg13 : memref<!tpu.dma_semaphore, #tpu.memory_space<semaphore_mem>>) src(%dma_wait3A_442 : memref<128x128xf32, #tpu.memory_space<hbm>>) dst(%dma_wait3A_439 : memref<128x128xf32, #tpu.memory_space<vmem>>)
      %dma_start3A_443 = arith.constant 1 : i32
      %dma_start3A_444 = arith.constant 0 : i32
      %dma_start3A_445 = arith.constant 0 : i32
      %dma_start3A_446 = tpu.memref_slice %arg10[%dma_start3A_443, %dma_start3A_444, %dma_start3A_445] : memref<2x128x128xf32, #tpu.memory_space<vmem>> -> memref<1x128x128xf32, #tpu.memory_space<vmem>>
      %dma_start3A_447 = tpu.memref_squeeze %dma_start3A_446 : memref<1x128x128xf32, #tpu.memory_space<vmem>> -> memref<128x128xf32, #tpu.memory_space<vmem>>
      %dma_start3A_448 = arith.constant 0 : i32
      %dma_start3A_449 = tpu.memref_slice %arg9[%add3A_427, %dma_start3A_448] : memref<40x128xi32, #tpu.memory_space<vmem>> -> memref<1x128xi32, #tpu.memory_space<vmem>>
      %dma_start3A_450 = tpu.memref_squeeze %dma_start3A_449 : memref<1x128xi32, #tpu.memory_space<vmem>> -> memref<128xi32, #tpu.memory_space<vmem>>
      %dma_start3A_451 = arith.constant 0 : i32
      %dma_start3A_452 = arith.constant 0 : i32
      %dma_start3A_453 = tpu.memref_slice %arg11[%dma_start3A_451, %dma_start3A_452] : memref<10064x128xf32, #tpu.memory_space<vmem_shared>> -> memref<10064x128xf32, #tpu.memory_space<vmem_shared>>
      tpu.enqueue_indirect_dma source(%dma_start3A_447 : memref<128x128xf32, #tpu.memory_space<vmem>>) target(%dma_start3A_453 : memref<10064x128xf32, #tpu.memory_space<vmem_shared>>) offsets(%dma_start3A_450 : memref<128xi32, #tpu.memory_space<vmem>>) semaphore(%arg15 : memref<!tpu.dma_semaphore, #tpu.memory_space<semaphore_mem>>) {add = true}
      %add3A_454 = arith.constant 1 : i32
      %add3A_455 = arith.addi %add3A_427, %add3A_454 : i32
      %lt3A_456 = arith.constant 40 : i32
      %lt3A_457 = arith.cmpi slt, %add3A_455, %lt3A_456 : i32
      %convert_element_type3A_458 = arith.extui %lt3A_457 : i1 to i32
      %cond3A_459 = arith.constant 0 : i32
      %cond3A_460 = arith.cmpi ne, %convert_element_type3A_458, %cond3A_459 : i32
      scf.if %cond3A_460 {
        %ge3A = arith.constant 1 : i32
        %ge3A_462 = arith.cmpi sge, %add3A_427, %ge3A : i32
        %convert_element_type3A_463 = arith.extui %ge3A_462 : i1 to i32
        %cond3A_464 = arith.constant 0 : i32
        %cond3A_465 = arith.cmpi ne, %convert_element_type3A_463, %cond3A_464 : i32
        scf.if %cond3A_465 {
          %dma_wait3A_479 = arith.constant 0 : i32
          %dma_wait3A_480 = arith.constant 0 : i32
          %dma_wait3A_481 = arith.constant 0 : i32
          %dma_wait3A_482 = tpu.memref_slice %arg10[%dma_wait3A_479, %dma_wait3A_480, %dma_wait3A_481] : memref<2x128x128xf32, #tpu.memory_space<vmem>> -> memref<1x128x128xf32, #tpu.memory_space<vmem>>
          %dma_wait3A_483 = tpu.memref_squeeze %dma_wait3A_482 : memref<1x128x128xf32, #tpu.memory_space<vmem>> -> memref<128x128xf32, #tpu.memory_space<vmem>>
          %dma_wait3A_484 = arith.constant 0 : i32
          %dma_wait3A_485 = arith.constant 0 : i32
          %dma_wait3A_486 = tpu.memref_slice %arg2[%dma_wait3A_484, %dma_wait3A_485] : memref<10240x128xf32, #tpu.memory_space<hbm>> -> memref<128x128xf32, #tpu.memory_space<hbm>>
          %dma_wait3A_487 = arith.constant 0 : i32
          %dma_wait3A_488 = arith.constant 0 : i32
          %dma_wait3A_489 = tpu.memref_slice %arg10[%dma_wait3A_479, %dma_wait3A_487, %dma_wait3A_488] : memref<2x128x128xf32, #tpu.memory_space<vmem>> -> memref<1x128x128xf32, #tpu.memory_space<vmem>>
          %dma_wait3A_490 = tpu.memref_squeeze %dma_wait3A_489 : memref<1x128x128xf32, #tpu.memory_space<vmem>> -> memref<128x128xf32, #tpu.memory_space<vmem>>
          %dma_wait3A_491 = arith.constant 0 : i32
          %dma_wait3A_492 = arith.constant 0 : i32
          %dma_wait3A_493 = tpu.memref_slice %arg2[%dma_wait3A_491, %dma_wait3A_492] : memref<10240x128xf32, #tpu.memory_space<hbm>> -> memref<128x128xf32, #tpu.memory_space<hbm>>
          tpu.wait_dma2 semaphore(%arg14 : memref<!tpu.dma_semaphore, #tpu.memory_space<semaphore_mem>>) src(%dma_wait3A_493 : memref<128x128xf32, #tpu.memory_space<hbm>>) dst(%dma_wait3A_490 : memref<128x128xf32, #tpu.memory_space<vmem>>)
        } else {
        }
        %add3A_466 = arith.constant 1 : i32
        %add3A_467 = arith.addi %add3A_427, %add3A_466 : i32
        %dma_start3A_468 = arith.constant 0 : i32
        %dma_start3A_469 = arith.constant 0 : i32
        %dma_start3A_470 = arith.constant 0 : i32
        %dma_start3A_471 = tpu.memref_slice %arg10[%dma_start3A_468, %dma_start3A_469, %dma_start3A_470] : memref<2x128x128xf32, #tpu.memory_space<vmem>> -> memref<1x128x128xf32, #tpu.memory_space<vmem>>
        %dma_start3A_472 = tpu.memref_squeeze %dma_start3A_471 : memref<1x128x128xf32, #tpu.memory_space<vmem>> -> memref<128x128xf32, #tpu.memory_space<vmem>>
        %dma_start3A_473 = arith.constant 0 : i32
        %dma_start3A_474 = tpu.memref_slice %arg8[%add3A_467, %dma_start3A_473] : memref<40x128xi32, #tpu.memory_space<vmem>> -> memref<1x128xi32, #tpu.memory_space<vmem>>
        %dma_start3A_475 = tpu.memref_squeeze %dma_start3A_474 : memref<1x128xi32, #tpu.memory_space<vmem>> -> memref<128xi32, #tpu.memory_space<vmem>>
        %dma_start3A_476 = arith.constant 0 : i32
        %dma_start3A_477 = arith.constant 0 : i32
        %dma_start3A_478 = tpu.memref_slice %arg2[%dma_start3A_476, %dma_start3A_477] : memref<10240x128xf32, #tpu.memory_space<hbm>> -> memref<10240x128xf32, #tpu.memory_space<hbm>>
        tpu.enqueue_indirect_dma source(%dma_start3A_478 : memref<10240x128xf32, #tpu.memory_space<hbm>>) target(%dma_start3A_472 : memref<128x128xf32, #tpu.memory_space<vmem>>) offsets(%dma_start3A_475 : memref<128xi32, #tpu.memory_space<vmem>>) semaphore(%arg12 : memref<!tpu.dma_semaphore, #tpu.memory_space<semaphore_mem>>)
      } else {
      }
      %scan3A_461 = arith.constant 0 : i32
      scf.yield %scan3A_461 : i32
    }
    %scan3A_48 = arith.constant 5 : i32
    %dma_wait3A = arith.constant 0 : i32
    %dma_wait3A_49 = arith.constant 0 : i32
    %dma_wait3A_50 = arith.constant 0 : i32
    %dma_wait3A_51 = tpu.memref_slice %arg10[%dma_wait3A, %dma_wait3A_49, %dma_wait3A_50] : memref<2x128x128xf32, #tpu.memory_space<vmem>> -> memref<1x128x128xf32, #tpu.memory_space<vmem>>
    %dma_wait3A_52 = tpu.memref_squeeze %dma_wait3A_51 : memref<1x128x128xf32, #tpu.memory_space<vmem>> -> memref<128x128xf32, #tpu.memory_space<vmem>>
    %dma_wait3A_53 = arith.constant 0 : i32
    %dma_wait3A_54 = arith.constant 0 : i32
    %dma_wait3A_55 = tpu.memref_slice %arg2[%dma_wait3A_53, %dma_wait3A_54] : memref<10240x128xf32, #tpu.memory_space<hbm>> -> memref<128x128xf32, #tpu.memory_space<hbm>>
    %dma_wait3A_56 = arith.constant 0 : i32
    %dma_wait3A_57 = arith.constant 0 : i32
    %dma_wait3A_58 = tpu.memref_slice %arg10[%dma_wait3A, %dma_wait3A_56, %dma_wait3A_57] : memref<2x128x128xf32, #tpu.memory_space<vmem>> -> memref<1x128x128xf32, #tpu.memory_space<vmem>>
    %dma_wait3A_59 = tpu.memref_squeeze %dma_wait3A_58 : memref<1x128x128xf32, #tpu.memory_space<vmem>> -> memref<128x128xf32, #tpu.memory_space<vmem>>
    %dma_wait3A_60 = arith.constant 0 : i32
    %dma_wait3A_61 = arith.constant 0 : i32
    %dma_wait3A_62 = tpu.memref_slice %arg2[%dma_wait3A_60, %dma_wait3A_61] : memref<10240x128xf32, #tpu.memory_space<hbm>> -> memref<128x128xf32, #tpu.memory_space<hbm>>
    tpu.wait_dma2 semaphore(%arg14 : memref<!tpu.dma_semaphore, #tpu.memory_space<semaphore_mem>>) src(%dma_wait3A_62 : memref<128x128xf32, #tpu.memory_space<hbm>>) dst(%dma_wait3A_59 : memref<128x128xf32, #tpu.memory_space<vmem>>)
    %dma_wait3A_63 = arith.constant 1 : i32
    %dma_wait3A_64 = arith.constant 0 : i32
    %dma_wait3A_65 = arith.constant 0 : i32
    %dma_wait3A_66 = tpu.memref_slice %arg10[%dma_wait3A_63, %dma_wait3A_64, %dma_wait3A_65] : memref<2x128x128xf32, #tpu.memory_space<vmem>> -> memref<1x128x128xf32, #tpu.memory_space<vmem>>
    %dma_wait3A_67 = tpu.memref_squeeze %dma_wait3A_66 : memref<1x128x128xf32, #tpu.memory_space<vmem>> -> memref<128x128xf32, #tpu.memory_space<vmem>>
    %dma_wait3A_68 = arith.constant 0 : i32
    %dma_wait3A_69 = arith.constant 0 : i32
    %dma_wait3A_70 = tpu.memref_slice %arg2[%dma_wait3A_68, %dma_wait3A_69] : memref<10240x128xf32, #tpu.memory_space<hbm>> -> memref<128x128xf32, #tpu.memory_space<hbm>>
    %dma_wait3A_71 = arith.constant 0 : i32
    %dma_wait3A_72 = arith.constant 0 : i32
    %dma_wait3A_73 = tpu.memref_slice %arg10[%dma_wait3A_63, %dma_wait3A_71, %dma_wait3A_72] : memref<2x128x128xf32, #tpu.memory_space<vmem>> -> memref<1x128x128xf32, #tpu.memory_space<vmem>>
    %dma_wait3A_74 = tpu.memref_squeeze %dma_wait3A_73 : memref<1x128x128xf32, #tpu.memory_space<vmem>> -> memref<128x128xf32, #tpu.memory_space<vmem>>
    %dma_wait3A_75 = arith.constant 0 : i32
    %dma_wait3A_76 = arith.constant 0 : i32
    %dma_wait3A_77 = tpu.memref_slice %arg2[%dma_wait3A_75, %dma_wait3A_76] : memref<10240x128xf32, #tpu.memory_space<hbm>> -> memref<128x128xf32, #tpu.memory_space<hbm>>
    tpu.wait_dma2 semaphore(%arg15 : memref<!tpu.dma_semaphore, #tpu.memory_space<semaphore_mem>>) src(%dma_wait3A_77 : memref<128x128xf32, #tpu.memory_space<hbm>>) dst(%dma_wait3A_74 : memref<128x128xf32, #tpu.memory_space<vmem>>)
    %add3A_78 = arith.constant 40 : i32
    %add3A_79 = arith.addi %mul3A_4, %add3A_78 : i32
    "tpu.region"() ({
      %run_scoped3A = tpu.sem_alloc : memref<!tpu.dma_semaphore, #tpu.memory_space<semaphore_mem>>
      %dma_start3A_164 = arith.constant 0 : i32
      %dma_start3A_165 = tpu.memref_slice %arg3[%add3A_79, %dma_start3A_164] : memref<2560x128xi32, #tpu.memory_space<hbm>> -> memref<40x128xi32, #tpu.memory_space<hbm>>
      %dma_start3A_166 = arith.constant 0 : i32
      %dma_start3A_167 = tpu.memref_slice %arg3[%add3A_79, %dma_start3A_166] : memref<2560x128xi32, #tpu.memory_space<hbm>> -> memref<40x128xi32, #tpu.memory_space<hbm>>
      tpu.enqueue_dma source(%dma_start3A_167 : memref<40x128xi32, #tpu.memory_space<hbm>>) target(%arg8 : memref<40x128xi32, #tpu.memory_space<vmem>>) target_semaphore(%run_scoped3A : memref<!tpu.dma_semaphore, #tpu.memory_space<semaphore_mem>>)
      %dma_wait3A_168 = arith.constant 0 : i32
      %dma_wait3A_169 = tpu.memref_slice %arg3[%add3A_79, %dma_wait3A_168] : memref<2560x128xi32, #tpu.memory_space<hbm>> -> memref<40x128xi32, #tpu.memory_space<hbm>>
      %dma_wait3A_170 = arith.constant 0 : i32
      %dma_wait3A_171 = tpu.memref_slice %arg3[%add3A_79, %dma_wait3A_170] : memref<2560x128xi32, #tpu.memory_space<hbm>> -> memref<40x128xi32, #tpu.memory_space<hbm>>
      tpu.wait_dma2 semaphore(%run_scoped3A : memref<!tpu.dma_semaphore, #tpu.memory_space<semaphore_mem>>) src(%dma_wait3A_171 : memref<40x128xi32, #tpu.memory_space<hbm>>) dst(%arg8 : memref<40x128xi32, #tpu.memory_space<vmem>>)
      tpu.yield
    }) : () -> ()
    %add3A_80 = arith.constant 40 : i32
    %add3A_81 = arith.addi %mul3A_4, %add3A_80 : i32
    "tpu.region"() ({
      %run_scoped3A = tpu.sem_alloc : memref<!tpu.dma_semaphore, #tpu.memory_space<semaphore_mem>>
      %dma_start3A_164 = arith.constant 0 : i32
      %dma_start3A_165 = tpu.memref_slice %arg4[%add3A_81, %dma_start3A_164] : memref<2560x128xi32, #tpu.memory_space<hbm>> -> memref<40x128xi32, #tpu.memory_space<hbm>>
      %dma_start3A_166 = arith.constant 0 : i32
      %dma_start3A_167 = tpu.memref_slice %arg4[%add3A_81, %dma_start3A_166] : memref<2560x128xi32, #tpu.memory_space<hbm>> -> memref<40x128xi32, #tpu.memory_space<hbm>>
      tpu.enqueue_dma source(%dma_start3A_167 : memref<40x128xi32, #tpu.memory_space<hbm>>) target(%arg9 : memref<40x128xi32, #tpu.memory_space<vmem>>) target_semaphore(%run_scoped3A : memref<!tpu.dma_semaphore, #tpu.memory_space<semaphore_mem>>)
      %dma_wait3A_168 = arith.constant 0 : i32
      %dma_wait3A_169 = tpu.memref_slice %arg4[%add3A_81, %dma_wait3A_168] : memref<2560x128xi32, #tpu.memory_space<hbm>> -> memref<40x128xi32, #tpu.memory_space<hbm>>
      %dma_wait3A_170 = arith.constant 0 : i32
      %dma_wait3A_171 = tpu.memref_slice %arg4[%add3A_81, %dma_wait3A_170] : memref<2560x128xi32, #tpu.memory_space<hbm>> -> memref<40x128xi32, #tpu.memory_space<hbm>>
      tpu.wait_dma2 semaphore(%run_scoped3A : memref<!tpu.dma_semaphore, #tpu.memory_space<semaphore_mem>>) src(%dma_wait3A_171 : memref<40x128xi32, #tpu.memory_space<hbm>>) dst(%arg9 : memref<40x128xi32, #tpu.memory_space<vmem>>)
      tpu.yield
    }) : () -> ()
    %dma_start3A_82 = arith.constant 0 : i32
    %dma_start3A_83 = arith.constant 0 : i32
    %dma_start3A_84 = arith.constant 0 : i32
    %dma_start3A_85 = arith.constant 0 : i32
    %dma_start3A_86 = tpu.memref_slice %arg10[%dma_start3A_83, %dma_start3A_84, %dma_start3A_85] : memref<2x128x128xf32, #tpu.memory_space<vmem>> -> memref<1x128x128xf32, #tpu.memory_space<vmem>>
    %dma_start3A_87 = tpu.memref_squeeze %dma_start3A_86 : memref<1x128x128xf32, #tpu.memory_space<vmem>> -> memref<128x128xf32, #tpu.memory_space<vmem>>
    %dma_start3A_88 = arith.constant 0 : i32
    %dma_start3A_89 = tpu.memref_slice %arg8[%dma_start3A_82, %dma_start3A_88] : memref<40x128xi32, #tpu.memory_space<vmem>> -> memref<1x128xi32, #tpu.memory_space<vmem>>
    %dma_start3A_90 = tpu.memref_squeeze %dma_start3A_89 : memref<1x128xi32, #tpu.memory_space<vmem>> -> memref<128xi32, #tpu.memory_space<vmem>>
    %dma_start3A_91 = arith.constant 0 : i32
    %dma_start3A_92 = arith.constant 0 : i32
    %dma_start3A_93 = tpu.memref_slice %arg2[%dma_start3A_91, %dma_start3A_92] : memref<10240x128xf32, #tpu.memory_space<hbm>> -> memref<10240x128xf32, #tpu.memory_space<hbm>>
    tpu.enqueue_indirect_dma source(%dma_start3A_93 : memref<10240x128xf32, #tpu.memory_space<hbm>>) target(%dma_start3A_87 : memref<128x128xf32, #tpu.memory_space<vmem>>) offsets(%dma_start3A_90 : memref<128xi32, #tpu.memory_space<vmem>>) semaphore(%arg12 : memref<!tpu.dma_semaphore, #tpu.memory_space<semaphore_mem>>)
    %scan3A_94 = arith.constant 0 : i32
    %scan3A_95 = arith.constant 0 : i32
    %scan3A_96 = arith.constant 5 : i32
    %scan3A_97 = arith.addi %scan3A_95, %scan3A_96 : i32
    %scan3A_98 = arith.constant 1 : i32
    %scan3A_99 = scf.for %scan3A_164 = %scan3A_95 to %scan3A_97 step %scan3A_98 iter_args(%scan3A_165 = %scan3A_94) -> (i32)  : i32 {
      %mul3A_166 = arith.constant 8 : i32
      %mul3A_167 = arith.muli %scan3A_164, %mul3A_166 : i32
      %add3A_168 = arith.constant 0 : i32
      %add3A_169 = arith.addi %mul3A_167, %add3A_168 : i32
      %dma_wait3A_170 = arith.constant 0 : i32
      %dma_wait3A_171 = arith.constant 0 : i32
      %dma_wait3A_172 = arith.constant 0 : i32
      %dma_wait3A_173 = tpu.memref_slice %arg10[%dma_wait3A_170, %dma_wait3A_171, %dma_wait3A_172] : memref<2x128x128xf32, #tpu.memory_space<vmem>> -> memref<1x128x128xf32, #tpu.memory_space<vmem>>
      %dma_wait3A_174 = tpu.memref_squeeze %dma_wait3A_173 : memref<1x128x128xf32, #tpu.memory_space<vmem>> -> memref<128x128xf32, #tpu.memory_space<vmem>>
      %dma_wait3A_175 = arith.constant 0 : i32
      %dma_wait3A_176 = arith.constant 0 : i32
      %dma_wait3A_177 = tpu.memref_slice %arg2[%dma_wait3A_175, %dma_wait3A_176] : memref<10240x128xf32, #tpu.memory_space<hbm>> -> memref<128x128xf32, #tpu.memory_space<hbm>>
      %dma_wait3A_178 = arith.constant 0 : i32
      %dma_wait3A_179 = arith.constant 0 : i32
      %dma_wait3A_180 = tpu.memref_slice %arg10[%dma_wait3A_170, %dma_wait3A_178, %dma_wait3A_179] : memref<2x128x128xf32, #tpu.memory_space<vmem>> -> memref<1x128x128xf32, #tpu.memory_space<vmem>>
      %dma_wait3A_181 = tpu.memref_squeeze %dma_wait3A_180 : memref<1x128x128xf32, #tpu.memory_space<vmem>> -> memref<128x128xf32, #tpu.memory_space<vmem>>
      %dma_wait3A_182 = arith.constant 0 : i32
      %dma_wait3A_183 = arith.constant 0 : i32
      %dma_wait3A_184 = tpu.memref_slice %arg2[%dma_wait3A_182, %dma_wait3A_183] : memref<10240x128xf32, #tpu.memory_space<hbm>> -> memref<128x128xf32, #tpu.memory_space<hbm>>
      tpu.wait_dma2 semaphore(%arg12 : memref<!tpu.dma_semaphore, #tpu.memory_space<semaphore_mem>>) src(%dma_wait3A_184 : memref<128x128xf32, #tpu.memory_space<hbm>>) dst(%dma_wait3A_181 : memref<128x128xf32, #tpu.memory_space<vmem>>)
      %dma_start3A_185 = arith.constant 0 : i32
      %dma_start3A_186 = arith.constant 0 : i32
      %dma_start3A_187 = arith.constant 0 : i32
      %dma_start3A_188 = tpu.memref_slice %arg10[%dma_start3A_185, %dma_start3A_186, %dma_start3A_187] : memref<2x128x128xf32, #tpu.memory_space<vmem>> -> memref<1x128x128xf32, #tpu.memory_space<vmem>>
      %dma_start3A_189 = tpu.memref_squeeze %dma_start3A_188 : memref<1x128x128xf32, #tpu.memory_space<vmem>> -> memref<128x128xf32, #tpu.memory_space<vmem>>
      %dma_start3A_190 = arith.constant 0 : i32
      %dma_start3A_191 = tpu.memref_slice %arg9[%add3A_169, %dma_start3A_190] : memref<40x128xi32, #tpu.memory_space<vmem>> -> memref<1x128xi32, #tpu.memory_space<vmem>>
      %dma_start3A_192 = tpu.memref_squeeze %dma_start3A_191 : memref<1x128xi32, #tpu.memory_space<vmem>> -> memref<128xi32, #tpu.memory_space<vmem>>
      %dma_start3A_193 = arith.constant 0 : i32
      %dma_start3A_194 = arith.constant 0 : i32
      %dma_start3A_195 = tpu.memref_slice %arg11[%dma_start3A_193, %dma_start3A_194] : memref<10064x128xf32, #tpu.memory_space<vmem_shared>> -> memref<10064x128xf32, #tpu.memory_space<vmem_shared>>
      tpu.enqueue_indirect_dma source(%dma_start3A_189 : memref<128x128xf32, #tpu.memory_space<vmem>>) target(%dma_start3A_195 : memref<10064x128xf32, #tpu.memory_space<vmem_shared>>) offsets(%dma_start3A_192 : memref<128xi32, #tpu.memory_space<vmem>>) semaphore(%arg14 : memref<!tpu.dma_semaphore, #tpu.memory_space<semaphore_mem>>) {add = true}
      %add3A_196 = arith.constant 1 : i32
      %add3A_197 = arith.addi %add3A_169, %add3A_196 : i32
      %lt3A = arith.constant 40 : i32
      %lt3A_198 = arith.cmpi slt, %add3A_197, %lt3A : i32
      %convert_element_type3A_199 = arith.extui %lt3A_198 : i1 to i32
      %cond3A_200 = arith.constant 0 : i32
      %cond3A_201 = arith.cmpi ne, %convert_element_type3A_199, %cond3A_200 : i32
      scf.if %cond3A_201 {
        %ge3A = arith.constant 1 : i32
        %ge3A_462 = arith.cmpi sge, %add3A_169, %ge3A : i32
        %convert_element_type3A_463 = arith.extui %ge3A_462 : i1 to i32
        %cond3A_464 = arith.constant 0 : i32
        %cond3A_465 = arith.cmpi ne, %convert_element_type3A_463, %cond3A_464 : i32
        scf.if %cond3A_465 {
          %dma_wait3A_479 = arith.constant 1 : i32
          %dma_wait3A_480 = arith.constant 0 : i32
          %dma_wait3A_481 = arith.constant 0 : i32
          %dma_wait3A_482 = tpu.memref_slice %arg10[%dma_wait3A_479, %dma_wait3A_480, %dma_wait3A_481] : memref<2x128x128xf32, #tpu.memory_space<vmem>> -> memref<1x128x128xf32, #tpu.memory_space<vmem>>
          %dma_wait3A_483 = tpu.memref_squeeze %dma_wait3A_482 : memref<1x128x128xf32, #tpu.memory_space<vmem>> -> memref<128x128xf32, #tpu.memory_space<vmem>>
          %dma_wait3A_484 = arith.constant 0 : i32
          %dma_wait3A_485 = arith.constant 0 : i32
          %dma_wait3A_486 = tpu.memref_slice %arg2[%dma_wait3A_484, %dma_wait3A_485] : memref<10240x128xf32, #tpu.memory_space<hbm>> -> memref<128x128xf32, #tpu.memory_space<hbm>>
          %dma_wait3A_487 = arith.constant 0 : i32
          %dma_wait3A_488 = arith.constant 0 : i32
          %dma_wait3A_489 = tpu.memref_slice %arg10[%dma_wait3A_479, %dma_wait3A_487, %dma_wait3A_488] : memref<2x128x128xf32, #tpu.memory_space<vmem>> -> memref<1x128x128xf32, #tpu.memory_space<vmem>>
          %dma_wait3A_490 = tpu.memref_squeeze %dma_wait3A_489 : memref<1x128x128xf32, #tpu.memory_space<vmem>> -> memref<128x128xf32, #tpu.memory_space<vmem>>
          %dma_wait3A_491 = arith.constant 0 : i32
          %dma_wait3A_492 = arith.constant 0 : i32
          %dma_wait3A_493 = tpu.memref_slice %arg2[%dma_wait3A_491, %dma_wait3A_492] : memref<10240x128xf32, #tpu.memory_space<hbm>> -> memref<128x128xf32, #tpu.memory_space<hbm>>
          tpu.wait_dma2 semaphore(%arg15 : memref<!tpu.dma_semaphore, #tpu.memory_space<semaphore_mem>>) src(%dma_wait3A_493 : memref<128x128xf32, #tpu.memory_space<hbm>>) dst(%dma_wait3A_490 : memref<128x128xf32, #tpu.memory_space<vmem>>)
        } else {
        }
        %add3A_466 = arith.constant 1 : i32
        %add3A_467 = arith.addi %add3A_169, %add3A_466 : i32
        %dma_start3A_468 = arith.constant 1 : i32
        %dma_start3A_469 = arith.constant 0 : i32
        %dma_start3A_470 = arith.constant 0 : i32
        %dma_start3A_471 = tpu.memref_slice %arg10[%dma_start3A_468, %dma_start3A_469, %dma_start3A_470] : memref<2x128x128xf32, #tpu.memory_space<vmem>> -> memref<1x128x128xf32, #tpu.memory_space<vmem>>
        %dma_start3A_472 = tpu.memref_squeeze %dma_start3A_471 : memref<1x128x128xf32, #tpu.memory_space<vmem>> -> memref<128x128xf32, #tpu.memory_space<vmem>>
        %dma_start3A_473 = arith.constant 0 : i32
        %dma_start3A_474 = tpu.memref_slice %arg8[%add3A_467, %dma_start3A_473] : memref<40x128xi32, #tpu.memory_space<vmem>> -> memref<1x128xi32, #tpu.memory_space<vmem>>
        %dma_start3A_475 = tpu.memref_squeeze %dma_start3A_474 : memref<1x128xi32, #tpu.memory_space<vmem>> -> memref<128xi32, #tpu.memory_space<vmem>>
        %dma_start3A_476 = arith.constant 0 : i32
        %dma_start3A_477 = arith.constant 0 : i32
        %dma_start3A_478 = tpu.memref_slice %arg2[%dma_start3A_476, %dma_start3A_477] : memref<10240x128xf32, #tpu.memory_space<hbm>> -> memref<10240x128xf32, #tpu.memory_space<hbm>>
        tpu.enqueue_indirect_dma source(%dma_start3A_478 : memref<10240x128xf32, #tpu.memory_space<hbm>>) target(%dma_start3A_472 : memref<128x128xf32, #tpu.memory_space<vmem>>) offsets(%dma_start3A_475 : memref<128xi32, #tpu.memory_space<vmem>>) semaphore(%arg13 : memref<!tpu.dma_semaphore, #tpu.memory_space<semaphore_mem>>)
      } else {
      }
      %mul3A_202 = arith.constant 8 : i32
      %mul3A_203 = arith.muli %scan3A_164, %mul3A_202 : i32
      %add3A_204 = arith.constant 1 : i32
      %add3A_205 = arith.addi %mul3A_203, %add3A_204 : i32
      %dma_wait3A_206 = arith.constant 1 : i32
      %dma_wait3A_207 = arith.constant 0 : i32
      %dma_wait3A_208 = arith.constant 0 : i32
      %dma_wait3A_209 = tpu.memref_slice %arg10[%dma_wait3A_206, %dma_wait3A_207, %dma_wait3A_208] : memref<2x128x128xf32, #tpu.memory_space<vmem>> -> memref<1x128x128xf32, #tpu.memory_space<vmem>>
      %dma_wait3A_210 = tpu.memref_squeeze %dma_wait3A_209 : memref<1x128x128xf32, #tpu.memory_space<vmem>> -> memref<128x128xf32, #tpu.memory_space<vmem>>
      %dma_wait3A_211 = arith.constant 0 : i32
      %dma_wait3A_212 = arith.constant 0 : i32
      %dma_wait3A_213 = tpu.memref_slice %arg2[%dma_wait3A_211, %dma_wait3A_212] : memref<10240x128xf32, #tpu.memory_space<hbm>> -> memref<128x128xf32, #tpu.memory_space<hbm>>
      %dma_wait3A_214 = arith.constant 0 : i32
      %dma_wait3A_215 = arith.constant 0 : i32
      %dma_wait3A_216 = tpu.memref_slice %arg10[%dma_wait3A_206, %dma_wait3A_214, %dma_wait3A_215] : memref<2x128x128xf32, #tpu.memory_space<vmem>> -> memref<1x128x128xf32, #tpu.memory_space<vmem>>
      %dma_wait3A_217 = tpu.memref_squeeze %dma_wait3A_216 : memref<1x128x128xf32, #tpu.memory_space<vmem>> -> memref<128x128xf32, #tpu.memory_space<vmem>>
      %dma_wait3A_218 = arith.constant 0 : i32
      %dma_wait3A_219 = arith.constant 0 : i32
      %dma_wait3A_220 = tpu.memref_slice %arg2[%dma_wait3A_218, %dma_wait3A_219] : memref<10240x128xf32, #tpu.memory_space<hbm>> -> memref<128x128xf32, #tpu.memory_space<hbm>>
      tpu.wait_dma2 semaphore(%arg13 : memref<!tpu.dma_semaphore, #tpu.memory_space<semaphore_mem>>) src(%dma_wait3A_220 : memref<128x128xf32, #tpu.memory_space<hbm>>) dst(%dma_wait3A_217 : memref<128x128xf32, #tpu.memory_space<vmem>>)
      %dma_start3A_221 = arith.constant 1 : i32
      %dma_start3A_222 = arith.constant 0 : i32
      %dma_start3A_223 = arith.constant 0 : i32
      %dma_start3A_224 = tpu.memref_slice %arg10[%dma_start3A_221, %dma_start3A_222, %dma_start3A_223] : memref<2x128x128xf32, #tpu.memory_space<vmem>> -> memref<1x128x128xf32, #tpu.memory_space<vmem>>
      %dma_start3A_225 = tpu.memref_squeeze %dma_start3A_224 : memref<1x128x128xf32, #tpu.memory_space<vmem>> -> memref<128x128xf32, #tpu.memory_space<vmem>>
      %dma_start3A_226 = arith.constant 0 : i32
      %dma_start3A_227 = tpu.memref_slice %arg9[%add3A_205, %dma_start3A_226] : memref<40x128xi32, #tpu.memory_space<vmem>> -> memref<1x128xi32, #tpu.memory_space<vmem>>
      %dma_start3A_228 = tpu.memref_squeeze %dma_start3A_227 : memref<1x128xi32, #tpu.memory_space<vmem>> -> memref<128xi32, #tpu.memory_space<vmem>>
      %dma_start3A_229 = arith.constant 0 : i32
      %dma_start3A_230 = arith.constant 0 : i32
      %dma_start3A_231 = tpu.memref_slice %arg11[%dma_start3A_229, %dma_start3A_230] : memref<10064x128xf32, #tpu.memory_space<vmem_shared>> -> memref<10064x128xf32, #tpu.memory_space<vmem_shared>>
      tpu.enqueue_indirect_dma source(%dma_start3A_225 : memref<128x128xf32, #tpu.memory_space<vmem>>) target(%dma_start3A_231 : memref<10064x128xf32, #tpu.memory_space<vmem_shared>>) offsets(%dma_start3A_228 : memref<128xi32, #tpu.memory_space<vmem>>) semaphore(%arg15 : memref<!tpu.dma_semaphore, #tpu.memory_space<semaphore_mem>>) {add = true}
      %add3A_232 = arith.constant 1 : i32
      %add3A_233 = arith.addi %add3A_205, %add3A_232 : i32
      %lt3A_234 = arith.constant 40 : i32
      %lt3A_235 = arith.cmpi slt, %add3A_233, %lt3A_234 : i32
      %convert_element_type3A_236 = arith.extui %lt3A_235 : i1 to i32
      %cond3A_237 = arith.constant 0 : i32
      %cond3A_238 = arith.cmpi ne, %convert_element_type3A_236, %cond3A_237 : i32
      scf.if %cond3A_238 {
        %ge3A = arith.constant 1 : i32
        %ge3A_462 = arith.cmpi sge, %add3A_205, %ge3A : i32
        %convert_element_type3A_463 = arith.extui %ge3A_462 : i1 to i32
        %cond3A_464 = arith.constant 0 : i32
        %cond3A_465 = arith.cmpi ne, %convert_element_type3A_463, %cond3A_464 : i32
        scf.if %cond3A_465 {
          %dma_wait3A_479 = arith.constant 0 : i32
          %dma_wait3A_480 = arith.constant 0 : i32
          %dma_wait3A_481 = arith.constant 0 : i32
          %dma_wait3A_482 = tpu.memref_slice %arg10[%dma_wait3A_479, %dma_wait3A_480, %dma_wait3A_481] : memref<2x128x128xf32, #tpu.memory_space<vmem>> -> memref<1x128x128xf32, #tpu.memory_space<vmem>>
          %dma_wait3A_483 = tpu.memref_squeeze %dma_wait3A_482 : memref<1x128x128xf32, #tpu.memory_space<vmem>> -> memref<128x128xf32, #tpu.memory_space<vmem>>
          %dma_wait3A_484 = arith.constant 0 : i32
          %dma_wait3A_485 = arith.constant 0 : i32
          %dma_wait3A_486 = tpu.memref_slice %arg2[%dma_wait3A_484, %dma_wait3A_485] : memref<10240x128xf32, #tpu.memory_space<hbm>> -> memref<128x128xf32, #tpu.memory_space<hbm>>
          %dma_wait3A_487 = arith.constant 0 : i32
          %dma_wait3A_488 = arith.constant 0 : i32
          %dma_wait3A_489 = tpu.memref_slice %arg10[%dma_wait3A_479, %dma_wait3A_487, %dma_wait3A_488] : memref<2x128x128xf32, #tpu.memory_space<vmem>> -> memref<1x128x128xf32, #tpu.memory_space<vmem>>
          %dma_wait3A_490 = tpu.memref_squeeze %dma_wait3A_489 : memref<1x128x128xf32, #tpu.memory_space<vmem>> -> memref<128x128xf32, #tpu.memory_space<vmem>>
          %dma_wait3A_491 = arith.constant 0 : i32
          %dma_wait3A_492 = arith.constant 0 : i32
          %dma_wait3A_493 = tpu.memref_slice %arg2[%dma_wait3A_491, %dma_wait3A_492] : memref<10240x128xf32, #tpu.memory_space<hbm>> -> memref<128x128xf32, #tpu.memory_space<hbm>>
          tpu.wait_dma2 semaphore(%arg14 : memref<!tpu.dma_semaphore, #tpu.memory_space<semaphore_mem>>) src(%dma_wait3A_493 : memref<128x128xf32, #tpu.memory_space<hbm>>) dst(%dma_wait3A_490 : memref<128x128xf32, #tpu.memory_space<vmem>>)
        } else {
        }
        %add3A_466 = arith.constant 1 : i32
        %add3A_467 = arith.addi %add3A_205, %add3A_466 : i32
        %dma_start3A_468 = arith.constant 0 : i32
        %dma_start3A_469 = arith.constant 0 : i32
        %dma_start3A_470 = arith.constant 0 : i32
        %dma_start3A_471 = tpu.memref_slice %arg10[%dma_start3A_468, %dma_start3A_469, %dma_start3A_470] : memref<2x128x128xf32, #tpu.memory_space<vmem>> -> memref<1x128x128xf32, #tpu.memory_space<vmem>>
        %dma_start3A_472 = tpu.memref_squeeze %dma_start3A_471 : memref<1x128x128xf32, #tpu.memory_space<vmem>> -> memref<128x128xf32, #tpu.memory_space<vmem>>
        %dma_start3A_473 = arith.constant 0 : i32
        %dma_start3A_474 = tpu.memref_slice %arg8[%add3A_467, %dma_start3A_473] : memref<40x128xi32, #tpu.memory_space<vmem>> -> memref<1x128xi32, #tpu.memory_space<vmem>>
        %dma_start3A_475 = tpu.memref_squeeze %dma_start3A_474 : memref<1x128xi32, #tpu.memory_space<vmem>> -> memref<128xi32, #tpu.memory_space<vmem>>
        %dma_start3A_476 = arith.constant 0 : i32
        %dma_start3A_477 = arith.constant 0 : i32
        %dma_start3A_478 = tpu.memref_slice %arg2[%dma_start3A_476, %dma_start3A_477] : memref<10240x128xf32, #tpu.memory_space<hbm>> -> memref<10240x128xf32, #tpu.memory_space<hbm>>
        tpu.enqueue_indirect_dma source(%dma_start3A_478 : memref<10240x128xf32, #tpu.memory_space<hbm>>) target(%dma_start3A_472 : memref<128x128xf32, #tpu.memory_space<vmem>>) offsets(%dma_start3A_475 : memref<128xi32, #tpu.memory_space<vmem>>) semaphore(%arg12 : memref<!tpu.dma_semaphore, #tpu.memory_space<semaphore_mem>>)
      } else {
      }
      %mul3A_239 = arith.constant 8 : i32
      %mul3A_240 = arith.muli %scan3A_164, %mul3A_239 : i32
      %add3A_241 = arith.constant 2 : i32
      %add3A_242 = arith.addi %mul3A_240, %add3A_241 : i32
      %dma_wait3A_243 = arith.constant 0 : i32
      %dma_wait3A_244 = arith.constant 0 : i32
      %dma_wait3A_245 = arith.constant 0 : i32
      %dma_wait3A_246 = tpu.memref_slice %arg10[%dma_wait3A_243, %dma_wait3A_244, %dma_wait3A_245] : memref<2x128x128xf32, #tpu.memory_space<vmem>> -> memref<1x128x128xf32, #tpu.memory_space<vmem>>
      %dma_wait3A_247 = tpu.memref_squeeze %dma_wait3A_246 : memref<1x128x128xf32, #tpu.memory_space<vmem>> -> memref<128x128xf32, #tpu.memory_space<vmem>>
      %dma_wait3A_248 = arith.constant 0 : i32
      %dma_wait3A_249 = arith.constant 0 : i32
      %dma_wait3A_250 = tpu.memref_slice %arg2[%dma_wait3A_248, %dma_wait3A_249] : memref<10240x128xf32, #tpu.memory_space<hbm>> -> memref<128x128xf32, #tpu.memory_space<hbm>>
      %dma_wait3A_251 = arith.constant 0 : i32
      %dma_wait3A_252 = arith.constant 0 : i32
      %dma_wait3A_253 = tpu.memref_slice %arg10[%dma_wait3A_243, %dma_wait3A_251, %dma_wait3A_252] : memref<2x128x128xf32, #tpu.memory_space<vmem>> -> memref<1x128x128xf32, #tpu.memory_space<vmem>>
      %dma_wait3A_254 = tpu.memref_squeeze %dma_wait3A_253 : memref<1x128x128xf32, #tpu.memory_space<vmem>> -> memref<128x128xf32, #tpu.memory_space<vmem>>
      %dma_wait3A_255 = arith.constant 0 : i32
      %dma_wait3A_256 = arith.constant 0 : i32
      %dma_wait3A_257 = tpu.memref_slice %arg2[%dma_wait3A_255, %dma_wait3A_256] : memref<10240x128xf32, #tpu.memory_space<hbm>> -> memref<128x128xf32, #tpu.memory_space<hbm>>
      tpu.wait_dma2 semaphore(%arg12 : memref<!tpu.dma_semaphore, #tpu.memory_space<semaphore_mem>>) src(%dma_wait3A_257 : memref<128x128xf32, #tpu.memory_space<hbm>>) dst(%dma_wait3A_254 : memref<128x128xf32, #tpu.memory_space<vmem>>)
      %dma_start3A_258 = arith.constant 0 : i32
      %dma_start3A_259 = arith.constant 0 : i32
      %dma_start3A_260 = arith.constant 0 : i32
      %dma_start3A_261 = tpu.memref_slice %arg10[%dma_start3A_258, %dma_start3A_259, %dma_start3A_260] : memref<2x128x128xf32, #tpu.memory_space<vmem>> -> memref<1x128x128xf32, #tpu.memory_space<vmem>>
      %dma_start3A_262 = tpu.memref_squeeze %dma_start3A_261 : memref<1x128x128xf32, #tpu.memory_space<vmem>> -> memref<128x128xf32, #tpu.memory_space<vmem>>
      %dma_start3A_263 = arith.constant 0 : i32
      %dma_start3A_264 = tpu.memref_slice %arg9[%add3A_242, %dma_start3A_263] : memref<40x128xi32, #tpu.memory_space<vmem>> -> memref<1x128xi32, #tpu.memory_space<vmem>>
      %dma_start3A_265 = tpu.memref_squeeze %dma_start3A_264 : memref<1x128xi32, #tpu.memory_space<vmem>> -> memref<128xi32, #tpu.memory_space<vmem>>
      %dma_start3A_266 = arith.constant 0 : i32
      %dma_start3A_267 = arith.constant 0 : i32
      %dma_start3A_268 = tpu.memref_slice %arg11[%dma_start3A_266, %dma_start3A_267] : memref<10064x128xf32, #tpu.memory_space<vmem_shared>> -> memref<10064x128xf32, #tpu.memory_space<vmem_shared>>
      tpu.enqueue_indirect_dma source(%dma_start3A_262 : memref<128x128xf32, #tpu.memory_space<vmem>>) target(%dma_start3A_268 : memref<10064x128xf32, #tpu.memory_space<vmem_shared>>) offsets(%dma_start3A_265 : memref<128xi32, #tpu.memory_space<vmem>>) semaphore(%arg14 : memref<!tpu.dma_semaphore, #tpu.memory_space<semaphore_mem>>) {add = true}
      %add3A_269 = arith.constant 1 : i32
      %add3A_270 = arith.addi %add3A_242, %add3A_269 : i32
      %lt3A_271 = arith.constant 40 : i32
      %lt3A_272 = arith.cmpi slt, %add3A_270, %lt3A_271 : i32
      %convert_element_type3A_273 = arith.extui %lt3A_272 : i1 to i32
      %cond3A_274 = arith.constant 0 : i32
      %cond3A_275 = arith.cmpi ne, %convert_element_type3A_273, %cond3A_274 : i32
      scf.if %cond3A_275 {
        %ge3A = arith.constant 1 : i32
        %ge3A_462 = arith.cmpi sge, %add3A_242, %ge3A : i32
        %convert_element_type3A_463 = arith.extui %ge3A_462 : i1 to i32
        %cond3A_464 = arith.constant 0 : i32
        %cond3A_465 = arith.cmpi ne, %convert_element_type3A_463, %cond3A_464 : i32
        scf.if %cond3A_465 {
          %dma_wait3A_479 = arith.constant 1 : i32
          %dma_wait3A_480 = arith.constant 0 : i32
          %dma_wait3A_481 = arith.constant 0 : i32
          %dma_wait3A_482 = tpu.memref_slice %arg10[%dma_wait3A_479, %dma_wait3A_480, %dma_wait3A_481] : memref<2x128x128xf32, #tpu.memory_space<vmem>> -> memref<1x128x128xf32, #tpu.memory_space<vmem>>
          %dma_wait3A_483 = tpu.memref_squeeze %dma_wait3A_482 : memref<1x128x128xf32, #tpu.memory_space<vmem>> -> memref<128x128xf32, #tpu.memory_space<vmem>>
          %dma_wait3A_484 = arith.constant 0 : i32
          %dma_wait3A_485 = arith.constant 0 : i32
          %dma_wait3A_486 = tpu.memref_slice %arg2[%dma_wait3A_484, %dma_wait3A_485] : memref<10240x128xf32, #tpu.memory_space<hbm>> -> memref<128x128xf32, #tpu.memory_space<hbm>>
          %dma_wait3A_487 = arith.constant 0 : i32
          %dma_wait3A_488 = arith.constant 0 : i32
          %dma_wait3A_489 = tpu.memref_slice %arg10[%dma_wait3A_479, %dma_wait3A_487, %dma_wait3A_488] : memref<2x128x128xf32, #tpu.memory_space<vmem>> -> memref<1x128x128xf32, #tpu.memory_space<vmem>>
          %dma_wait3A_490 = tpu.memref_squeeze %dma_wait3A_489 : memref<1x128x128xf32, #tpu.memory_space<vmem>> -> memref<128x128xf32, #tpu.memory_space<vmem>>
          %dma_wait3A_491 = arith.constant 0 : i32
          %dma_wait3A_492 = arith.constant 0 : i32
          %dma_wait3A_493 = tpu.memref_slice %arg2[%dma_wait3A_491, %dma_wait3A_492] : memref<10240x128xf32, #tpu.memory_space<hbm>> -> memref<128x128xf32, #tpu.memory_space<hbm>>
          tpu.wait_dma2 semaphore(%arg15 : memref<!tpu.dma_semaphore, #tpu.memory_space<semaphore_mem>>) src(%dma_wait3A_493 : memref<128x128xf32, #tpu.memory_space<hbm>>) dst(%dma_wait3A_490 : memref<128x128xf32, #tpu.memory_space<vmem>>)
        } else {
        }
        %add3A_466 = arith.constant 1 : i32
        %add3A_467 = arith.addi %add3A_242, %add3A_466 : i32
        %dma_start3A_468 = arith.constant 1 : i32
        %dma_start3A_469 = arith.constant 0 : i32
        %dma_start3A_470 = arith.constant 0 : i32
        %dma_start3A_471 = tpu.memref_slice %arg10[%dma_start3A_468, %dma_start3A_469, %dma_start3A_470] : memref<2x128x128xf32, #tpu.memory_space<vmem>> -> memref<1x128x128xf32, #tpu.memory_space<vmem>>
        %dma_start3A_472 = tpu.memref_squeeze %dma_start3A_471 : memref<1x128x128xf32, #tpu.memory_space<vmem>> -> memref<128x128xf32, #tpu.memory_space<vmem>>
        %dma_start3A_473 = arith.constant 0 : i32
        %dma_start3A_474 = tpu.memref_slice %arg8[%add3A_467, %dma_start3A_473] : memref<40x128xi32, #tpu.memory_space<vmem>> -> memref<1x128xi32, #tpu.memory_space<vmem>>
        %dma_start3A_475 = tpu.memref_squeeze %dma_start3A_474 : memref<1x128xi32, #tpu.memory_space<vmem>> -> memref<128xi32, #tpu.memory_space<vmem>>
        %dma_start3A_476 = arith.constant 0 : i32
        %dma_start3A_477 = arith.constant 0 : i32
        %dma_start3A_478 = tpu.memref_slice %arg2[%dma_start3A_476, %dma_start3A_477] : memref<10240x128xf32, #tpu.memory_space<hbm>> -> memref<10240x128xf32, #tpu.memory_space<hbm>>
        tpu.enqueue_indirect_dma source(%dma_start3A_478 : memref<10240x128xf32, #tpu.memory_space<hbm>>) target(%dma_start3A_472 : memref<128x128xf32, #tpu.memory_space<vmem>>) offsets(%dma_start3A_475 : memref<128xi32, #tpu.memory_space<vmem>>) semaphore(%arg13 : memref<!tpu.dma_semaphore, #tpu.memory_space<semaphore_mem>>)
      } else {
      }
      %mul3A_276 = arith.constant 8 : i32
      %mul3A_277 = arith.muli %scan3A_164, %mul3A_276 : i32
      %add3A_278 = arith.constant 3 : i32
      %add3A_279 = arith.addi %mul3A_277, %add3A_278 : i32
      %dma_wait3A_280 = arith.constant 1 : i32
      %dma_wait3A_281 = arith.constant 0 : i32
      %dma_wait3A_282 = arith.constant 0 : i32
      %dma_wait3A_283 = tpu.memref_slice %arg10[%dma_wait3A_280, %dma_wait3A_281, %dma_wait3A_282] : memref<2x128x128xf32, #tpu.memory_space<vmem>> -> memref<1x128x128xf32, #tpu.memory_space<vmem>>
      %dma_wait3A_284 = tpu.memref_squeeze %dma_wait3A_283 : memref<1x128x128xf32, #tpu.memory_space<vmem>> -> memref<128x128xf32, #tpu.memory_space<vmem>>
      %dma_wait3A_285 = arith.constant 0 : i32
      %dma_wait3A_286 = arith.constant 0 : i32
      %dma_wait3A_287 = tpu.memref_slice %arg2[%dma_wait3A_285, %dma_wait3A_286] : memref<10240x128xf32, #tpu.memory_space<hbm>> -> memref<128x128xf32, #tpu.memory_space<hbm>>
      %dma_wait3A_288 = arith.constant 0 : i32
      %dma_wait3A_289 = arith.constant 0 : i32
      %dma_wait3A_290 = tpu.memref_slice %arg10[%dma_wait3A_280, %dma_wait3A_288, %dma_wait3A_289] : memref<2x128x128xf32, #tpu.memory_space<vmem>> -> memref<1x128x128xf32, #tpu.memory_space<vmem>>
      %dma_wait3A_291 = tpu.memref_squeeze %dma_wait3A_290 : memref<1x128x128xf32, #tpu.memory_space<vmem>> -> memref<128x128xf32, #tpu.memory_space<vmem>>
      %dma_wait3A_292 = arith.constant 0 : i32
      %dma_wait3A_293 = arith.constant 0 : i32
      %dma_wait3A_294 = tpu.memref_slice %arg2[%dma_wait3A_292, %dma_wait3A_293] : memref<10240x128xf32, #tpu.memory_space<hbm>> -> memref<128x128xf32, #tpu.memory_space<hbm>>
      tpu.wait_dma2 semaphore(%arg13 : memref<!tpu.dma_semaphore, #tpu.memory_space<semaphore_mem>>) src(%dma_wait3A_294 : memref<128x128xf32, #tpu.memory_space<hbm>>) dst(%dma_wait3A_291 : memref<128x128xf32, #tpu.memory_space<vmem>>)
      %dma_start3A_295 = arith.constant 1 : i32
      %dma_start3A_296 = arith.constant 0 : i32
      %dma_start3A_297 = arith.constant 0 : i32
      %dma_start3A_298 = tpu.memref_slice %arg10[%dma_start3A_295, %dma_start3A_296, %dma_start3A_297] : memref<2x128x128xf32, #tpu.memory_space<vmem>> -> memref<1x128x128xf32, #tpu.memory_space<vmem>>
      %dma_start3A_299 = tpu.memref_squeeze %dma_start3A_298 : memref<1x128x128xf32, #tpu.memory_space<vmem>> -> memref<128x128xf32, #tpu.memory_space<vmem>>
      %dma_start3A_300 = arith.constant 0 : i32
      %dma_start3A_301 = tpu.memref_slice %arg9[%add3A_279, %dma_start3A_300] : memref<40x128xi32, #tpu.memory_space<vmem>> -> memref<1x128xi32, #tpu.memory_space<vmem>>
      %dma_start3A_302 = tpu.memref_squeeze %dma_start3A_301 : memref<1x128xi32, #tpu.memory_space<vmem>> -> memref<128xi32, #tpu.memory_space<vmem>>
      %dma_start3A_303 = arith.constant 0 : i32
      %dma_start3A_304 = arith.constant 0 : i32
      %dma_start3A_305 = tpu.memref_slice %arg11[%dma_start3A_303, %dma_start3A_304] : memref<10064x128xf32, #tpu.memory_space<vmem_shared>> -> memref<10064x128xf32, #tpu.memory_space<vmem_shared>>
      tpu.enqueue_indirect_dma source(%dma_start3A_299 : memref<128x128xf32, #tpu.memory_space<vmem>>) target(%dma_start3A_305 : memref<10064x128xf32, #tpu.memory_space<vmem_shared>>) offsets(%dma_start3A_302 : memref<128xi32, #tpu.memory_space<vmem>>) semaphore(%arg15 : memref<!tpu.dma_semaphore, #tpu.memory_space<semaphore_mem>>) {add = true}
      %add3A_306 = arith.constant 1 : i32
      %add3A_307 = arith.addi %add3A_279, %add3A_306 : i32
      %lt3A_308 = arith.constant 40 : i32
      %lt3A_309 = arith.cmpi slt, %add3A_307, %lt3A_308 : i32
      %convert_element_type3A_310 = arith.extui %lt3A_309 : i1 to i32
      %cond3A_311 = arith.constant 0 : i32
      %cond3A_312 = arith.cmpi ne, %convert_element_type3A_310, %cond3A_311 : i32
      scf.if %cond3A_312 {
        %ge3A = arith.constant 1 : i32
        %ge3A_462 = arith.cmpi sge, %add3A_279, %ge3A : i32
        %convert_element_type3A_463 = arith.extui %ge3A_462 : i1 to i32
        %cond3A_464 = arith.constant 0 : i32
        %cond3A_465 = arith.cmpi ne, %convert_element_type3A_463, %cond3A_464 : i32
        scf.if %cond3A_465 {
          %dma_wait3A_479 = arith.constant 0 : i32
          %dma_wait3A_480 = arith.constant 0 : i32
          %dma_wait3A_481 = arith.constant 0 : i32
          %dma_wait3A_482 = tpu.memref_slice %arg10[%dma_wait3A_479, %dma_wait3A_480, %dma_wait3A_481] : memref<2x128x128xf32, #tpu.memory_space<vmem>> -> memref<1x128x128xf32, #tpu.memory_space<vmem>>
          %dma_wait3A_483 = tpu.memref_squeeze %dma_wait3A_482 : memref<1x128x128xf32, #tpu.memory_space<vmem>> -> memref<128x128xf32, #tpu.memory_space<vmem>>
          %dma_wait3A_484 = arith.constant 0 : i32
          %dma_wait3A_485 = arith.constant 0 : i32
          %dma_wait3A_486 = tpu.memref_slice %arg2[%dma_wait3A_484, %dma_wait3A_485] : memref<10240x128xf32, #tpu.memory_space<hbm>> -> memref<128x128xf32, #tpu.memory_space<hbm>>
          %dma_wait3A_487 = arith.constant 0 : i32
          %dma_wait3A_488 = arith.constant 0 : i32
          %dma_wait3A_489 = tpu.memref_slice %arg10[%dma_wait3A_479, %dma_wait3A_487, %dma_wait3A_488] : memref<2x128x128xf32, #tpu.memory_space<vmem>> -> memref<1x128x128xf32, #tpu.memory_space<vmem>>
          %dma_wait3A_490 = tpu.memref_squeeze %dma_wait3A_489 : memref<1x128x128xf32, #tpu.memory_space<vmem>> -> memref<128x128xf32, #tpu.memory_space<vmem>>
          %dma_wait3A_491 = arith.constant 0 : i32
          %dma_wait3A_492 = arith.constant 0 : i32
          %dma_wait3A_493 = tpu.memref_slice %arg2[%dma_wait3A_491, %dma_wait3A_492] : memref<10240x128xf32, #tpu.memory_space<hbm>> -> memref<128x128xf32, #tpu.memory_space<hbm>>
          tpu.wait_dma2 semaphore(%arg14 : memref<!tpu.dma_semaphore, #tpu.memory_space<semaphore_mem>>) src(%dma_wait3A_493 : memref<128x128xf32, #tpu.memory_space<hbm>>) dst(%dma_wait3A_490 : memref<128x128xf32, #tpu.memory_space<vmem>>)
        } else {
        }
        %add3A_466 = arith.constant 1 : i32
        %add3A_467 = arith.addi %add3A_279, %add3A_466 : i32
        %dma_start3A_468 = arith.constant 0 : i32
        %dma_start3A_469 = arith.constant 0 : i32
        %dma_start3A_470 = arith.constant 0 : i32
        %dma_start3A_471 = tpu.memref_slice %arg10[%dma_start3A_468, %dma_start3A_469, %dma_start3A_470] : memref<2x128x128xf32, #tpu.memory_space<vmem>> -> memref<1x128x128xf32, #tpu.memory_space<vmem>>
        %dma_start3A_472 = tpu.memref_squeeze %dma_start3A_471 : memref<1x128x128xf32, #tpu.memory_space<vmem>> -> memref<128x128xf32, #tpu.memory_space<vmem>>
        %dma_start3A_473 = arith.constant 0 : i32
        %dma_start3A_474 = tpu.memref_slice %arg8[%add3A_467, %dma_start3A_473] : memref<40x128xi32, #tpu.memory_space<vmem>> -> memref<1x128xi32, #tpu.memory_space<vmem>>
        %dma_start3A_475 = tpu.memref_squeeze %dma_start3A_474 : memref<1x128xi32, #tpu.memory_space<vmem>> -> memref<128xi32, #tpu.memory_space<vmem>>
        %dma_start3A_476 = arith.constant 0 : i32
        %dma_start3A_477 = arith.constant 0 : i32
        %dma_start3A_478 = tpu.memref_slice %arg2[%dma_start3A_476, %dma_start3A_477] : memref<10240x128xf32, #tpu.memory_space<hbm>> -> memref<10240x128xf32, #tpu.memory_space<hbm>>
        tpu.enqueue_indirect_dma source(%dma_start3A_478 : memref<10240x128xf32, #tpu.memory_space<hbm>>) target(%dma_start3A_472 : memref<128x128xf32, #tpu.memory_space<vmem>>) offsets(%dma_start3A_475 : memref<128xi32, #tpu.memory_space<vmem>>) semaphore(%arg12 : memref<!tpu.dma_semaphore, #tpu.memory_space<semaphore_mem>>)
      } else {
      }
      %mul3A_313 = arith.constant 8 : i32
      %mul3A_314 = arith.muli %scan3A_164, %mul3A_313 : i32
      %add3A_315 = arith.constant 4 : i32
      %add3A_316 = arith.addi %mul3A_314, %add3A_315 : i32
      %dma_wait3A_317 = arith.constant 0 : i32
      %dma_wait3A_318 = arith.constant 0 : i32
      %dma_wait3A_319 = arith.constant 0 : i32
      %dma_wait3A_320 = tpu.memref_slice %arg10[%dma_wait3A_317, %dma_wait3A_318, %dma_wait3A_319] : memref<2x128x128xf32, #tpu.memory_space<vmem>> -> memref<1x128x128xf32, #tpu.memory_space<vmem>>
      %dma_wait3A_321 = tpu.memref_squeeze %dma_wait3A_320 : memref<1x128x128xf32, #tpu.memory_space<vmem>> -> memref<128x128xf32, #tpu.memory_space<vmem>>
      %dma_wait3A_322 = arith.constant 0 : i32
      %dma_wait3A_323 = arith.constant 0 : i32
      %dma_wait3A_324 = tpu.memref_slice %arg2[%dma_wait3A_322, %dma_wait3A_323] : memref<10240x128xf32, #tpu.memory_space<hbm>> -> memref<128x128xf32, #tpu.memory_space<hbm>>
      %dma_wait3A_325 = arith.constant 0 : i32
      %dma_wait3A_326 = arith.constant 0 : i32
      %dma_wait3A_327 = tpu.memref_slice %arg10[%dma_wait3A_317, %dma_wait3A_325, %dma_wait3A_326] : memref<2x128x128xf32, #tpu.memory_space<vmem>> -> memref<1x128x128xf32, #tpu.memory_space<vmem>>
      %dma_wait3A_328 = tpu.memref_squeeze %dma_wait3A_327 : memref<1x128x128xf32, #tpu.memory_space<vmem>> -> memref<128x128xf32, #tpu.memory_space<vmem>>
      %dma_wait3A_329 = arith.constant 0 : i32
      %dma_wait3A_330 = arith.constant 0 : i32
      %dma_wait3A_331 = tpu.memref_slice %arg2[%dma_wait3A_329, %dma_wait3A_330] : memref<10240x128xf32, #tpu.memory_space<hbm>> -> memref<128x128xf32, #tpu.memory_space<hbm>>
      tpu.wait_dma2 semaphore(%arg12 : memref<!tpu.dma_semaphore, #tpu.memory_space<semaphore_mem>>) src(%dma_wait3A_331 : memref<128x128xf32, #tpu.memory_space<hbm>>) dst(%dma_wait3A_328 : memref<128x128xf32, #tpu.memory_space<vmem>>)
      %dma_start3A_332 = arith.constant 0 : i32
      %dma_start3A_333 = arith.constant 0 : i32
      %dma_start3A_334 = arith.constant 0 : i32
      %dma_start3A_335 = tpu.memref_slice %arg10[%dma_start3A_332, %dma_start3A_333, %dma_start3A_334] : memref<2x128x128xf32, #tpu.memory_space<vmem>> -> memref<1x128x128xf32, #tpu.memory_space<vmem>>
      %dma_start3A_336 = tpu.memref_squeeze %dma_start3A_335 : memref<1x128x128xf32, #tpu.memory_space<vmem>> -> memref<128x128xf32, #tpu.memory_space<vmem>>
      %dma_start3A_337 = arith.constant 0 : i32
      %dma_start3A_338 = tpu.memref_slice %arg9[%add3A_316, %dma_start3A_337] : memref<40x128xi32, #tpu.memory_space<vmem>> -> memref<1x128xi32, #tpu.memory_space<vmem>>
      %dma_start3A_339 = tpu.memref_squeeze %dma_start3A_338 : memref<1x128xi32, #tpu.memory_space<vmem>> -> memref<128xi32, #tpu.memory_space<vmem>>
      %dma_start3A_340 = arith.constant 0 : i32
      %dma_start3A_341 = arith.constant 0 : i32
      %dma_start3A_342 = tpu.memref_slice %arg11[%dma_start3A_340, %dma_start3A_341] : memref<10064x128xf32, #tpu.memory_space<vmem_shared>> -> memref<10064x128xf32, #tpu.memory_space<vmem_shared>>
      tpu.enqueue_indirect_dma source(%dma_start3A_336 : memref<128x128xf32, #tpu.memory_space<vmem>>) target(%dma_start3A_342 : memref<10064x128xf32, #tpu.memory_space<vmem_shared>>) offsets(%dma_start3A_339 : memref<128xi32, #tpu.memory_space<vmem>>) semaphore(%arg14 : memref<!tpu.dma_semaphore, #tpu.memory_space<semaphore_mem>>) {add = true}
      %add3A_343 = arith.constant 1 : i32
      %add3A_344 = arith.addi %add3A_316, %add3A_343 : i32
      %lt3A_345 = arith.constant 40 : i32
      %lt3A_346 = arith.cmpi slt, %add3A_344, %lt3A_345 : i32
      %convert_element_type3A_347 = arith.extui %lt3A_346 : i1 to i32
      %cond3A_348 = arith.constant 0 : i32
      %cond3A_349 = arith.cmpi ne, %convert_element_type3A_347, %cond3A_348 : i32
      scf.if %cond3A_349 {
        %ge3A = arith.constant 1 : i32
        %ge3A_462 = arith.cmpi sge, %add3A_316, %ge3A : i32
        %convert_element_type3A_463 = arith.extui %ge3A_462 : i1 to i32
        %cond3A_464 = arith.constant 0 : i32
        %cond3A_465 = arith.cmpi ne, %convert_element_type3A_463, %cond3A_464 : i32
        scf.if %cond3A_465 {
          %dma_wait3A_479 = arith.constant 1 : i32
          %dma_wait3A_480 = arith.constant 0 : i32
          %dma_wait3A_481 = arith.constant 0 : i32
          %dma_wait3A_482 = tpu.memref_slice %arg10[%dma_wait3A_479, %dma_wait3A_480, %dma_wait3A_481] : memref<2x128x128xf32, #tpu.memory_space<vmem>> -> memref<1x128x128xf32, #tpu.memory_space<vmem>>
          %dma_wait3A_483 = tpu.memref_squeeze %dma_wait3A_482 : memref<1x128x128xf32, #tpu.memory_space<vmem>> -> memref<128x128xf32, #tpu.memory_space<vmem>>
          %dma_wait3A_484 = arith.constant 0 : i32
          %dma_wait3A_485 = arith.constant 0 : i32
          %dma_wait3A_486 = tpu.memref_slice %arg2[%dma_wait3A_484, %dma_wait3A_485] : memref<10240x128xf32, #tpu.memory_space<hbm>> -> memref<128x128xf32, #tpu.memory_space<hbm>>
          %dma_wait3A_487 = arith.constant 0 : i32
          %dma_wait3A_488 = arith.constant 0 : i32
          %dma_wait3A_489 = tpu.memref_slice %arg10[%dma_wait3A_479, %dma_wait3A_487, %dma_wait3A_488] : memref<2x128x128xf32, #tpu.memory_space<vmem>> -> memref<1x128x128xf32, #tpu.memory_space<vmem>>
          %dma_wait3A_490 = tpu.memref_squeeze %dma_wait3A_489 : memref<1x128x128xf32, #tpu.memory_space<vmem>> -> memref<128x128xf32, #tpu.memory_space<vmem>>
          %dma_wait3A_491 = arith.constant 0 : i32
          %dma_wait3A_492 = arith.constant 0 : i32
          %dma_wait3A_493 = tpu.memref_slice %arg2[%dma_wait3A_491, %dma_wait3A_492] : memref<10240x128xf32, #tpu.memory_space<hbm>> -> memref<128x128xf32, #tpu.memory_space<hbm>>
          tpu.wait_dma2 semaphore(%arg15 : memref<!tpu.dma_semaphore, #tpu.memory_space<semaphore_mem>>) src(%dma_wait3A_493 : memref<128x128xf32, #tpu.memory_space<hbm>>) dst(%dma_wait3A_490 : memref<128x128xf32, #tpu.memory_space<vmem>>)
        } else {
        }
        %add3A_466 = arith.constant 1 : i32
        %add3A_467 = arith.addi %add3A_316, %add3A_466 : i32
        %dma_start3A_468 = arith.constant 1 : i32
        %dma_start3A_469 = arith.constant 0 : i32
        %dma_start3A_470 = arith.constant 0 : i32
        %dma_start3A_471 = tpu.memref_slice %arg10[%dma_start3A_468, %dma_start3A_469, %dma_start3A_470] : memref<2x128x128xf32, #tpu.memory_space<vmem>> -> memref<1x128x128xf32, #tpu.memory_space<vmem>>
        %dma_start3A_472 = tpu.memref_squeeze %dma_start3A_471 : memref<1x128x128xf32, #tpu.memory_space<vmem>> -> memref<128x128xf32, #tpu.memory_space<vmem>>
        %dma_start3A_473 = arith.constant 0 : i32
        %dma_start3A_474 = tpu.memref_slice %arg8[%add3A_467, %dma_start3A_473] : memref<40x128xi32, #tpu.memory_space<vmem>> -> memref<1x128xi32, #tpu.memory_space<vmem>>
        %dma_start3A_475 = tpu.memref_squeeze %dma_start3A_474 : memref<1x128xi32, #tpu.memory_space<vmem>> -> memref<128xi32, #tpu.memory_space<vmem>>
        %dma_start3A_476 = arith.constant 0 : i32
        %dma_start3A_477 = arith.constant 0 : i32
        %dma_start3A_478 = tpu.memref_slice %arg2[%dma_start3A_476, %dma_start3A_477] : memref<10240x128xf32, #tpu.memory_space<hbm>> -> memref<10240x128xf32, #tpu.memory_space<hbm>>
        tpu.enqueue_indirect_dma source(%dma_start3A_478 : memref<10240x128xf32, #tpu.memory_space<hbm>>) target(%dma_start3A_472 : memref<128x128xf32, #tpu.memory_space<vmem>>) offsets(%dma_start3A_475 : memref<128xi32, #tpu.memory_space<vmem>>) semaphore(%arg13 : memref<!tpu.dma_semaphore, #tpu.memory_space<semaphore_mem>>)
      } else {
      }
      %mul3A_350 = arith.constant 8 : i32
      %mul3A_351 = arith.muli %scan3A_164, %mul3A_350 : i32
      %add3A_352 = arith.constant 5 : i32
      %add3A_353 = arith.addi %mul3A_351, %add3A_352 : i32
      %dma_wait3A_354 = arith.constant 1 : i32
      %dma_wait3A_355 = arith.constant 0 : i32
      %dma_wait3A_356 = arith.constant 0 : i32
      %dma_wait3A_357 = tpu.memref_slice %arg10[%dma_wait3A_354, %dma_wait3A_355, %dma_wait3A_356] : memref<2x128x128xf32, #tpu.memory_space<vmem>> -> memref<1x128x128xf32, #tpu.memory_space<vmem>>
      %dma_wait3A_358 = tpu.memref_squeeze %dma_wait3A_357 : memref<1x128x128xf32, #tpu.memory_space<vmem>> -> memref<128x128xf32, #tpu.memory_space<vmem>>
      %dma_wait3A_359 = arith.constant 0 : i32
      %dma_wait3A_360 = arith.constant 0 : i32
      %dma_wait3A_361 = tpu.memref_slice %arg2[%dma_wait3A_359, %dma_wait3A_360] : memref<10240x128xf32, #tpu.memory_space<hbm>> -> memref<128x128xf32, #tpu.memory_space<hbm>>
      %dma_wait3A_362 = arith.constant 0 : i32
      %dma_wait3A_363 = arith.constant 0 : i32
      %dma_wait3A_364 = tpu.memref_slice %arg10[%dma_wait3A_354, %dma_wait3A_362, %dma_wait3A_363] : memref<2x128x128xf32, #tpu.memory_space<vmem>> -> memref<1x128x128xf32, #tpu.memory_space<vmem>>
      %dma_wait3A_365 = tpu.memref_squeeze %dma_wait3A_364 : memref<1x128x128xf32, #tpu.memory_space<vmem>> -> memref<128x128xf32, #tpu.memory_space<vmem>>
      %dma_wait3A_366 = arith.constant 0 : i32
      %dma_wait3A_367 = arith.constant 0 : i32
      %dma_wait3A_368 = tpu.memref_slice %arg2[%dma_wait3A_366, %dma_wait3A_367] : memref<10240x128xf32, #tpu.memory_space<hbm>> -> memref<128x128xf32, #tpu.memory_space<hbm>>
      tpu.wait_dma2 semaphore(%arg13 : memref<!tpu.dma_semaphore, #tpu.memory_space<semaphore_mem>>) src(%dma_wait3A_368 : memref<128x128xf32, #tpu.memory_space<hbm>>) dst(%dma_wait3A_365 : memref<128x128xf32, #tpu.memory_space<vmem>>)
      %dma_start3A_369 = arith.constant 1 : i32
      %dma_start3A_370 = arith.constant 0 : i32
      %dma_start3A_371 = arith.constant 0 : i32
      %dma_start3A_372 = tpu.memref_slice %arg10[%dma_start3A_369, %dma_start3A_370, %dma_start3A_371] : memref<2x128x128xf32, #tpu.memory_space<vmem>> -> memref<1x128x128xf32, #tpu.memory_space<vmem>>
      %dma_start3A_373 = tpu.memref_squeeze %dma_start3A_372 : memref<1x128x128xf32, #tpu.memory_space<vmem>> -> memref<128x128xf32, #tpu.memory_space<vmem>>
      %dma_start3A_374 = arith.constant 0 : i32
      %dma_start3A_375 = tpu.memref_slice %arg9[%add3A_353, %dma_start3A_374] : memref<40x128xi32, #tpu.memory_space<vmem>> -> memref<1x128xi32, #tpu.memory_space<vmem>>
      %dma_start3A_376 = tpu.memref_squeeze %dma_start3A_375 : memref<1x128xi32, #tpu.memory_space<vmem>> -> memref<128xi32, #tpu.memory_space<vmem>>
      %dma_start3A_377 = arith.constant 0 : i32
      %dma_start3A_378 = arith.constant 0 : i32
      %dma_start3A_379 = tpu.memref_slice %arg11[%dma_start3A_377, %dma_start3A_378] : memref<10064x128xf32, #tpu.memory_space<vmem_shared>> -> memref<10064x128xf32, #tpu.memory_space<vmem_shared>>
      tpu.enqueue_indirect_dma source(%dma_start3A_373 : memref<128x128xf32, #tpu.memory_space<vmem>>) target(%dma_start3A_379 : memref<10064x128xf32, #tpu.memory_space<vmem_shared>>) offsets(%dma_start3A_376 : memref<128xi32, #tpu.memory_space<vmem>>) semaphore(%arg15 : memref<!tpu.dma_semaphore, #tpu.memory_space<semaphore_mem>>) {add = true}
      %add3A_380 = arith.constant 1 : i32
      %add3A_381 = arith.addi %add3A_353, %add3A_380 : i32
      %lt3A_382 = arith.constant 40 : i32
      %lt3A_383 = arith.cmpi slt, %add3A_381, %lt3A_382 : i32
      %convert_element_type3A_384 = arith.extui %lt3A_383 : i1 to i32
      %cond3A_385 = arith.constant 0 : i32
      %cond3A_386 = arith.cmpi ne, %convert_element_type3A_384, %cond3A_385 : i32
      scf.if %cond3A_386 {
        %ge3A = arith.constant 1 : i32
        %ge3A_462 = arith.cmpi sge, %add3A_353, %ge3A : i32
        %convert_element_type3A_463 = arith.extui %ge3A_462 : i1 to i32
        %cond3A_464 = arith.constant 0 : i32
        %cond3A_465 = arith.cmpi ne, %convert_element_type3A_463, %cond3A_464 : i32
        scf.if %cond3A_465 {
          %dma_wait3A_479 = arith.constant 0 : i32
          %dma_wait3A_480 = arith.constant 0 : i32
          %dma_wait3A_481 = arith.constant 0 : i32
          %dma_wait3A_482 = tpu.memref_slice %arg10[%dma_wait3A_479, %dma_wait3A_480, %dma_wait3A_481] : memref<2x128x128xf32, #tpu.memory_space<vmem>> -> memref<1x128x128xf32, #tpu.memory_space<vmem>>
          %dma_wait3A_483 = tpu.memref_squeeze %dma_wait3A_482 : memref<1x128x128xf32, #tpu.memory_space<vmem>> -> memref<128x128xf32, #tpu.memory_space<vmem>>
          %dma_wait3A_484 = arith.constant 0 : i32
          %dma_wait3A_485 = arith.constant 0 : i32
          %dma_wait3A_486 = tpu.memref_slice %arg2[%dma_wait3A_484, %dma_wait3A_485] : memref<10240x128xf32, #tpu.memory_space<hbm>> -> memref<128x128xf32, #tpu.memory_space<hbm>>
          %dma_wait3A_487 = arith.constant 0 : i32
          %dma_wait3A_488 = arith.constant 0 : i32
          %dma_wait3A_489 = tpu.memref_slice %arg10[%dma_wait3A_479, %dma_wait3A_487, %dma_wait3A_488] : memref<2x128x128xf32, #tpu.memory_space<vmem>> -> memref<1x128x128xf32, #tpu.memory_space<vmem>>
          %dma_wait3A_490 = tpu.memref_squeeze %dma_wait3A_489 : memref<1x128x128xf32, #tpu.memory_space<vmem>> -> memref<128x128xf32, #tpu.memory_space<vmem>>
          %dma_wait3A_491 = arith.constant 0 : i32
          %dma_wait3A_492 = arith.constant 0 : i32
          %dma_wait3A_493 = tpu.memref_slice %arg2[%dma_wait3A_491, %dma_wait3A_492] : memref<10240x128xf32, #tpu.memory_space<hbm>> -> memref<128x128xf32, #tpu.memory_space<hbm>>
          tpu.wait_dma2 semaphore(%arg14 : memref<!tpu.dma_semaphore, #tpu.memory_space<semaphore_mem>>) src(%dma_wait3A_493 : memref<128x128xf32, #tpu.memory_space<hbm>>) dst(%dma_wait3A_490 : memref<128x128xf32, #tpu.memory_space<vmem>>)
        } else {
        }
        %add3A_466 = arith.constant 1 : i32
        %add3A_467 = arith.addi %add3A_353, %add3A_466 : i32
        %dma_start3A_468 = arith.constant 0 : i32
        %dma_start3A_469 = arith.constant 0 : i32
        %dma_start3A_470 = arith.constant 0 : i32
        %dma_start3A_471 = tpu.memref_slice %arg10[%dma_start3A_468, %dma_start3A_469, %dma_start3A_470] : memref<2x128x128xf32, #tpu.memory_space<vmem>> -> memref<1x128x128xf32, #tpu.memory_space<vmem>>
        %dma_start3A_472 = tpu.memref_squeeze %dma_start3A_471 : memref<1x128x128xf32, #tpu.memory_space<vmem>> -> memref<128x128xf32, #tpu.memory_space<vmem>>
        %dma_start3A_473 = arith.constant 0 : i32
        %dma_start3A_474 = tpu.memref_slice %arg8[%add3A_467, %dma_start3A_473] : memref<40x128xi32, #tpu.memory_space<vmem>> -> memref<1x128xi32, #tpu.memory_space<vmem>>
        %dma_start3A_475 = tpu.memref_squeeze %dma_start3A_474 : memref<1x128xi32, #tpu.memory_space<vmem>> -> memref<128xi32, #tpu.memory_space<vmem>>
        %dma_start3A_476 = arith.constant 0 : i32
        %dma_start3A_477 = arith.constant 0 : i32
        %dma_start3A_478 = tpu.memref_slice %arg2[%dma_start3A_476, %dma_start3A_477] : memref<10240x128xf32, #tpu.memory_space<hbm>> -> memref<10240x128xf32, #tpu.memory_space<hbm>>
        tpu.enqueue_indirect_dma source(%dma_start3A_478 : memref<10240x128xf32, #tpu.memory_space<hbm>>) target(%dma_start3A_472 : memref<128x128xf32, #tpu.memory_space<vmem>>) offsets(%dma_start3A_475 : memref<128xi32, #tpu.memory_space<vmem>>) semaphore(%arg12 : memref<!tpu.dma_semaphore, #tpu.memory_space<semaphore_mem>>)
      } else {
      }
      %mul3A_387 = arith.constant 8 : i32
      %mul3A_388 = arith.muli %scan3A_164, %mul3A_387 : i32
      %add3A_389 = arith.constant 6 : i32
      %add3A_390 = arith.addi %mul3A_388, %add3A_389 : i32
      %dma_wait3A_391 = arith.constant 0 : i32
      %dma_wait3A_392 = arith.constant 0 : i32
      %dma_wait3A_393 = arith.constant 0 : i32
      %dma_wait3A_394 = tpu.memref_slice %arg10[%dma_wait3A_391, %dma_wait3A_392, %dma_wait3A_393] : memref<2x128x128xf32, #tpu.memory_space<vmem>> -> memref<1x128x128xf32, #tpu.memory_space<vmem>>
      %dma_wait3A_395 = tpu.memref_squeeze %dma_wait3A_394 : memref<1x128x128xf32, #tpu.memory_space<vmem>> -> memref<128x128xf32, #tpu.memory_space<vmem>>
      %dma_wait3A_396 = arith.constant 0 : i32
      %dma_wait3A_397 = arith.constant 0 : i32
      %dma_wait3A_398 = tpu.memref_slice %arg2[%dma_wait3A_396, %dma_wait3A_397] : memref<10240x128xf32, #tpu.memory_space<hbm>> -> memref<128x128xf32, #tpu.memory_space<hbm>>
      %dma_wait3A_399 = arith.constant 0 : i32
      %dma_wait3A_400 = arith.constant 0 : i32
      %dma_wait3A_401 = tpu.memref_slice %arg10[%dma_wait3A_391, %dma_wait3A_399, %dma_wait3A_400] : memref<2x128x128xf32, #tpu.memory_space<vmem>> -> memref<1x128x128xf32, #tpu.memory_space<vmem>>
      %dma_wait3A_402 = tpu.memref_squeeze %dma_wait3A_401 : memref<1x128x128xf32, #tpu.memory_space<vmem>> -> memref<128x128xf32, #tpu.memory_space<vmem>>
      %dma_wait3A_403 = arith.constant 0 : i32
      %dma_wait3A_404 = arith.constant 0 : i32
      %dma_wait3A_405 = tpu.memref_slice %arg2[%dma_wait3A_403, %dma_wait3A_404] : memref<10240x128xf32, #tpu.memory_space<hbm>> -> memref<128x128xf32, #tpu.memory_space<hbm>>
      tpu.wait_dma2 semaphore(%arg12 : memref<!tpu.dma_semaphore, #tpu.memory_space<semaphore_mem>>) src(%dma_wait3A_405 : memref<128x128xf32, #tpu.memory_space<hbm>>) dst(%dma_wait3A_402 : memref<128x128xf32, #tpu.memory_space<vmem>>)
      %dma_start3A_406 = arith.constant 0 : i32
      %dma_start3A_407 = arith.constant 0 : i32
      %dma_start3A_408 = arith.constant 0 : i32
      %dma_start3A_409 = tpu.memref_slice %arg10[%dma_start3A_406, %dma_start3A_407, %dma_start3A_408] : memref<2x128x128xf32, #tpu.memory_space<vmem>> -> memref<1x128x128xf32, #tpu.memory_space<vmem>>
      %dma_start3A_410 = tpu.memref_squeeze %dma_start3A_409 : memref<1x128x128xf32, #tpu.memory_space<vmem>> -> memref<128x128xf32, #tpu.memory_space<vmem>>
      %dma_start3A_411 = arith.constant 0 : i32
      %dma_start3A_412 = tpu.memref_slice %arg9[%add3A_390, %dma_start3A_411] : memref<40x128xi32, #tpu.memory_space<vmem>> -> memref<1x128xi32, #tpu.memory_space<vmem>>
      %dma_start3A_413 = tpu.memref_squeeze %dma_start3A_412 : memref<1x128xi32, #tpu.memory_space<vmem>> -> memref<128xi32, #tpu.memory_space<vmem>>
      %dma_start3A_414 = arith.constant 0 : i32
      %dma_start3A_415 = arith.constant 0 : i32
      %dma_start3A_416 = tpu.memref_slice %arg11[%dma_start3A_414, %dma_start3A_415] : memref<10064x128xf32, #tpu.memory_space<vmem_shared>> -> memref<10064x128xf32, #tpu.memory_space<vmem_shared>>
      tpu.enqueue_indirect_dma source(%dma_start3A_410 : memref<128x128xf32, #tpu.memory_space<vmem>>) target(%dma_start3A_416 : memref<10064x128xf32, #tpu.memory_space<vmem_shared>>) offsets(%dma_start3A_413 : memref<128xi32, #tpu.memory_space<vmem>>) semaphore(%arg14 : memref<!tpu.dma_semaphore, #tpu.memory_space<semaphore_mem>>) {add = true}
      %add3A_417 = arith.constant 1 : i32
      %add3A_418 = arith.addi %add3A_390, %add3A_417 : i32
      %lt3A_419 = arith.constant 40 : i32
      %lt3A_420 = arith.cmpi slt, %add3A_418, %lt3A_419 : i32
      %convert_element_type3A_421 = arith.extui %lt3A_420 : i1 to i32
      %cond3A_422 = arith.constant 0 : i32
      %cond3A_423 = arith.cmpi ne, %convert_element_type3A_421, %cond3A_422 : i32
      scf.if %cond3A_423 {
        %ge3A = arith.constant 1 : i32
        %ge3A_462 = arith.cmpi sge, %add3A_390, %ge3A : i32
        %convert_element_type3A_463 = arith.extui %ge3A_462 : i1 to i32
        %cond3A_464 = arith.constant 0 : i32
        %cond3A_465 = arith.cmpi ne, %convert_element_type3A_463, %cond3A_464 : i32
        scf.if %cond3A_465 {
          %dma_wait3A_479 = arith.constant 1 : i32
          %dma_wait3A_480 = arith.constant 0 : i32
          %dma_wait3A_481 = arith.constant 0 : i32
          %dma_wait3A_482 = tpu.memref_slice %arg10[%dma_wait3A_479, %dma_wait3A_480, %dma_wait3A_481] : memref<2x128x128xf32, #tpu.memory_space<vmem>> -> memref<1x128x128xf32, #tpu.memory_space<vmem>>
          %dma_wait3A_483 = tpu.memref_squeeze %dma_wait3A_482 : memref<1x128x128xf32, #tpu.memory_space<vmem>> -> memref<128x128xf32, #tpu.memory_space<vmem>>
          %dma_wait3A_484 = arith.constant 0 : i32
          %dma_wait3A_485 = arith.constant 0 : i32
          %dma_wait3A_486 = tpu.memref_slice %arg2[%dma_wait3A_484, %dma_wait3A_485] : memref<10240x128xf32, #tpu.memory_space<hbm>> -> memref<128x128xf32, #tpu.memory_space<hbm>>
          %dma_wait3A_487 = arith.constant 0 : i32
          %dma_wait3A_488 = arith.constant 0 : i32
          %dma_wait3A_489 = tpu.memref_slice %arg10[%dma_wait3A_479, %dma_wait3A_487, %dma_wait3A_488] : memref<2x128x128xf32, #tpu.memory_space<vmem>> -> memref<1x128x128xf32, #tpu.memory_space<vmem>>
          %dma_wait3A_490 = tpu.memref_squeeze %dma_wait3A_489 : memref<1x128x128xf32, #tpu.memory_space<vmem>> -> memref<128x128xf32, #tpu.memory_space<vmem>>
          %dma_wait3A_491 = arith.constant 0 : i32
          %dma_wait3A_492 = arith.constant 0 : i32
          %dma_wait3A_493 = tpu.memref_slice %arg2[%dma_wait3A_491, %dma_wait3A_492] : memref<10240x128xf32, #tpu.memory_space<hbm>> -> memref<128x128xf32, #tpu.memory_space<hbm>>
          tpu.wait_dma2 semaphore(%arg15 : memref<!tpu.dma_semaphore, #tpu.memory_space<semaphore_mem>>) src(%dma_wait3A_493 : memref<128x128xf32, #tpu.memory_space<hbm>>) dst(%dma_wait3A_490 : memref<128x128xf32, #tpu.memory_space<vmem>>)
        } else {
        }
        %add3A_466 = arith.constant 1 : i32
        %add3A_467 = arith.addi %add3A_390, %add3A_466 : i32
        %dma_start3A_468 = arith.constant 1 : i32
        %dma_start3A_469 = arith.constant 0 : i32
        %dma_start3A_470 = arith.constant 0 : i32
        %dma_start3A_471 = tpu.memref_slice %arg10[%dma_start3A_468, %dma_start3A_469, %dma_start3A_470] : memref<2x128x128xf32, #tpu.memory_space<vmem>> -> memref<1x128x128xf32, #tpu.memory_space<vmem>>
        %dma_start3A_472 = tpu.memref_squeeze %dma_start3A_471 : memref<1x128x128xf32, #tpu.memory_space<vmem>> -> memref<128x128xf32, #tpu.memory_space<vmem>>
        %dma_start3A_473 = arith.constant 0 : i32
        %dma_start3A_474 = tpu.memref_slice %arg8[%add3A_467, %dma_start3A_473] : memref<40x128xi32, #tpu.memory_space<vmem>> -> memref<1x128xi32, #tpu.memory_space<vmem>>
        %dma_start3A_475 = tpu.memref_squeeze %dma_start3A_474 : memref<1x128xi32, #tpu.memory_space<vmem>> -> memref<128xi32, #tpu.memory_space<vmem>>
        %dma_start3A_476 = arith.constant 0 : i32
        %dma_start3A_477 = arith.constant 0 : i32
        %dma_start3A_478 = tpu.memref_slice %arg2[%dma_start3A_476, %dma_start3A_477] : memref<10240x128xf32, #tpu.memory_space<hbm>> -> memref<10240x128xf32, #tpu.memory_space<hbm>>
        tpu.enqueue_indirect_dma source(%dma_start3A_478 : memref<10240x128xf32, #tpu.memory_space<hbm>>) target(%dma_start3A_472 : memref<128x128xf32, #tpu.memory_space<vmem>>) offsets(%dma_start3A_475 : memref<128xi32, #tpu.memory_space<vmem>>) semaphore(%arg13 : memref<!tpu.dma_semaphore, #tpu.memory_space<semaphore_mem>>)
      } else {
      }
      %mul3A_424 = arith.constant 8 : i32
      %mul3A_425 = arith.muli %scan3A_164, %mul3A_424 : i32
      %add3A_426 = arith.constant 7 : i32
      %add3A_427 = arith.addi %mul3A_425, %add3A_426 : i32
      %dma_wait3A_428 = arith.constant 1 : i32
      %dma_wait3A_429 = arith.constant 0 : i32
      %dma_wait3A_430 = arith.constant 0 : i32
      %dma_wait3A_431 = tpu.memref_slice %arg10[%dma_wait3A_428, %dma_wait3A_429, %dma_wait3A_430] : memref<2x128x128xf32, #tpu.memory_space<vmem>> -> memref<1x128x128xf32, #tpu.memory_space<vmem>>
      %dma_wait3A_432 = tpu.memref_squeeze %dma_wait3A_431 : memref<1x128x128xf32, #tpu.memory_space<vmem>> -> memref<128x128xf32, #tpu.memory_space<vmem>>
      %dma_wait3A_433 = arith.constant 0 : i32
      %dma_wait3A_434 = arith.constant 0 : i32
      %dma_wait3A_435 = tpu.memref_slice %arg2[%dma_wait3A_433, %dma_wait3A_434] : memref<10240x128xf32, #tpu.memory_space<hbm>> -> memref<128x128xf32, #tpu.memory_space<hbm>>
      %dma_wait3A_436 = arith.constant 0 : i32
      %dma_wait3A_437 = arith.constant 0 : i32
      %dma_wait3A_438 = tpu.memref_slice %arg10[%dma_wait3A_428, %dma_wait3A_436, %dma_wait3A_437] : memref<2x128x128xf32, #tpu.memory_space<vmem>> -> memref<1x128x128xf32, #tpu.memory_space<vmem>>
      %dma_wait3A_439 = tpu.memref_squeeze %dma_wait3A_438 : memref<1x128x128xf32, #tpu.memory_space<vmem>> -> memref<128x128xf32, #tpu.memory_space<vmem>>
      %dma_wait3A_440 = arith.constant 0 : i32
      %dma_wait3A_441 = arith.constant 0 : i32
      %dma_wait3A_442 = tpu.memref_slice %arg2[%dma_wait3A_440, %dma_wait3A_441] : memref<10240x128xf32, #tpu.memory_space<hbm>> -> memref<128x128xf32, #tpu.memory_space<hbm>>
      tpu.wait_dma2 semaphore(%arg13 : memref<!tpu.dma_semaphore, #tpu.memory_space<semaphore_mem>>) src(%dma_wait3A_442 : memref<128x128xf32, #tpu.memory_space<hbm>>) dst(%dma_wait3A_439 : memref<128x128xf32, #tpu.memory_space<vmem>>)
      %dma_start3A_443 = arith.constant 1 : i32
      %dma_start3A_444 = arith.constant 0 : i32
      %dma_start3A_445 = arith.constant 0 : i32
      %dma_start3A_446 = tpu.memref_slice %arg10[%dma_start3A_443, %dma_start3A_444, %dma_start3A_445] : memref<2x128x128xf32, #tpu.memory_space<vmem>> -> memref<1x128x128xf32, #tpu.memory_space<vmem>>
      %dma_start3A_447 = tpu.memref_squeeze %dma_start3A_446 : memref<1x128x128xf32, #tpu.memory_space<vmem>> -> memref<128x128xf32, #tpu.memory_space<vmem>>
      %dma_start3A_448 = arith.constant 0 : i32
      %dma_start3A_449 = tpu.memref_slice %arg9[%add3A_427, %dma_start3A_448] : memref<40x128xi32, #tpu.memory_space<vmem>> -> memref<1x128xi32, #tpu.memory_space<vmem>>
      %dma_start3A_450 = tpu.memref_squeeze %dma_start3A_449 : memref<1x128xi32, #tpu.memory_space<vmem>> -> memref<128xi32, #tpu.memory_space<vmem>>
      %dma_start3A_451 = arith.constant 0 : i32
      %dma_start3A_452 = arith.constant 0 : i32
      %dma_start3A_453 = tpu.memref_slice %arg11[%dma_start3A_451, %dma_start3A_452] : memref<10064x128xf32, #tpu.memory_space<vmem_shared>> -> memref<10064x128xf32, #tpu.memory_space<vmem_shared>>
      tpu.enqueue_indirect_dma source(%dma_start3A_447 : memref<128x128xf32, #tpu.memory_space<vmem>>) target(%dma_start3A_453 : memref<10064x128xf32, #tpu.memory_space<vmem_shared>>) offsets(%dma_start3A_450 : memref<128xi32, #tpu.memory_space<vmem>>) semaphore(%arg15 : memref<!tpu.dma_semaphore, #tpu.memory_space<semaphore_mem>>) {add = true}
      %add3A_454 = arith.constant 1 : i32
      %add3A_455 = arith.addi %add3A_427, %add3A_454 : i32
      %lt3A_456 = arith.constant 40 : i32
      %lt3A_457 = arith.cmpi slt, %add3A_455, %lt3A_456 : i32
      %convert_element_type3A_458 = arith.extui %lt3A_457 : i1 to i32
      %cond3A_459 = arith.constant 0 : i32
      %cond3A_460 = arith.cmpi ne, %convert_element_type3A_458, %cond3A_459 : i32
      scf.if %cond3A_460 {
        %ge3A = arith.constant 1 : i32
        %ge3A_462 = arith.cmpi sge, %add3A_427, %ge3A : i32
        %convert_element_type3A_463 = arith.extui %ge3A_462 : i1 to i32
        %cond3A_464 = arith.constant 0 : i32
        %cond3A_465 = arith.cmpi ne, %convert_element_type3A_463, %cond3A_464 : i32
        scf.if %cond3A_465 {
          %dma_wait3A_479 = arith.constant 0 : i32
          %dma_wait3A_480 = arith.constant 0 : i32
          %dma_wait3A_481 = arith.constant 0 : i32
          %dma_wait3A_482 = tpu.memref_slice %arg10[%dma_wait3A_479, %dma_wait3A_480, %dma_wait3A_481] : memref<2x128x128xf32, #tpu.memory_space<vmem>> -> memref<1x128x128xf32, #tpu.memory_space<vmem>>
          %dma_wait3A_483 = tpu.memref_squeeze %dma_wait3A_482 : memref<1x128x128xf32, #tpu.memory_space<vmem>> -> memref<128x128xf32, #tpu.memory_space<vmem>>
          %dma_wait3A_484 = arith.constant 0 : i32
          %dma_wait3A_485 = arith.constant 0 : i32
          %dma_wait3A_486 = tpu.memref_slice %arg2[%dma_wait3A_484, %dma_wait3A_485] : memref<10240x128xf32, #tpu.memory_space<hbm>> -> memref<128x128xf32, #tpu.memory_space<hbm>>
          %dma_wait3A_487 = arith.constant 0 : i32
          %dma_wait3A_488 = arith.constant 0 : i32
          %dma_wait3A_489 = tpu.memref_slice %arg10[%dma_wait3A_479, %dma_wait3A_487, %dma_wait3A_488] : memref<2x128x128xf32, #tpu.memory_space<vmem>> -> memref<1x128x128xf32, #tpu.memory_space<vmem>>
          %dma_wait3A_490 = tpu.memref_squeeze %dma_wait3A_489 : memref<1x128x128xf32, #tpu.memory_space<vmem>> -> memref<128x128xf32, #tpu.memory_space<vmem>>
          %dma_wait3A_491 = arith.constant 0 : i32
          %dma_wait3A_492 = arith.constant 0 : i32
          %dma_wait3A_493 = tpu.memref_slice %arg2[%dma_wait3A_491, %dma_wait3A_492] : memref<10240x128xf32, #tpu.memory_space<hbm>> -> memref<128x128xf32, #tpu.memory_space<hbm>>
          tpu.wait_dma2 semaphore(%arg14 : memref<!tpu.dma_semaphore, #tpu.memory_space<semaphore_mem>>) src(%dma_wait3A_493 : memref<128x128xf32, #tpu.memory_space<hbm>>) dst(%dma_wait3A_490 : memref<128x128xf32, #tpu.memory_space<vmem>>)
        } else {
        }
        %add3A_466 = arith.constant 1 : i32
        %add3A_467 = arith.addi %add3A_427, %add3A_466 : i32
        %dma_start3A_468 = arith.constant 0 : i32
        %dma_start3A_469 = arith.constant 0 : i32
        %dma_start3A_470 = arith.constant 0 : i32
        %dma_start3A_471 = tpu.memref_slice %arg10[%dma_start3A_468, %dma_start3A_469, %dma_start3A_470] : memref<2x128x128xf32, #tpu.memory_space<vmem>> -> memref<1x128x128xf32, #tpu.memory_space<vmem>>
        %dma_start3A_472 = tpu.memref_squeeze %dma_start3A_471 : memref<1x128x128xf32, #tpu.memory_space<vmem>> -> memref<128x128xf32, #tpu.memory_space<vmem>>
        %dma_start3A_473 = arith.constant 0 : i32
        %dma_start3A_474 = tpu.memref_slice %arg8[%add3A_467, %dma_start3A_473] : memref<40x128xi32, #tpu.memory_space<vmem>> -> memref<1x128xi32, #tpu.memory_space<vmem>>
        %dma_start3A_475 = tpu.memref_squeeze %dma_start3A_474 : memref<1x128xi32, #tpu.memory_space<vmem>> -> memref<128xi32, #tpu.memory_space<vmem>>
        %dma_start3A_476 = arith.constant 0 : i32
        %dma_start3A_477 = arith.constant 0 : i32
        %dma_start3A_478 = tpu.memref_slice %arg2[%dma_start3A_476, %dma_start3A_477] : memref<10240x128xf32, #tpu.memory_space<hbm>> -> memref<10240x128xf32, #tpu.memory_space<hbm>>
        tpu.enqueue_indirect_dma source(%dma_start3A_478 : memref<10240x128xf32, #tpu.memory_space<hbm>>) target(%dma_start3A_472 : memref<128x128xf32, #tpu.memory_space<vmem>>) offsets(%dma_start3A_475 : memref<128xi32, #tpu.memory_space<vmem>>) semaphore(%arg12 : memref<!tpu.dma_semaphore, #tpu.memory_space<semaphore_mem>>)
      } else {
      }
      %scan3A_461 = arith.constant 0 : i32
      scf.yield %scan3A_461 : i32
    }
    %scan3A_100 = arith.constant 5 : i32
    %dma_wait3A_101 = arith.constant 0 : i32
    %dma_wait3A_102 = arith.constant 0 : i32
    %dma_wait3A_103 = arith.constant 0 : i32
    %dma_wait3A_104 = tpu.memref_slice %arg10[%dma_wait3A_101, %dma_wait3A_102, %dma_wait3A_103] : memref<2x128x128xf32, #tpu.memory_space<vmem>> -> memref<1x128x128xf32, #tpu.memory_space<vmem>>
    %dma_wait3A_105 = tpu.memref_squeeze %dma_wait3A_104 : memref<1x128x128xf32, #tpu.memory_space<vmem>> -> memref<128x128xf32, #tpu.memory_space<vmem>>
    %dma_wait3A_106 = arith.constant 0 : i32
    %dma_wait3A_107 = arith.constant 0 : i32
    %dma_wait3A_108 = tpu.memref_slice %arg2[%dma_wait3A_106, %dma_wait3A_107] : memref<10240x128xf32, #tpu.memory_space<hbm>> -> memref<128x128xf32, #tpu.memory_space<hbm>>
    %dma_wait3A_109 = arith.constant 0 : i32
    %dma_wait3A_110 = arith.constant 0 : i32
    %dma_wait3A_111 = tpu.memref_slice %arg10[%dma_wait3A_101, %dma_wait3A_109, %dma_wait3A_110] : memref<2x128x128xf32, #tpu.memory_space<vmem>> -> memref<1x128x128xf32, #tpu.memory_space<vmem>>
    %dma_wait3A_112 = tpu.memref_squeeze %dma_wait3A_111 : memref<1x128x128xf32, #tpu.memory_space<vmem>> -> memref<128x128xf32, #tpu.memory_space<vmem>>
    %dma_wait3A_113 = arith.constant 0 : i32
    %dma_wait3A_114 = arith.constant 0 : i32
    %dma_wait3A_115 = tpu.memref_slice %arg2[%dma_wait3A_113, %dma_wait3A_114] : memref<10240x128xf32, #tpu.memory_space<hbm>> -> memref<128x128xf32, #tpu.memory_space<hbm>>
    tpu.wait_dma2 semaphore(%arg14 : memref<!tpu.dma_semaphore, #tpu.memory_space<semaphore_mem>>) src(%dma_wait3A_115 : memref<128x128xf32, #tpu.memory_space<hbm>>) dst(%dma_wait3A_112 : memref<128x128xf32, #tpu.memory_space<vmem>>)
    %dma_wait3A_116 = arith.constant 1 : i32
    %dma_wait3A_117 = arith.constant 0 : i32
    %dma_wait3A_118 = arith.constant 0 : i32
    %dma_wait3A_119 = tpu.memref_slice %arg10[%dma_wait3A_116, %dma_wait3A_117, %dma_wait3A_118] : memref<2x128x128xf32, #tpu.memory_space<vmem>> -> memref<1x128x128xf32, #tpu.memory_space<vmem>>
    %dma_wait3A_120 = tpu.memref_squeeze %dma_wait3A_119 : memref<1x128x128xf32, #tpu.memory_space<vmem>> -> memref<128x128xf32, #tpu.memory_space<vmem>>
    %dma_wait3A_121 = arith.constant 0 : i32
    %dma_wait3A_122 = arith.constant 0 : i32
    %dma_wait3A_123 = tpu.memref_slice %arg2[%dma_wait3A_121, %dma_wait3A_122] : memref<10240x128xf32, #tpu.memory_space<hbm>> -> memref<128x128xf32, #tpu.memory_space<hbm>>
    %dma_wait3A_124 = arith.constant 0 : i32
    %dma_wait3A_125 = arith.constant 0 : i32
    %dma_wait3A_126 = tpu.memref_slice %arg10[%dma_wait3A_116, %dma_wait3A_124, %dma_wait3A_125] : memref<2x128x128xf32, #tpu.memory_space<vmem>> -> memref<1x128x128xf32, #tpu.memory_space<vmem>>
    %dma_wait3A_127 = tpu.memref_squeeze %dma_wait3A_126 : memref<1x128x128xf32, #tpu.memory_space<vmem>> -> memref<128x128xf32, #tpu.memory_space<vmem>>
    %dma_wait3A_128 = arith.constant 0 : i32
    %dma_wait3A_129 = arith.constant 0 : i32
    %dma_wait3A_130 = tpu.memref_slice %arg2[%dma_wait3A_128, %dma_wait3A_129] : memref<10240x128xf32, #tpu.memory_space<hbm>> -> memref<128x128xf32, #tpu.memory_space<hbm>>
    tpu.wait_dma2 semaphore(%arg15 : memref<!tpu.dma_semaphore, #tpu.memory_space<semaphore_mem>>) src(%dma_wait3A_130 : memref<128x128xf32, #tpu.memory_space<hbm>>) dst(%dma_wait3A_127 : memref<128x128xf32, #tpu.memory_space<vmem>>)
    %barrier3A_131 = arith.constant 0 : index
    tpu.barrier barrier_id(%barrier3A_131)
    %eq3A_132 = arith.constant 0 : i32
    %eq3A_133 = arith.cmpi eq, %arg0, %eq3A_132 : i32
    %eq3A_134 = arith.constant 15 : i32
    %eq3A_135 = arith.cmpi eq, %arg1, %eq3A_134 : i32
    %and3A_136 = arith.andi %eq3A_133, %eq3A_135 : i1
    %convert_element_type3A_137 = arith.extui %and3A_136 : i1 to i32
    %cond3A_138 = arith.constant 0 : i32
    %cond3A_139 = arith.cmpi ne, %convert_element_type3A_137, %cond3A_138 : i32
    scf.if %cond3A_139 {
      "tpu.region"() ({
        %run_scoped3A = tpu.sem_alloc : memref<!tpu.dma_semaphore, #tpu.memory_space<semaphore_mem>>
        %dma_start3A_164 = arith.constant 0 : i32
        %dma_start3A_165 = tpu.memref_slice %arg6[%mul3A_2, %dma_start3A_164] : memref<10000x128xf32, #tpu.memory_space<hbm>> -> memref<640x128xf32, #tpu.memory_space<hbm>>
        %dma_start3A_166 = arith.constant 0 : i32
        %dma_start3A_167 = tpu.memref_slice %arg11[%mul3A_2, %dma_start3A_166] : memref<10064x128xf32, #tpu.memory_space<vmem_shared>> -> memref<640x128xf32, #tpu.memory_space<vmem_shared>>
        tpu.enqueue_dma source(%dma_start3A_167 : memref<640x128xf32, #tpu.memory_space<vmem_shared>>) target(%dma_start3A_165 : memref<640x128xf32, #tpu.memory_space<hbm>>) target_semaphore(%run_scoped3A : memref<!tpu.dma_semaphore, #tpu.memory_space<semaphore_mem>>)
        %dma_wait3A_168 = arith.constant 0 : i32
        %dma_wait3A_169 = tpu.memref_slice %arg6[%mul3A_2, %dma_wait3A_168] : memref<10000x128xf32, #tpu.memory_space<hbm>> -> memref<640x128xf32, #tpu.memory_space<hbm>>
        %dma_wait3A_170 = arith.constant 0 : i32
        %dma_wait3A_171 = tpu.memref_slice %arg11[%mul3A_2, %dma_wait3A_170] : memref<10064x128xf32, #tpu.memory_space<vmem_shared>> -> memref<640x128xf32, #tpu.memory_space<vmem_shared>>
        tpu.wait_dma2 semaphore(%run_scoped3A : memref<!tpu.dma_semaphore, #tpu.memory_space<semaphore_mem>>) src(%dma_wait3A_171 : memref<640x128xf32, #tpu.memory_space<vmem_shared>>) dst(%dma_wait3A_169 : memref<640x128xf32, #tpu.memory_space<hbm>>)
        tpu.yield
      }) : () -> ()
    } else {
    }
    %eq3A_140 = arith.constant 0 : i32
    %eq3A_141 = arith.cmpi eq, %arg0, %eq3A_140 : i32
    %ne3A_142 = arith.constant 15 : i32
    %ne3A_143 = arith.cmpi ne, %arg1, %ne3A_142 : i32
    %and3A_144 = arith.andi %eq3A_141, %ne3A_143 : i1
    %convert_element_type3A_145 = arith.extui %and3A_144 : i1 to i32
    %cond3A_146 = arith.constant 0 : i32
    %cond3A_147 = arith.cmpi ne, %convert_element_type3A_145, %cond3A_146 : i32
    scf.if %cond3A_147 {
      "tpu.region"() ({
        %run_scoped3A = tpu.sem_alloc : memref<!tpu.dma_semaphore, #tpu.memory_space<semaphore_mem>>
        %dma_start3A_164 = arith.constant 0 : i32
        %dma_start3A_165 = tpu.memref_slice %arg6[%mul3A_2, %dma_start3A_164] : memref<10000x128xf32, #tpu.memory_space<hbm>> -> memref<624x128xf32, #tpu.memory_space<hbm>>
        %dma_start3A_166 = arith.constant 0 : i32
        %dma_start3A_167 = tpu.memref_slice %arg11[%mul3A_2, %dma_start3A_166] : memref<10064x128xf32, #tpu.memory_space<vmem_shared>> -> memref<624x128xf32, #tpu.memory_space<vmem_shared>>
        tpu.enqueue_dma source(%dma_start3A_167 : memref<624x128xf32, #tpu.memory_space<vmem_shared>>) target(%dma_start3A_165 : memref<624x128xf32, #tpu.memory_space<hbm>>) target_semaphore(%run_scoped3A : memref<!tpu.dma_semaphore, #tpu.memory_space<semaphore_mem>>)
        %dma_wait3A_168 = arith.constant 0 : i32
        %dma_wait3A_169 = tpu.memref_slice %arg6[%mul3A_2, %dma_wait3A_168] : memref<10000x128xf32, #tpu.memory_space<hbm>> -> memref<624x128xf32, #tpu.memory_space<hbm>>
        %dma_wait3A_170 = arith.constant 0 : i32
        %dma_wait3A_171 = tpu.memref_slice %arg11[%mul3A_2, %dma_wait3A_170] : memref<10064x128xf32, #tpu.memory_space<vmem_shared>> -> memref<624x128xf32, #tpu.memory_space<vmem_shared>>
        tpu.wait_dma2 semaphore(%run_scoped3A : memref<!tpu.dma_semaphore, #tpu.memory_space<semaphore_mem>>) src(%dma_wait3A_171 : memref<624x128xf32, #tpu.memory_space<vmem_shared>>) dst(%dma_wait3A_169 : memref<624x128xf32, #tpu.memory_space<hbm>>)
        tpu.yield
      }) : () -> ()
    } else {
    }
    %eq3A_148 = arith.constant 1 : i32
    %eq3A_149 = arith.cmpi eq, %arg0, %eq3A_148 : i32
    %eq3A_150 = arith.constant 15 : i32
    %eq3A_151 = arith.cmpi eq, %arg1, %eq3A_150 : i32
    %and3A_152 = arith.andi %eq3A_149, %eq3A_151 : i1
    %convert_element_type3A_153 = arith.extui %and3A_152 : i1 to i32
    %cond3A_154 = arith.constant 0 : i32
    %cond3A_155 = arith.cmpi ne, %convert_element_type3A_153, %cond3A_154 : i32
    scf.if %cond3A_155 {
      "tpu.region"() ({
        %run_scoped3A = tpu.sem_alloc : memref<!tpu.dma_semaphore, #tpu.memory_space<semaphore_mem>>
        %dma_start3A_164 = arith.constant 0 : i32
        %dma_start3A_165 = tpu.memref_slice %arg7[%mul3A_2, %dma_start3A_164] : memref<10000x128xf32, #tpu.memory_space<hbm>> -> memref<640x128xf32, #tpu.memory_space<hbm>>
        %dma_start3A_166 = arith.constant 0 : i32
        %dma_start3A_167 = tpu.memref_slice %arg11[%mul3A_2, %dma_start3A_166] : memref<10064x128xf32, #tpu.memory_space<vmem_shared>> -> memref<640x128xf32, #tpu.memory_space<vmem_shared>>
        tpu.enqueue_dma source(%dma_start3A_167 : memref<640x128xf32, #tpu.memory_space<vmem_shared>>) target(%dma_start3A_165 : memref<640x128xf32, #tpu.memory_space<hbm>>) target_semaphore(%run_scoped3A : memref<!tpu.dma_semaphore, #tpu.memory_space<semaphore_mem>>)
        %dma_wait3A_168 = arith.constant 0 : i32
        %dma_wait3A_169 = tpu.memref_slice %arg7[%mul3A_2, %dma_wait3A_168] : memref<10000x128xf32, #tpu.memory_space<hbm>> -> memref<640x128xf32, #tpu.memory_space<hbm>>
        %dma_wait3A_170 = arith.constant 0 : i32
        %dma_wait3A_171 = tpu.memref_slice %arg11[%mul3A_2, %dma_wait3A_170] : memref<10064x128xf32, #tpu.memory_space<vmem_shared>> -> memref<640x128xf32, #tpu.memory_space<vmem_shared>>
        tpu.wait_dma2 semaphore(%run_scoped3A : memref<!tpu.dma_semaphore, #tpu.memory_space<semaphore_mem>>) src(%dma_wait3A_171 : memref<640x128xf32, #tpu.memory_space<vmem_shared>>) dst(%dma_wait3A_169 : memref<640x128xf32, #tpu.memory_space<hbm>>)
        tpu.yield
      }) : () -> ()
    } else {
    }
    %eq3A_156 = arith.constant 1 : i32
    %eq3A_157 = arith.cmpi eq, %arg0, %eq3A_156 : i32
    %ne3A_158 = arith.constant 15 : i32
    %ne3A_159 = arith.cmpi ne, %arg1, %ne3A_158 : i32
    %and3A_160 = arith.andi %eq3A_157, %ne3A_159 : i1
    %convert_element_type3A_161 = arith.extui %and3A_160 : i1 to i32
    %cond3A_162 = arith.constant 0 : i32
    %cond3A_163 = arith.cmpi ne, %convert_element_type3A_161, %cond3A_162 : i32
    scf.if %cond3A_163 {
      "tpu.region"() ({
        %run_scoped3A = tpu.sem_alloc : memref<!tpu.dma_semaphore, #tpu.memory_space<semaphore_mem>>
        %dma_start3A_164 = arith.constant 0 : i32
        %dma_start3A_165 = tpu.memref_slice %arg7[%mul3A_2, %dma_start3A_164] : memref<10000x128xf32, #tpu.memory_space<hbm>> -> memref<624x128xf32, #tpu.memory_space<hbm>>
        %dma_start3A_166 = arith.constant 0 : i32
        %dma_start3A_167 = tpu.memref_slice %arg11[%mul3A_2, %dma_start3A_166] : memref<10064x128xf32, #tpu.memory_space<vmem_shared>> -> memref<624x128xf32, #tpu.memory_space<vmem_shared>>
        tpu.enqueue_dma source(%dma_start3A_167 : memref<624x128xf32, #tpu.memory_space<vmem_shared>>) target(%dma_start3A_165 : memref<624x128xf32, #tpu.memory_space<hbm>>) target_semaphore(%run_scoped3A : memref<!tpu.dma_semaphore, #tpu.memory_space<semaphore_mem>>)
        %dma_wait3A_168 = arith.constant 0 : i32
        %dma_wait3A_169 = tpu.memref_slice %arg7[%mul3A_2, %dma_wait3A_168] : memref<10000x128xf32, #tpu.memory_space<hbm>> -> memref<624x128xf32, #tpu.memory_space<hbm>>
        %dma_wait3A_170 = arith.constant 0 : i32
        %dma_wait3A_171 = tpu.memref_slice %arg11[%mul3A_2, %dma_wait3A_170] : memref<10064x128xf32, #tpu.memory_space<vmem_shared>> -> memref<624x128xf32, #tpu.memory_space<vmem_shared>>
        tpu.wait_dma2 semaphore(%run_scoped3A : memref<!tpu.dma_semaphore, #tpu.memory_space<semaphore_mem>>) src(%dma_wait3A_171 : memref<624x128xf32, #tpu.memory_space<vmem_shared>>) dst(%dma_wait3A_169 : memref<624x128xf32, #tpu.memory_space<hbm>>)
        tpu.yield
      }) : () -> ()
    } else {
    }
    return
  }
}

module attributes {stable_mosaic.version = 14 : i64} {
  func.func @_matmul_body(%arg0: i32, %arg1: memref<1024x128xf32, #tpu.memory_space<vmem>>, %arg2: memref<128x128xf32, #tpu.memory_space<vmem>>, %arg3: memref<1024x128xf32, #tpu.memory_space<vmem>>) attributes {dimension_semantics = [#tpu.dimension_semantics<arbitrary>], iteration_bounds = array<i64: 10>, scalar_prefetch = 0 : i64, scratch_operands = 0 : i64, tpu.core_type = #tpu.core_type<tc>, window_params = [{transform_indices = @transform_0, window_bounds = array<i64: 1024, 128>}, {pipeline_mode = #tpu.pipeline_mode<synchronous>, transform_indices = @transform_1, window_bounds = array<i64: 128, 128>}, {transform_indices = @transform_2, window_bounds = array<i64: 1024, 128>}]} {
    %get3A = arith.constant 0 : index
    %get3A_0 = arith.constant 0 : index
    %get3A_1 = vector.load %arg1[%get3A, %get3A_0] : memref<1024x128xf32, #tpu.memory_space<vmem>>, vector<1024x128xf32>
    %get3A_2 = arith.constant 0 : index
    %get3A_3 = arith.constant 0 : index
    %get3A_4 = vector.load %arg2[%get3A_2, %get3A_3] : memref<128x128xf32, #tpu.memory_space<vmem>>, vector<128x128xf32>
    %dot_general3A = arith.constant dense<0.000000e+00> : vector<1024x128xf32>
    %dot_general3A_5 = tpu.matmul %get3A_1, %get3A_4, %dot_general3A {dimension_numbers = #tpu.dot_dimension_numbers<[1], [0], [0], [1], [0, 0, 1, 1], [], []>, transpose_lhs_hint = false} : vector<1024x128xf32>, vector<128x128xf32>, vector<1024x128xf32> -> vector<1024x128xf32>
    %swap3A = arith.constant 0 : index
    %swap3A_6 = arith.constant 0 : index
    %swap3A_7 = vector.load %arg3[%swap3A, %swap3A_6] : memref<1024x128xf32, #tpu.memory_space<vmem>>, vector<1024x128xf32>
    tpu.vector_store %arg3[%swap3A, %swap3A_6], %dot_general3A_5 {strides = array<i32>} : memref<1024x128xf32, #tpu.memory_space<vmem>>, vector<1024x128xf32>,
    return
  }
  func.func @transform_0(%arg0: i32) -> (i32, i32) {
    %c0_i32 = arith.constant 0 : i32
    %c0_i32_0 = arith.constant 0 : i32
    return %arg0, %c0_i32 : i32, i32
  }
  func.func @transform_1(%arg0: i32) -> (i32, i32) {
    %c0_i32 = arith.constant 0 : i32
    %c0_i32_0 = arith.constant 0 : i32
    %c0_i32_1 = arith.constant 0 : i32
    return %c0_i32, %c0_i32_0 : i32, i32
  }
  func.func @transform_2(%arg0: i32) -> (i32, i32) {
    %c0_i32 = arith.constant 0 : i32
    %c0_i32_0 = arith.constant 0 : i32
    return %arg0, %c0_i32 : i32, i32
  }
}

module attributes {stable_mosaic.version = 14 : i64} {
  func.func @_scale_body(%arg0: i32, %arg1: memref<1024x128xf32, #tpu.memory_space<vmem>>, %arg2: memref<8x128xf32, #tpu.memory_space<vmem>>, %arg3: memref<8x128xf32, #tpu.memory_space<vmem>>, %arg4: memref<8x128xf32, #tpu.memory_space<vmem>>, %arg5: memref<8x128xf32, #tpu.memory_space<vmem>>, %arg6: memref<128x128xf32, #tpu.memory_space<vmem>>, %arg7: memref<1024x128xf32, #tpu.memory_space<vmem>>) attributes {dimension_semantics = [#tpu.dimension_semantics<arbitrary>], iteration_bounds = array<i64: 10>, scalar_prefetch = 0 : i64, scratch_operands = 0 : i64, tpu.core_type = #tpu.core_type<tc>, window_params = [{transform_indices = @transform_0, window_bounds = array<i64: 1024, 128>}, {transform_indices = @transform_1, window_bounds = array<i64: 8, 128>}, {transform_indices = @transform_2, window_bounds = array<i64: 8, 128>}, {transform_indices = @transform_3, window_bounds = array<i64: 8, 128>}, {transform_indices = @transform_4, window_bounds = array<i64: 8, 128>}, {pipeline_mode = #tpu.pipeline_mode<synchronous>, transform_indices = @transform_5, window_bounds = array<i64: 128, 128>}, {transform_indices = @transform_6, window_bounds = array<i64: 1024, 128>}]} {
    %get3A = arith.constant 0 : index
    %get3A_0 = arith.constant 0 : index
    %get3A_1 = vector.load %arg2[%get3A, %get3A_0] : memref<8x128xf32, #tpu.memory_space<vmem>>, vector<8x128xf32>
    %get3A_2 = arith.constant 0 : index
    %get3A_3 = arith.constant 0 : index
    %get3A_4 = vector.load %arg3[%get3A_2, %get3A_3] : memref<8x128xf32, #tpu.memory_space<vmem>>, vector<8x128xf32>
    %add3A = arith.addf %get3A_1, %get3A_4 : vector<8x128xf32>
    %get3A_5 = arith.constant 0 : index
    %get3A_6 = arith.constant 0 : index
    %get3A_7 = vector.load %arg4[%get3A_5, %get3A_6] : memref<8x128xf32, #tpu.memory_space<vmem>>, vector<8x128xf32>
    %get3A_8 = arith.constant 0 : index
    %get3A_9 = arith.constant 0 : index
    %get3A_10 = vector.load %arg5[%get3A_8, %get3A_9] : memref<8x128xf32, #tpu.memory_space<vmem>>, vector<8x128xf32>
    %add3A_11 = arith.addf %get3A_7, %get3A_10 : vector<8x128xf32>
    %mul3A = arith.constant 2.000000e+00 : f32
    %mul3A_12 = vector.broadcast %mul3A : f32 to vector<8x128xf32>
    %mul3A_13 = arith.mulf %mul3A_12, %add3A : vector<8x128xf32>
    %add3A_14 = arith.constant 2.000000e+00 : f32
    %add3A_15 = vector.broadcast %add3A_14 : f32 to vector<8x128xf32>
    %add3A_16 = arith.addf %mul3A_13, %add3A_15 : vector<8x128xf32>
    %mul3A_17 = arith.constant 2.000000e+00 : f32
    %mul3A_18 = vector.broadcast %mul3A_17 : f32 to vector<8x128xf32>
    %mul3A_19 = arith.mulf %mul3A_18, %add3A_11 : vector<8x128xf32>
    %add3A_20 = arith.constant 2.000000e+00 : f32
    %add3A_21 = vector.broadcast %add3A_20 : f32 to vector<8x128xf32>
    %add3A_22 = arith.addf %mul3A_19, %add3A_21 : vector<8x128xf32>
    %mul3A_23 = arith.mulf %add3A_16, %add3A_22 : vector<8x128xf32>
    %rsqrt3A = math.rsqrt %mul3A_23 : vector<8x128xf32>
    %get3A_24 = arith.constant 0 : index
    %get3A_25 = arith.constant 0 : index
    %get3A_26 = vector.load %arg6[%get3A_24, %get3A_25] : memref<128x128xf32, #tpu.memory_space<vmem>>, vector<128x128xf32>
    %slice3A = vector.extract_strided_slice %rsqrt3A {offsets = [0, 0], sizes = [1, 128], strides = [1, 1]} : vector<8x128xf32> to vector<1x128xf32>
    %mul3A_27 = vector.broadcast %slice3A : vector<1x128xf32> to vector<128x128xf32>
    %mul3A_28 = arith.mulf %get3A_26, %mul3A_27 : vector<128x128xf32>
    %get3A_29 = arith.constant 0 : index
    %get3A_30 = arith.constant 0 : index
    %get3A_31 = vector.load %arg1[%get3A_29, %get3A_30] : memref<1024x128xf32, #tpu.memory_space<vmem>>, vector<128x128xf32>
    %dot_general3A = arith.constant dense<0.000000e+00> : vector<128x128xf32>
    %dot_general3A_32 = tpu.matmul %mul3A_28, %get3A_31, %dot_general3A {dimension_numbers = #tpu.dot_dimension_numbers<[1], [0], [0], [1], [0, 0, 1, 1], [], []>, precision = #tpu.contract_precision<fp32>, transpose_lhs_hint = false} : vector<128x128xf32>, vector<128x128xf32>, vector<128x128xf32> -> vector<128x128xf32>
    %swap3A = arith.constant 0 : index
    %swap3A_33 = arith.constant 0 : index
    %swap3A_34 = vector.load %arg7[%swap3A, %swap3A_33] : memref<1024x128xf32, #tpu.memory_space<vmem>>, vector<128x128xf32>
    tpu.vector_store %arg7[%swap3A, %swap3A_33], %dot_general3A_32 {strides = array<i32>} : memref<1024x128xf32, #tpu.memory_space<vmem>>, vector<128x128xf32>,
    %get3A_35 = arith.constant 0 : index
    %get3A_36 = arith.constant 0 : index
    %get3A_37 = vector.load %arg6[%get3A_35, %get3A_36] : memref<128x128xf32, #tpu.memory_space<vmem>>, vector<128x128xf32>
    %slice3A_38 = vector.extract_strided_slice %rsqrt3A {offsets = [1, 0], sizes = [1, 128], strides = [1, 1]} : vector<8x128xf32> to vector<1x128xf32>
    %mul3A_39 = vector.broadcast %slice3A_38 : vector<1x128xf32> to vector<128x128xf32>
    %mul3A_40 = arith.mulf %get3A_37, %mul3A_39 : vector<128x128xf32>
    %get3A_41 = arith.constant 128 : index
    %get3A_42 = arith.constant 0 : index
    %get3A_43 = vector.load %arg1[%get3A_41, %get3A_42] : memref<1024x128xf32, #tpu.memory_space<vmem>>, vector<128x128xf32>
    %dot_general3A_44 = arith.constant dense<0.000000e+00> : vector<128x128xf32>
    %dot_general3A_45 = tpu.matmul %mul3A_40, %get3A_43, %dot_general3A_44 {dimension_numbers = #tpu.dot_dimension_numbers<[1], [0], [0], [1], [0, 0, 1, 1], [], []>, precision = #tpu.contract_precision<fp32>, transpose_lhs_hint = false} : vector<128x128xf32>, vector<128x128xf32>, vector<128x128xf32> -> vector<128x128xf32>
    %swap3A_46 = arith.constant 128 : index
    %swap3A_47 = arith.constant 0 : index
    %swap3A_48 = vector.load %arg7[%swap3A_46, %swap3A_47] : memref<1024x128xf32, #tpu.memory_space<vmem>>, vector<128x128xf32>
    tpu.vector_store %arg7[%swap3A_46, %swap3A_47], %dot_general3A_45 {strides = array<i32>} : memref<1024x128xf32, #tpu.memory_space<vmem>>, vector<128x128xf32>,
    %get3A_49 = arith.constant 0 : index
    %get3A_50 = arith.constant 0 : index
    %get3A_51 = vector.load %arg6[%get3A_49, %get3A_50] : memref<128x128xf32, #tpu.memory_space<vmem>>, vector<128x128xf32>
    %slice3A_52 = vector.extract_strided_slice %rsqrt3A {offsets = [2, 0], sizes = [1, 128], strides = [1, 1]} : vector<8x128xf32> to vector<1x128xf32>
    %mul3A_53 = vector.broadcast %slice3A_52 : vector<1x128xf32> to vector<128x128xf32>
    %mul3A_54 = arith.mulf %get3A_51, %mul3A_53 : vector<128x128xf32>
    %get3A_55 = arith.constant 256 : index
    %get3A_56 = arith.constant 0 : index
    %get3A_57 = vector.load %arg1[%get3A_55, %get3A_56] : memref<1024x128xf32, #tpu.memory_space<vmem>>, vector<128x128xf32>
    %dot_general3A_58 = arith.constant dense<0.000000e+00> : vector<128x128xf32>
    %dot_general3A_59 = tpu.matmul %mul3A_54, %get3A_57, %dot_general3A_58 {dimension_numbers = #tpu.dot_dimension_numbers<[1], [0], [0], [1], [0, 0, 1, 1], [], []>, precision = #tpu.contract_precision<fp32>, transpose_lhs_hint = false} : vector<128x128xf32>, vector<128x128xf32>, vector<128x128xf32> -> vector<128x128xf32>
    %swap3A_60 = arith.constant 256 : index
    %swap3A_61 = arith.constant 0 : index
    %swap3A_62 = vector.load %arg7[%swap3A_60, %swap3A_61] : memref<1024x128xf32, #tpu.memory_space<vmem>>, vector<128x128xf32>
    tpu.vector_store %arg7[%swap3A_60, %swap3A_61], %dot_general3A_59 {strides = array<i32>} : memref<1024x128xf32, #tpu.memory_space<vmem>>, vector<128x128xf32>,
    %get3A_63 = arith.constant 0 : index
    %get3A_64 = arith.constant 0 : index
    %get3A_65 = vector.load %arg6[%get3A_63, %get3A_64] : memref<128x128xf32, #tpu.memory_space<vmem>>, vector<128x128xf32>
    %slice3A_66 = vector.extract_strided_slice %rsqrt3A {offsets = [3, 0], sizes = [1, 128], strides = [1, 1]} : vector<8x128xf32> to vector<1x128xf32>
    %mul3A_67 = vector.broadcast %slice3A_66 : vector<1x128xf32> to vector<128x128xf32>
    %mul3A_68 = arith.mulf %get3A_65, %mul3A_67 : vector<128x128xf32>
    %get3A_69 = arith.constant 384 : index
    %get3A_70 = arith.constant 0 : index
    %get3A_71 = vector.load %arg1[%get3A_69, %get3A_70] : memref<1024x128xf32, #tpu.memory_space<vmem>>, vector<128x128xf32>
    %dot_general3A_72 = arith.constant dense<0.000000e+00> : vector<128x128xf32>
    %dot_general3A_73 = tpu.matmul %mul3A_68, %get3A_71, %dot_general3A_72 {dimension_numbers = #tpu.dot_dimension_numbers<[1], [0], [0], [1], [0, 0, 1, 1], [], []>, precision = #tpu.contract_precision<fp32>, transpose_lhs_hint = false} : vector<128x128xf32>, vector<128x128xf32>, vector<128x128xf32> -> vector<128x128xf32>
    %swap3A_74 = arith.constant 384 : index
    %swap3A_75 = arith.constant 0 : index
    %swap3A_76 = vector.load %arg7[%swap3A_74, %swap3A_75] : memref<1024x128xf32, #tpu.memory_space<vmem>>, vector<128x128xf32>
    tpu.vector_store %arg7[%swap3A_74, %swap3A_75], %dot_general3A_73 {strides = array<i32>} : memref<1024x128xf32, #tpu.memory_space<vmem>>, vector<128x128xf32>,
    %get3A_77 = arith.constant 0 : index
    %get3A_78 = arith.constant 0 : index
    %get3A_79 = vector.load %arg6[%get3A_77, %get3A_78] : memref<128x128xf32, #tpu.memory_space<vmem>>, vector<128x128xf32>
    %slice3A_80 = vector.extract_strided_slice %rsqrt3A {offsets = [4, 0], sizes = [1, 128], strides = [1, 1]} : vector<8x128xf32> to vector<1x128xf32>
    %mul3A_81 = vector.broadcast %slice3A_80 : vector<1x128xf32> to vector<128x128xf32>
    %mul3A_82 = arith.mulf %get3A_79, %mul3A_81 : vector<128x128xf32>
    %get3A_83 = arith.constant 512 : index
    %get3A_84 = arith.constant 0 : index
    %get3A_85 = vector.load %arg1[%get3A_83, %get3A_84] : memref<1024x128xf32, #tpu.memory_space<vmem>>, vector<128x128xf32>
    %dot_general3A_86 = arith.constant dense<0.000000e+00> : vector<128x128xf32>
    %dot_general3A_87 = tpu.matmul %mul3A_82, %get3A_85, %dot_general3A_86 {dimension_numbers = #tpu.dot_dimension_numbers<[1], [0], [0], [1], [0, 0, 1, 1], [], []>, precision = #tpu.contract_precision<fp32>, transpose_lhs_hint = false} : vector<128x128xf32>, vector<128x128xf32>, vector<128x128xf32> -> vector<128x128xf32>
    %swap3A_88 = arith.constant 512 : index
    %swap3A_89 = arith.constant 0 : index
    %swap3A_90 = vector.load %arg7[%swap3A_88, %swap3A_89] : memref<1024x128xf32, #tpu.memory_space<vmem>>, vector<128x128xf32>
    tpu.vector_store %arg7[%swap3A_88, %swap3A_89], %dot_general3A_87 {strides = array<i32>} : memref<1024x128xf32, #tpu.memory_space<vmem>>, vector<128x128xf32>,
    %get3A_91 = arith.constant 0 : index
    %get3A_92 = arith.constant 0 : index
    %get3A_93 = vector.load %arg6[%get3A_91, %get3A_92] : memref<128x128xf32, #tpu.memory_space<vmem>>, vector<128x128xf32>
    %slice3A_94 = vector.extract_strided_slice %rsqrt3A {offsets = [5, 0], sizes = [1, 128], strides = [1, 1]} : vector<8x128xf32> to vector<1x128xf32>
    %mul3A_95 = vector.broadcast %slice3A_94 : vector<1x128xf32> to vector<128x128xf32>
    %mul3A_96 = arith.mulf %get3A_93, %mul3A_95 : vector<128x128xf32>
    %get3A_97 = arith.constant 640 : index
    %get3A_98 = arith.constant 0 : index
    %get3A_99 = vector.load %arg1[%get3A_97, %get3A_98] : memref<1024x128xf32, #tpu.memory_space<vmem>>, vector<128x128xf32>
    %dot_general3A_100 = arith.constant dense<0.000000e+00> : vector<128x128xf32>
    %dot_general3A_101 = tpu.matmul %mul3A_96, %get3A_99, %dot_general3A_100 {dimension_numbers = #tpu.dot_dimension_numbers<[1], [0], [0], [1], [0, 0, 1, 1], [], []>, precision = #tpu.contract_precision<fp32>, transpose_lhs_hint = false} : vector<128x128xf32>, vector<128x128xf32>, vector<128x128xf32> -> vector<128x128xf32>
    %swap3A_102 = arith.constant 640 : index
    %swap3A_103 = arith.constant 0 : index
    %swap3A_104 = vector.load %arg7[%swap3A_102, %swap3A_103] : memref<1024x128xf32, #tpu.memory_space<vmem>>, vector<128x128xf32>
    tpu.vector_store %arg7[%swap3A_102, %swap3A_103], %dot_general3A_101 {strides = array<i32>} : memref<1024x128xf32, #tpu.memory_space<vmem>>, vector<128x128xf32>,
    %get3A_105 = arith.constant 0 : index
    %get3A_106 = arith.constant 0 : index
    %get3A_107 = vector.load %arg6[%get3A_105, %get3A_106] : memref<128x128xf32, #tpu.memory_space<vmem>>, vector<128x128xf32>
    %slice3A_108 = vector.extract_strided_slice %rsqrt3A {offsets = [6, 0], sizes = [1, 128], strides = [1, 1]} : vector<8x128xf32> to vector<1x128xf32>
    %mul3A_109 = vector.broadcast %slice3A_108 : vector<1x128xf32> to vector<128x128xf32>
    %mul3A_110 = arith.mulf %get3A_107, %mul3A_109 : vector<128x128xf32>
    %get3A_111 = arith.constant 768 : index
    %get3A_112 = arith.constant 0 : index
    %get3A_113 = vector.load %arg1[%get3A_111, %get3A_112] : memref<1024x128xf32, #tpu.memory_space<vmem>>, vector<128x128xf32>
    %dot_general3A_114 = arith.constant dense<0.000000e+00> : vector<128x128xf32>
    %dot_general3A_115 = tpu.matmul %mul3A_110, %get3A_113, %dot_general3A_114 {dimension_numbers = #tpu.dot_dimension_numbers<[1], [0], [0], [1], [0, 0, 1, 1], [], []>, precision = #tpu.contract_precision<fp32>, transpose_lhs_hint = false} : vector<128x128xf32>, vector<128x128xf32>, vector<128x128xf32> -> vector<128x128xf32>
    %swap3A_116 = arith.constant 768 : index
    %swap3A_117 = arith.constant 0 : index
    %swap3A_118 = vector.load %arg7[%swap3A_116, %swap3A_117] : memref<1024x128xf32, #tpu.memory_space<vmem>>, vector<128x128xf32>
    tpu.vector_store %arg7[%swap3A_116, %swap3A_117], %dot_general3A_115 {strides = array<i32>} : memref<1024x128xf32, #tpu.memory_space<vmem>>, vector<128x128xf32>,
    %get3A_119 = arith.constant 0 : index
    %get3A_120 = arith.constant 0 : index
    %get3A_121 = vector.load %arg6[%get3A_119, %get3A_120] : memref<128x128xf32, #tpu.memory_space<vmem>>, vector<128x128xf32>
    %slice3A_122 = vector.extract_strided_slice %rsqrt3A {offsets = [7, 0], sizes = [1, 128], strides = [1, 1]} : vector<8x128xf32> to vector<1x128xf32>
    %mul3A_123 = vector.broadcast %slice3A_122 : vector<1x128xf32> to vector<128x128xf32>
    %mul3A_124 = arith.mulf %get3A_121, %mul3A_123 : vector<128x128xf32>
    %get3A_125 = arith.constant 896 : index
    %get3A_126 = arith.constant 0 : index
    %get3A_127 = vector.load %arg1[%get3A_125, %get3A_126] : memref<1024x128xf32, #tpu.memory_space<vmem>>, vector<128x128xf32>
    %dot_general3A_128 = arith.constant dense<0.000000e+00> : vector<128x128xf32>
    %dot_general3A_129 = tpu.matmul %mul3A_124, %get3A_127, %dot_general3A_128 {dimension_numbers = #tpu.dot_dimension_numbers<[1], [0], [0], [1], [0, 0, 1, 1], [], []>, precision = #tpu.contract_precision<fp32>, transpose_lhs_hint = false} : vector<128x128xf32>, vector<128x128xf32>, vector<128x128xf32> -> vector<128x128xf32>
    %swap3A_130 = arith.constant 896 : index
    %swap3A_131 = arith.constant 0 : index
    %swap3A_132 = vector.load %arg7[%swap3A_130, %swap3A_131] : memref<1024x128xf32, #tpu.memory_space<vmem>>, vector<128x128xf32>
    tpu.vector_store %arg7[%swap3A_130, %swap3A_131], %dot_general3A_129 {strides = array<i32>} : memref<1024x128xf32, #tpu.memory_space<vmem>>, vector<128x128xf32>,
    return
  }
  func.func @transform_0(%arg0: i32) -> (i32, i32) {
    %c0_i32 = arith.constant 0 : i32
    %c0_i32_0 = arith.constant 0 : i32
    return %arg0, %c0_i32 : i32, i32
  }
  func.func @transform_1(%arg0: i32) -> (i32, i32) {
    %c0_i32 = arith.constant 0 : i32
    %c0_i32_0 = arith.constant 0 : i32
    return %arg0, %c0_i32 : i32, i32
  }
  func.func @transform_2(%arg0: i32) -> (i32, i32) {
    %c0_i32 = arith.constant 0 : i32
    %c0_i32_0 = arith.constant 0 : i32
    return %arg0, %c0_i32 : i32, i32
  }
  func.func @transform_3(%arg0: i32) -> (i32, i32) {
    %c0_i32 = arith.constant 0 : i32
    %c0_i32_0 = arith.constant 0 : i32
    return %arg0, %c0_i32 : i32, i32
  }
  func.func @transform_4(%arg0: i32) -> (i32, i32) {
    %c0_i32 = arith.constant 0 : i32
    %c0_i32_0 = arith.constant 0 : i32
    return %arg0, %c0_i32 : i32, i32
  }
  func.func @transform_5(%arg0: i32) -> (i32, i32) {
    %c0_i32 = arith.constant 0 : i32
    %c0_i32_0 = arith.constant 0 : i32
    %c0_i32_1 = arith.constant 0 : i32
    return %c0_i32, %c0_i32_0 : i32, i32
  }
  func.func @transform_6(%arg0: i32) -> (i32, i32) {
    %c0_i32 = arith.constant 0 : i32
    %c0_i32_0 = arith.constant 0 : i32
    return %arg0, %c0_i32 : i32, i32
  }
}

module attributes {stable_mosaic.version = 14 : i64} {
  func.func @_add_body(%arg0: i32, %arg1: memref<1000x128xf32, #tpu.memory_space<vmem>>, %arg2: memref<1000x128xf32, #tpu.memory_space<vmem>>, %arg3: memref<1000x128xf32, #tpu.memory_space<vmem>>) attributes {dimension_semantics = [#tpu.dimension_semantics<arbitrary>], iteration_bounds = array<i64: 10>, scalar_prefetch = 0 : i64, scratch_operands = 0 : i64, tpu.core_type = #tpu.core_type<tc>, window_params = [{transform_indices = @transform_0, window_bounds = array<i64: 1000, 128>}, {transform_indices = @transform_1, window_bounds = array<i64: 1000, 128>}, {transform_indices = @transform_2, window_bounds = array<i64: 1000, 128>}]} {
    %get3A = arith.constant 0 : index
    %get3A_0 = arith.constant 0 : index
    %get3A_1 = vector.load %arg1[%get3A, %get3A_0] : memref<1000x128xf32, #tpu.memory_space<vmem>>, vector<1000x128xf32>
    %get3A_2 = arith.constant 0 : index
    %get3A_3 = arith.constant 0 : index
    %get3A_4 = vector.load %arg2[%get3A_2, %get3A_3] : memref<1000x128xf32, #tpu.memory_space<vmem>>, vector<1000x128xf32>
    %add3A = arith.addf %get3A_1, %get3A_4 : vector<1000x128xf32>
    %swap3A = arith.constant 0 : index
    %swap3A_5 = arith.constant 0 : index
    %swap3A_6 = vector.load %arg3[%swap3A, %swap3A_5] : memref<1000x128xf32, #tpu.memory_space<vmem>>, vector<1000x128xf32>
    tpu.vector_store %arg3[%swap3A, %swap3A_5], %add3A {strides = array<i32>} : memref<1000x128xf32, #tpu.memory_space<vmem>>, vector<1000x128xf32>,
    return
  }
  func.func @transform_0(%arg0: i32) -> (i32, i32) {
    %c0_i32 = arith.constant 0 : i32
    %c0_i32_0 = arith.constant 0 : i32
    return %arg0, %c0_i32 : i32, i32
  }
  func.func @transform_1(%arg0: i32) -> (i32, i32) {
    %c0_i32 = arith.constant 0 : i32
    %c0_i32_0 = arith.constant 0 : i32
    return %arg0, %c0_i32 : i32, i32
  }
  func.func @transform_2(%arg0: i32) -> (i32, i32) {
    %c0_i32 = arith.constant 0 : i32
    %c0_i32_0 = arith.constant 0 : i32
    return %arg0, %c0_i32 : i32, i32
  }
}

</mosaic_0001>

<sc_bundles>
// kernel: kernel.10.cloned.1.call-start
scs
__scs_entry_jumppad:
0x0: {  	(pc) =	sbr.rel $0x88, $3  }
0x1: {  	(tag) =	ssettag $0x0;
	lr =	simm.s32 $0x1  }
0x2: {  	[smem:$0x3F9D] =	sst lr;
	_ =	strace $0xD0000000  }
0x3: {  	_ = 	snop  }
0x4: {  	_ = 	snop  }
0x5: {  	_ = 	snop  }
0x6: {  	_ = 	snop  }
0x7: {  	_ = 	snop  }
__scs_overlays_trampoline_lowered:
0x8: {  	[smem:$0x3FAC] =	sst s0  }
0x9: {  	[smem:$0x3FAD] =	sst s1  }
0xa: {  	[smem:$0x3FAE] =	sst s2  }
0xb: {  	[smem:$0x3FAF] =	sst s3  }
0xc: {  	[smem:$0x3FB0] =	sst s4  }
0xd: {  	[smem:$0x3FB1] =	sst s5  }
0xe: {  	[smem:$0x3FB2] =	sst s6  }
0xf: {  	[smem:$0x3FB3] =	sst s7  }
0x10: {  	[smem:$0x3FB4] =	sst s8  }
0x11: {  	[smem:$0x3FB5] =	sst s9;
	s0 =	simm.s32 @!p0 $0x0  }
0x12: {  	s1 =	sld [smem:$0x3F9B];
	s0 =	simm.s32 @p0 $0x1  }
0x13: {  	[smem:$0x3FB6] =	sst s0;
	s0 =	simm.s32 @!p1 $0x0  }
0x14: {  	s2 =	sld [smem:$0x3F9A];
	s0 =	simm.s32 @p1 $0x1  }
0x15: {  	[smem:$0x3FB7] =	sst s0;
	s0 =	simm.s32 @!p2 $0x0  }
0x16: {  	s3 =	sld [smem:$0x3FDB];
	s0 =	simm.s32 @p2 $0x1  }
0x17: {  	s4 =	simm.s32 $0x1BF5;
	[smem:$0x3FB9] =	sst s0  }
0x18: {  	s0 =	sld [smem:$0x3F9C];
	_ =	swait.ge [sflag:s4], $0x0  }
0x19: {  	s7 =	sld [smem:$0x3F9D]  }
0x1a: {  	s8 =	sadd.s32 $0xFFFFE003, lr  }
0x1b: {  	s9 =	sadd.s32 $0xFFFFFEF7, lr;
	s5 =	simm.s32 $0xFFFFFFFF;
	p2 =	slt.u32 s8, $0xFFFFF086  }
0x1c: {  	p1 =	slt.u32 s9, $0xF7A;
	s5 =	simm.s32 @!p2 $0x0  }
0x1d: {  	s5 =	simm.s32 @p1 $0x1;
	p0 =	seq.s32 s7, s2  }
0x1e: {  	s7 =	smul.u32 @!p0 $0xF7A, s2;
	p2 =	seq.s32 @!p0 s5, $0x0  }
0x1f: {  	s9 =	smul.u32 $0xF7A, s1;
	s8 =	simm.s32 @!p0 $0x1BF5;
	p2 =	por !p2, p0  }
0x20: {  	[sflag:s8] =	ssyncset.s32 @!p0 $0xFFFFF086;
	s6 =	sadd.s32 @!p0 s3, s7;
	s7 =	simm.s32 @!p0 $0x108  }
0x21: {  	s3 =	sadd.s32 s3, s9;
	s6 =	sadd.s32 @!p0 $0x88, s6;
	s7 =	simm.s32 @p2 $0x1082  }
0x22: {  	[simem:s7], [sflag:s8] =	dma.local @!p0 [hbm:s6], $0xF7A  }
0x23: {  	s9 =	sor.u32 $0xD0000000, s2;
	s6 =	simm.s32 $0x108;
	_ =	swait.ge @!p0 [sflag:s8], $0x0  }
0x24: {  	s3 =	sadd.s32 $0x88, s3;
	s6 =	simm.s32 @!p1 $0x1082;
	[sflag:s4] =	ssyncset.s32 $0xFFFFF086  }
0x25: {  	[simem:s6], [sflag:s4] =	dma.local [hbm:s3], $0xF7A  }
0x26: {  	[smem:$0x3F9D] =	sst s1;
	(tag) =	ssettag s2;
	_ =	strace s9  }
0x27: {  	s1 =	sld [smem:$0x3FAD]  }
0x28: {  	s2 =	sld [smem:$0x3FAE]  }
0x29: {  	s4 =	sld [smem:$0x3FB0]  }
0x2a: {  	p0 =	seq.s32 s5, $0x0;
	s5 =	sld [smem:$0x3FB1]  }
0x2b: {  	s6 =	sld [smem:$0x3FB2]  }
0x2c: {  	s7 =	sld [smem:$0x3FB3]  }
0x2d: {  	s3 =	simm.s32 $0x108;
	s8 =	sld [smem:$0x3FB4]  }
0x2e: {  	s3 =	simm.s32 @!p0 $0x1082;
	s9 =	sld [smem:$0x3FB5]  }
0x2f: {  	lr =	sadd.s32 s0, s3;
	s0 =	sld [smem:$0x3FAC]  }
0x30: {  	s3 =	sld [smem:$0x3FAF]  }
0x31: {  	[smem:$0x3FB8] =	sst s10  }
0x32: {  	s10 =	sld [smem:$0x3FB6];
	_ =	sdelay $0x3  }
0x33: {  	p0 =	seq.s32 s10, $0x1;
	s10 =	sld [smem:$0x3FB8];
	_ =	sdelay $0x3  }
0x34: {  	[smem:$0x3FB8] =	sst s10  }
0x35: {  	s10 =	sld [smem:$0x3FB7];
	_ =	sdelay $0x3  }
0x36: {  	p1 =	seq.s32 s10, $0x1;
	s10 =	sld [smem:$0x3FB8];
	_ =	sdelay $0x3  }
0x37: {  	[smem:$0x3FB8] =	sst s10  }
0x38: {  	s10 =	sld [smem:$0x3FB9]  }
0x39: {  	_ = 	snop;
	(pc) =	sbr.ind lr, $3  }
0x3a: {  	_ = 	snop  }
0x3b: {  	_ = 	snop  }
0x3c: {  	p2 =	seq.s32 s10, $0x1;
	s10 =	sld [smem:$0x3FB8]  }
0x3d: {  	_ =	shalt  }
0x3e: {  	_ =	shalt  }
0x3f: {  	_ =	shalt  }
0x40: {  	_ =	shalt  }
0x41: {  	_ =	shalt  }
0x42: {  	_ =	shalt  }
0x43: {  	_ =	shalt  }
0x44: {  	_ =	shalt  }
0x45: {  	_ =	shalt  }
0x46: {  	_ =	shalt  }
0x47: {  	_ =	shalt  }
0x48: {  	_ =	shalt  }
0x49: {  	_ =	shalt  }
0x4a: {  	_ =	shalt  }
0x4b: {  	_ =	shalt  }
0x4c: {  	_ =	shalt  }
0x4d: {  	_ =	shalt  }
0x4e: {  	_ =	shalt  }
0x4f: {  	_ =	shalt  }
0x50: {  	_ =	shalt  }
0x51: {  	_ =	shalt  }
0x52: {  	_ =	shalt  }
0x53: {  	_ =	shalt  }
0x54: {  	_ =	shalt  }
0x55: {  	_ =	shalt  }
0x56: {  	_ =	shalt  }
0x57: {  	_ =	shalt  }
0x58: {  	_ =	shalt  }
0x59: {  	_ =	shalt  }
0x5a: {  	_ =	shalt  }
0x5b: {  	_ =	shalt  }
0x5c: {  	_ =	shalt  }
0x5d: {  	_ =	shalt  }
0x5e: {  	_ =	shalt  }
0x5f: {  	_ =	shalt  }
0x60: {  	_ =	shalt  }
0x61: {  	_ =	shalt  }
0x62: {  	_ =	shalt  }
0x63: {  	_ =	shalt  }
0x64: {  	_ =	shalt  }
0x65: {  	_ =	shalt  }
0x66: {  	_ =	shalt  }
0x67: {  	_ =	shalt  }
0x68: {  	_ =	shalt  }
0x69: {  	_ =	shalt  }
0x6a: {  	_ =	shalt  }
0x6b: {  	_ =	shalt  }
0x6c: {  	_ =	shalt  }
0x6d: {  	_ =	shalt  }
0x6e: {  	_ =	shalt  }
0x6f: {  	_ =	shalt  }
0x70: {  	_ =	shalt  }
0x71: {  	_ =	shalt  }
0x72: {  	_ =	shalt  }
0x73: {  	_ =	shalt  }
0x74: {  	_ =	shalt  }
0x75: {  	_ =	shalt  }
0x76: {  	_ =	shalt  }
0x77: {  	_ =	shalt  }
0x78: {  	_ =	shalt  }
0x79: {  	_ =	shalt  }
0x7a: {  	_ =	shalt  }
0x7b: {  	_ =	shalt  }
0x7c: {  	_ =	shalt  }
0x7d: {  	_ =	shalt  }
0x7e: {  	_ =	shalt  }
0x7f: {  	_ =	shalt  }
0x80: {  	_ =	shalt  }
0x81: {  	_ =	shalt  }
0x82: {  	_ =	shalt  }
0x83: {  	_ =	shalt  }
0x84: {  	_ =	shalt  }
0x85: {  	_ =	shalt  }
0x86: {  	_ =	shalt  }
0x87: {  	_ =	shalt  }
.Lfunc_end0:
.L_simem_size_0:
called_computation.1_lowered:
.L_overlay_start_0:
0x88: {  	s2 =	sld [smem:$0x3FD9]  }
0x89: {  	s3 =	sld [smem:$0x3FFE];
	_ =	sdelay $0x1  }
0x8a: {  	s1 =	srdreg.scid  }
0x8b: {  	s0 =	sand.u32 $0x1, s1  }
0x8c: {  	s17 =	sshll.u32 s0, $0xA;
	s2 =	sadd.s32 s3, s2  }
0x8d: {  	s2 =	sadd.s32 s2, s17  }
0x8e: {  	[smem:$0x3FC4] =	sst s2  }
0x8f: {  	_ = 	snop  }
0x90: {  	s2 =	sld [smem:$0x3FD0];
	(tm) =	ssettm $0x1  }
0x91: {  	s18 =	sld [smem:$0x3FFB];
	_ =	sdelay $0x3  }
0x92: {  	_ =	strace s18  }
0x93: {  	s3 =	sld [smem:$0x3FFC];
	_ =	sdelay $0x3  }
0x94: {  	_ =	strace s3  }
0x95: {  	s3 =	sld [smem:$0x3FFD];
	_ =	sdelay $0x3  }
0x96: {  	_ =	strace s3  }
0x97: {  	_ =	strace $0x8FFFFFFF  }
0x98: {  	s19 =	sld [smem:$0x3FDB];
	_ =	sdelay $0x1  }
0x99: {  	s4 =	simm.s32 $_scs_section_size  }
0x9a: {  	s5 =	simm.s32 $_size__tile_overlayer_lowered;
	s6 =	simm.s32 $_tile_overlayer_lowered  }
0x9b: {  	s22 =	simm.s32 $0x1BFF;
	s21 =	sshll.u32 s6, $0x1;
	s3 =	sadd.s32 s4, s19  }
0x9c: {  	s7 =	simm.s32 $0x0;
	s20 =	sshll.u32 s5, $0x1;
	s5 =	sadd.s32 s21, s3  }
0x9d: {  	[timem:s7], [sflag:s22] =	dma.local [hbm:s5], s20  }
0x9e: {  	_ =	swait.ge [sflag:s22], s20  }
0x9f: {  	s4 =	ssub.s32 $0x0, s20;
	[sflag:s22] =	ssyncset.done $0x0  }
0xa0: {  	[sflag:s22] =	ssyncadd.s32 s4;
	_ =	sdelay $0x1  }
0xa1: {  	s23 =	simm.s32 $0x1B8B  }
0xa2: {  	_ =	swait.ge [sflag:s23], $0x1  }
0xa3: {  	[sflag:s23] =	ssyncset.done $0x0  }
0xa4: {  	s25 =	simm.s32 $0x1B8E;
	s24 =	sld [smem:$0x3FFE];
	[sflag:s23] =	ssyncadd.s32 $0xFFFFFFFF  }
0xa5: {  	s26 =	simm.s32 $execute0_lowered;
	[smem:$0x3FD2] =	sst s25  }
0xa6: {  	s5 =	sshll.u32 s26, $0x1;
	_ =	strace $0x80000049;
	[dreg:$0x1] =	wrdreg $0xFFFFFFFF  }
0xa7: {  	s28 =	simm.s32 $_size_execute0_lowered;
	s3 =	sadd.s32 s3, s5;
	[dreg:$0x0] =	wrdreg $0x0  }
0xa8: {  	s5 =	sshll.u32 s28, $0x1;
	[dreg:$0x2] =	wrdreg s3  }
0xa9: {  	[dreg:$0x3] =	wrdreg s5  }
0xaa: {  	[dreg:$0x4] =	wrdreg $0xC0  }
0xab: {  	_ =	task [dreg:s7], $0x5FFFF  }
0xac: {  	[dreg:$0x1] =	wrdreg $0xFFFFFFFF  }
0xad: {  	[dreg:$0x0] =	wrdreg $0x60  }
0xae: {  	[dreg:$0x2] =	wrdreg s24  }
0xaf: {  	[dreg:$0x3] =	wrdreg s2  }
0xb0: {  	[dreg:$0x4] =	wrdreg $0xA8000  }
0xb1: {  	[dreg:$0x5] =	wrdreg $0x9  }
0xb2: {  	_ =	task.clear_ibuf [dreg:s7], $0x6FFFF;
	_ =	strace $0x90000049  }
0xb3: {  	s29 =	simm.s32 $0x9;
	_ =	strace $0x8000004B  }
0xb4: {  	_ =	swait.ge [sflag:s29], $0x1  }
0xb5: {  	[sflag:s29] =	ssyncadd.s32 $0xFFFFFFFF  }
0xb6: {  	_ =	strace $0x9000004B  }
0xb7: {  	_ =	sfence  }
0xb8: {  	s30 =	sld [smem:$0x0];
	_ =	sdelay $0x2  }
0xb9: {  	s31 =	sshll.u32 s1, $0xD;
	s1 =	sshrl.u32 s1, $0x2  }
0xba: {  	s3 =	sand.u32 $0x4000, s31;
	s1 =	sadd.s32 s1, s30  }
0xbb: {  	s0 =	sor.u32 s3, s0;
	s1 =	sshll.u32 s1, $0x11  }
0xbc: {  	s0 =	sor.u32 s1, s0  }
0xbd: {  	s0 =	sadd.s32 $0x8F2B, s0  }
0xbe: {  	[sflag:s0] =	ssyncadd.remote.s32 $0x1  }
0xbf: {  	_ =	sfence.sel $0xFFFF  }
0xc0: {  	[dreg:$0x0] =	wrdreg $0xFFFFFFFF;
	(pc) =	sbr.abs _section_cstart, $3  }
0xc1: {  	[dreg:$0x1] =	wrdreg $0xFFFFFFFF  }
0xc2: {  	_ =	task.clear_ibuf [dreg:s7], $0x2FFFF;
	_ =	strace $0x9FFFFFFF  }
0xc3: {  	(tm) =	ssettm $0x7FFFFFFF  }
tec
execute0_lowered:
.L_overlay_start_1:
0x0: {  	(tag) =	ssettag $0x1  }
0x1: {  	s0 =	rddreg [dreg:$0x0]  }
0x2: {  	s15 =	rddreg [dreg:$0x1]  }
0x3: {  	s1 =	rddreg [dreg:$0x2]  }
0x4: {  	s3 =	simm.s32 $0x0;
	s2 =	stileid.u32;
	s5 =	srdreg.scid  }
0x5: {  	s19 =	simm.s32 $0x5;
	s20 =	simm.s32 $0x1400;
	s21 =	simm.s32 $0x80  }
0x6: {  	s22 =	simm.s32 $0x2800;
	s28 =	simm.s32 $0x3;
	s29 =	simm.s32 $0x4  }
0x7: {  	s30 =	simm.s32 $0x0;
	[smem:$0x7FF] =	sst s3;
	s4 =	sadd.s32 $0x16C00, s0  }
0x8: {  	s12 =	sadd.s32 $0xCC00, s0;
	s10 =	sand.u32 $0x1, s5;
	s24 =	sshll.u32 s2, $0x1  }
0x9: {  	s16 =	smul.u32 $0x2700, s2;
	s13 =	sadd.s32 $0x2C00, s0;
	s5 =	sadd.s32 $0x3EC00, s0  }
0xa: {  	p2 =	seq.s32 s2, $0xF;
	p3 =	sne.s32 s2, $0xF;
	s11 =	smul.u32 $0x4E000, s2  }
0xb: {  	_ =	strace $0x8000004A;
	s6 =	ssub.s32 $0x2, s10;
	s8 =	sor.u32 s10, s24  }
0xc: {  	p0 =	seq.s32 s10, $0x0;
	s24 =	simm.s32 $0x1;
	s7 =	sshrl.u32 s6, $0x1  }
0xd: {  	s9 =	smul.u32 $0x500, s8;
	s17 =	sadd.s32 s16, s0;
	p1 =	por !p0, !p2  }
0xe: {  	p0 =	por !p0, !p3;
	s25 =	sshrl.u32 s11, $0x2;
	s26 =	smul.u32 $0x2800, s8  }
0xf: {  	s11 =	sadd.s32 $0x3B500, s0;
	s18 =	ssub.s32 s6, s7;
	p1 =	por !p1, !p1  }
0x10: {  	p0 =	por !p0, !p0;
	s8 =	sadd.s32 s25, s1;
	s17 =	sadd.s32 $0x41400, s17  }
0x11: {  	s6 =	sadd.s32 s12, s9;
	s7 =	sadd.s32 s13, s9;
	s9 =	simm.s32 @!p3 $0x0  }
0x12: {  	s25 =	simm.s32 $0x6800;
	s31 =	sshrl.u32 s26, $0x3;
	s9 =	simm.s32 @p3 $0x1  }
0x13: {  	s18 =	smax.u32 s18, $0x1;
	[smem:$0x7FB] =	sst s9;
	s9 =	simm.s32 @!p0 $0x0  }
0x14: {  	s26 =	simm.s32 $0x2;
	s9 =	simm.s32 @p0 $0x1;
	p0 =	seq.s32 s10, $0x1  }
.Ltmp0:
0x15: {  	s10 =	sadd.s32 $0x124800, s1;
	s14 =	simm.s32 @!p0 $0x0;
	(pc) =	sbr.rel .LBB2_1-.Ltmp0, $4  }
0x16: {  	[smem:$0x7FC] =	sst s9;
	s9 =	sadd.s32 s4, s16;
	s14 =	simm.s32 @p0 $0x1  }
0x17: {  	p0 =	por !p2, !p0;
	[smem:$0x7FD] =	sst s14;
	s14 =	sadd.s32 $0x280, s31  }
0x18: {  	p4 =	por !p0, !p0;
	s12 =	sadd.s32 s12, s14;
	s13 =	sadd.s32 s13, s14  }
0x19: {  	s14 =	sadd.s32 $0x24900, s15;
	s15 =	sadd.s32 s15, s16;
	s16 =	sadd.s32 $0x65D00, s0  }
.LBB2_13:
0x1a: {  	_ =	swait.ge [sflag:s29], $0x4000  }
0x1b: {  	[sflag:s29] =	ssyncset.done $0x0  }
0x1c: {  	[sflag:s29] =	ssyncadd.s32 $0xFFFFC000  }
0x1d: {  	s0 =	sshrl.u32 @p1 s10, $0x3;
	s23 =	simm.s32 @p1 $0x1FC5;
	[bflag:$0x0] =	sbarrier.arrive $0xFFFF  }
0x1e: {  	[hbm:s14], [sflag:s23] =	dma.local @p1 [spmem:s0], $0x2800  }
0x1f: {  	s0 =	simm.s32 @p1 $0x5  }
0x20: {  	_ =	swait.ge @p1 [sflag:s0], $0x2800  }
0x21: {  	s23 =	sshll.u32 @p5 s2, $0x6;
	[sflag:s0] =	ssyncset.done @p1 $0x0  }
0x22: {  	[sflag:s0] =	ssyncadd.s32 @p1 $0xFFFFD800;
	s0 =	sor.u32 @p5 $0x1C05, s23;
	s23 =	sshrl.u32 @p5 s8, $0x3  }
0x23: {  	[hbm:s15], [sflag:s0] =	dma.local @p5 [spmem:s23], $0x2700  }
0x24: {  	s0 =	simm.s32 @p5 $0x5  }
0x25: {  	_ =	swait.ge @p5 [sflag:s0], $0x2700  }
0x26: {  	s23 =	sshll.u32 @p6 s2, $0x6;
	[sflag:s0] =	ssyncset.done @p5 $0x0  }
0x27: {  	[sflag:s0] =	ssyncadd.s32 @p5 $0xFFFFD900;
	s0 =	sor.u32 @p6 $0x1C05, s23;
	s23 =	sshrl.u32 @p6 s10, $0x3  }
0x28: {  	[hbm:s16], [sflag:s0] =	dma.local @p6 [spmem:s23], $0x2800  }
0x29: {  	s0 =	simm.s32 @p6 $0x5  }
0x2a: {  	s30 =	sadd.s32 $0x1, s30;
	_ =	swait.ge @p6 [sflag:s0], $0x2800  }
0x2b: {  	p2 =	sne.s32 s30, s18;
	s23 =	sshll.u32 @p0 s2, $0x6;
	[sflag:s0] =	ssyncset.done @p6 $0x0  }
0x2c: {  	[sflag:s0] =	ssyncadd.s32 @p6 $0xFFFFD800;
	s0 =	sor.u32 @p0 $0x1C05, s23;
	s23 =	sshrl.u32 @p0 s8, $0x3  }
0x2d: {  	[hbm:s17], [sflag:s0] =	dma.local @p0 [spmem:s23], $0x2700  }
.Ltmp1:
0x2e: {  	_ = 	snop;
	(pc) =	sbr.rel @!p2 .LBB2_14-.Ltmp1, $4  }
0x2f: {  	s0 =	simm.s32 @p0 $0x5  }
0x30: {  	_ =	swait.ge @p0 [sflag:s0], $0x2700  }
0x31: {  	[sflag:s0] =	ssyncset.done @p0 $0x0  }
0x32: {  	[sflag:s0] =	ssyncadd.s32 @p0 $0xFFFFD900  }
.LBB2_1:
0x33: {  	[tilespmem:s3], [sflag:$0x5] =	stream.linear.gather [hbm4b:s6+s3], $0x1400, $0x38;
	[tilespmem:$0x1E280] =	vst v63  }
0x34: {  	_ =	swait.ge [sflag:s19], $0x1400  }
0x35: {  	[sflag:s19] =	ssyncset.done $0x0  }
0x36: {  	[sflag:s19] =	ssyncadd.s32 $0xFFFFEC00  }
0x37: {  	[tilespmem:s20], [sflag:$0x5] =	stream.linear.gather [hbm4b:s7+s3], $0x1400, $0x38;
	[tilespmem:$0x1E280] =	vst v63  }
.Ltmp2:
0x38: {  	_ = 	snop;
	(pc) =	sbr.rel @!p1 .LBB2_4-.Ltmp2, $4  }
0x39: {  	_ =	swait.ge [sflag:s19], $0x1400  }
0x3a: {  	[sflag:s19] =	ssyncset.done $0x0  }
0x3b: {  	[sflag:s19] =	ssyncadd.s32 $0xFFFFEC00  }
0x3c: {  	[tilespmem:s22], [sflag:$0x1] =	stream.indirect.gather [hbm4b:s4+s21], $0x80, s3, s21, $0xb8;
	[tilespmem:$0x1E280] =	vst v63  }
.Ltmp3:
0x3d: {  	s0 =	sshrl.u32 s10, $0x3;
	s23 =	simm.s32 $0x1FC5;
	(pc) =	sbr.rel .LBB2_3-.Ltmp3, $4  }
0x3e: {  	[spmem:s0], [sflag:s23] =	dma.local [hbm:s11], $0x2800  }
0x3f: {  	_ =	swait.ge [sflag:s19], $0x2800  }
0x40: {  	[sflag:s19] =	ssyncset.done $0x0  }
0x41: {  	p0 =	por $0x0, $0x0;
	[sflag:s19] =	ssyncadd.s32 $0xFFFFD800  }
.LBB2_4:
0x42: {  	s31 =	sld [smem:$0x7FC];
	_ =	sdelay $0x2  }
0x43: {  	p2 =	seq.s32 s31, $0x1  }
.Ltmp4:
0x44: {  	_ = 	snop;
	(pc) =	sbr.rel @!p2 .LBB2_3-.Ltmp4, $2  }
0x45: {  	s0 =	sld [smem:$0x7FB];
	_ =	sdelay $0x2  }
0x46: {  	p0 =	seq.s32 s0, $0x1  }
.Ltmp5:
0x47: {  	(pc) =	sbr.rel .LBB2_6-.Ltmp5, $3  }
0x48: {  	_ =	sdelay $0x1  }
0x49: {  	p0 =	por $0x1, $0x1  }
0x4a: {  	p2 =	por $0x0, $0x0;
	s0 =	smov.u32 s9;
	p6 =	por $0x0, $0x0  }
.LBB2_3:
0x4b: {  	s0 =	sshrl.u32 @p4 s10, $0x3;
	s31 =	simm.s32 @p4 $0x1FC5  }
0x4c: {  	[spmem:s0], [sflag:s31] =	dma.local @p4 [hbm:s5], $0x2800  }
0x4d: {  	s0 =	simm.s32 @p4 $0x5  }
0x4e: {  	_ =	swait.ge @p4 [sflag:s0], $0x2800  }
0x4f: {  	s23 =	sld [smem:$0x7FD];
	_ =	sdelay $0x2  }
0x50: {  	p2 =	por @p4 $0x1, $0x1;
	p3 =	seq.s32 s23, $0x1  }
0x51: {  	p2 =	por @!p4 p3, p3  }
0x52: {  	p0 =	por !p2, !p0  }
0x53: {  	p3 =	por !p0, !p0  }
.Ltmp6:
0x54: {  	_ = 	snop;
	(pc) =	sbr.rel @!p3 .LBB2_7-.Ltmp6, $4  }
0x55: {  	_ = 	snop  }
0x56: {  	[sflag:s0] =	ssyncset.done @p4 $0x0  }
0x57: {  	p6 =	por p4, p4;
	p5 =	por $0x0, $0x0;
	[sflag:s0] =	ssyncadd.s32 @p4 $0xFFFFD800  }
0x58: {  	s0 =	smov.u32 s5;
	p2 =	por $0x1, $0x1;
	p0 =	por $0x0, $0x0  }
.LBB2_6:
0x59: {  	s31 =	sshll.u32 s2, $0x6  }
0x5a: {  	s23 =	sshrl.u32 s8, $0x3;
	s31 =	sor.u32 $0x1C05, s31  }
0x5b: {  	[spmem:s23], [sflag:s31] =	dma.local [hbm:s0], $0x2700  }
0x5c: {  	_ =	swait.ge [sflag:s19], $0x2700  }
0x5d: {  	[sflag:s19] =	ssyncset.done $0x0  }
0x5e: {  	p5 =	por p0, p0;
	p0 =	por p2, p2;
	[sflag:s19] =	ssyncadd.s32 $0xFFFFD900  }
.LBB2_7:
0x5f: {  	[bflag:$0x0] =	sbarrier.arrive $0xFFFF;
	s31 =	simm.s32 $0x0  }
.LBB2_8:
0x60: {  	_ =	swait.ge [sflag:s24], $0x4000  }
0x61: {  	s0 =	sshra.s32 s31, $0x2;
	[sflag:s24] =	ssyncset.done $0x0  }
0x62: {  	p2 =	seq.s32 s31, $0x0;
	s23 =	sadd.s32 $0x1400, s0;
	[sflag:s24] =	ssyncadd.s32 $0xFFFFC000  }
0x63: {  	[spmem:s1] =	stream.indirect.scatter.add.f32 [tilespmem:s22], [sflag:$0x3], $0x80, s23, s21, $0xb8;
	[tilespmem:$0x1E280] =	vst v63  }
0x64: {  	s23 =	simm.s32 @!p2 $0x4  }
0x65: {  	_ =	swait.ge @!p2 [sflag:s23], $0x4000  }
0x66: {  	[sflag:s23] =	ssyncset.done @!p2 $0x0  }
0x67: {  	[sflag:s23] =	ssyncadd.s32 @!p2 $0xFFFFC000;
	s23 =	sadd.s32 $0x80, s0  }
0x68: {  	[tilespmem:s25], [sflag:$0x2] =	stream.indirect.gather [hbm4b:s4+s21], $0x80, s23, s21, $0xb8;
	[tilespmem:$0x1E280] =	vst v63  }
0x69: {  	_ =	swait.ge [sflag:s26], $0x4000  }
0x6a: {  	[sflag:s26] =	ssyncset.done $0x0  }
0x6b: {  	s23 =	sadd.s32 $0x1480, s0;
	[sflag:s26] =	ssyncadd.s32 $0xFFFFC000  }
0x6c: {  	[spmem:s1] =	stream.indirect.scatter.add.f32 [tilespmem:s25], [sflag:$0x4], $0x80, s23, s21, $0xb8;
	[tilespmem:$0x1E280] =	vst v63  }
0x6d: {  	_ =	swait.ge [sflag:s28], $0x4000  }
0x6e: {  	[sflag:s28] =	ssyncset.done $0x0  }
0x6f: {  	s23 =	sadd.s32 $0x100, s0;
	[sflag:s28] =	ssyncadd.s32 $0xFFFFC000  }
0x70: {  	[tilespmem:s22], [sflag:$0x1] =	stream.indirect.gather [hbm4b:s4+s21], $0x80, s23, s21, $0xb8;
	[tilespmem:$0x1E280] =	vst v63  }
0x71: {  	_ =	swait.ge [sflag:s24], $0x4000  }
0x72: {  	[sflag:s24] =	ssyncset.done $0x0  }
0x73: {  	s23 =	sadd.s32 $0x1500, s0;
	[sflag:s24] =	ssyncadd.s32 $0xFFFFC000  }
0x74: {  	[spmem:s1] =	stream.indirect.scatter.add.f32 [tilespmem:s22], [sflag:$0x3], $0x80, s23, s21, $0xb8;
	[tilespmem:$0x1E280] =	vst v63  }
0x75: {  	_ =	swait.ge [sflag:s29], $0x4000  }
0x76: {  	[sflag:s29] =	ssyncset.done $0x0  }
0x77: {  	s23 =	sadd.s32 $0x180, s0;
	[sflag:s29] =	ssyncadd.s32 $0xFFFFC000  }
0x78: {  	[tilespmem:s25], [sflag:$0x2] =	stream.indirect.gather [hbm4b:s4+s21], $0x80, s23, s21, $0xb8;
	[tilespmem:$0x1E280] =	vst v63  }
0x79: {  	_ =	swait.ge [sflag:s26], $0x4000  }
0x7a: {  	[sflag:s26] =	ssyncset.done $0x0  }
0x7b: {  	s23 =	sadd.s32 $0x1580, s0;
	[sflag:s26] =	ssyncadd.s32 $0xFFFFC000  }
0x7c: {  	[spmem:s1] =	stream.indirect.scatter.add.f32 [tilespmem:s25], [sflag:$0x4], $0x80, s23, s21, $0xb8;
	[tilespmem:$0x1E280] =	vst v63  }
0x7d: {  	_ =	swait.ge [sflag:s28], $0x4000  }
0x7e: {  	[sflag:s28] =	ssyncset.done $0x0  }
0x7f: {  	s23 =	sadd.s32 $0x200, s0;
	[sflag:s28] =	ssyncadd.s32 $0xFFFFC000  }
0x80: {  	[tilespmem:s22], [sflag:$0x1] =	stream.indirect.gather [hbm4b:s4+s21], $0x80, s23, s21, $0xb8;
	[tilespmem:$0x1E280] =	vst v63  }
0x81: {  	_ =	swait.ge [sflag:s24], $0x4000  }
0x82: {  	[sflag:s24] =	ssyncset.done $0x0  }
0x83: {  	s23 =	sadd.s32 $0x1600, s0;
	[sflag:s24] =	ssyncadd.s32 $0xFFFFC000  }
0x84: {  	[spmem:s1] =	stream.indirect.scatter.add.f32 [tilespmem:s22], [sflag:$0x3], $0x80, s23, s21, $0xb8;
	[tilespmem:$0x1E280] =	vst v63  }
0x85: {  	_ =	swait.ge [sflag:s29], $0x4000  }
0x86: {  	[sflag:s29] =	ssyncset.done $0x0  }
0x87: {  	s23 =	sadd.s32 $0x280, s0;
	[sflag:s29] =	ssyncadd.s32 $0xFFFFC000  }
0x88: {  	[tilespmem:s25], [sflag:$0x2] =	stream.indirect.gather [hbm4b:s4+s21], $0x80, s23, s21, $0xb8;
	[tilespmem:$0x1E280] =	vst v63  }
0x89: {  	_ =	swait.ge [sflag:s26], $0x4000  }
0x8a: {  	[sflag:s26] =	ssyncset.done $0x0  }
0x8b: {  	s23 =	sadd.s32 $0x1680, s0;
	[sflag:s26] =	ssyncadd.s32 $0xFFFFC000  }
0x8c: {  	[spmem:s1] =	stream.indirect.scatter.add.f32 [tilespmem:s25], [sflag:$0x4], $0x80, s23, s21, $0xb8;
	[tilespmem:$0x1E280] =	vst v63  }
0x8d: {  	_ =	swait.ge [sflag:s28], $0x4000  }
0x8e: {  	[sflag:s28] =	ssyncset.done $0x0  }
0x8f: {  	s23 =	sadd.s32 $0x300, s0;
	[sflag:s28] =	ssyncadd.s32 $0xFFFFC000  }
0x90: {  	[tilespmem:s22], [sflag:$0x1] =	stream.indirect.gather [hbm4b:s4+s21], $0x80, s23, s21, $0xb8;
	[tilespmem:$0x1E280] =	vst v63  }
0x91: {  	_ =	swait.ge [sflag:s24], $0x4000  }
0x92: {  	[sflag:s24] =	ssyncset.done $0x0  }
0x93: {  	s23 =	sadd.s32 $0x1700, s0;
	[sflag:s24] =	ssyncadd.s32 $0xFFFFC000  }
0x94: {  	[spmem:s1] =	stream.indirect.scatter.add.f32 [tilespmem:s22], [sflag:$0x3], $0x80, s23, s21, $0xb8;
	[tilespmem:$0x1E280] =	vst v63  }
0x95: {  	_ =	swait.ge [sflag:s29], $0x4000  }
0x96: {  	[sflag:s29] =	ssyncset.done $0x0  }
0x97: {  	s23 =	sadd.s32 $0x380, s0;
	[sflag:s29] =	ssyncadd.s32 $0xFFFFC000  }
0x98: {  	[tilespmem:s25], [sflag:$0x2] =	stream.indirect.gather [hbm4b:s4+s21], $0x80, s23, s21, $0xb8;
	[tilespmem:$0x1E280] =	vst v63  }
0x99: {  	_ =	swait.ge [sflag:s26], $0x4000  }
0x9a: {  	p2 =	seq.s32 s31, $0x4000;
	[sflag:s26] =	ssyncset.done $0x0  }
.Ltmp7:
0x9b: {  	s23 =	sadd.s32 $0x1780, s0;
	[sflag:s26] =	ssyncadd.s32 $0xFFFFC000;
	(pc) =	sbr.rel @p2 .LBB2_10-.Ltmp7, $4  }
0x9c: {  	[spmem:s1] =	stream.indirect.scatter.add.f32 [tilespmem:s25], [sflag:$0x4], $0x80, s23, s21, $0xb8;
	[tilespmem:$0x1E280] =	vst v63  }
0x9d: {  	_ =	swait.ge [sflag:s28], $0x4000  }
0x9e: {  	[sflag:s28] =	ssyncset.done $0x0  }
0x9f: {  	[sflag:s28] =	ssyncadd.s32 $0xFFFFC000  }
.Ltmp8:
0xa0: {  	(pc) =	sbr.rel .LBB2_8-.Ltmp8, $3  }
0xa1: {  	_ =	sdelay $0x1  }
0xa2: {  	s0 =	sadd.s32 $0x400, s0;
	s31 =	sadd.s32 $0x1000, s31  }
0xa3: {  	[tilespmem:s22], [sflag:$0x1] =	stream.indirect.gather [hbm4b:s4+s21], $0x80, s0, s21, $0xb8;
	[tilespmem:$0x1E280] =	vst v63  }
.LBB2_10:
0xa4: {  	_ =	swait.ge [sflag:s29], $0x4000  }
0xa5: {  	[sflag:s29] =	ssyncset.done $0x0  }
0xa6: {  	s31 =	simm.s32 $0x0;
	[sflag:s29] =	ssyncadd.s32 $0xFFFFC000  }
0xa7: {  	[tilespmem:s31], [sflag:$0x5] =	stream.linear.gather [hbm4b:s12+s31], $0x1400, $0x38;
	[tilespmem:$0x1E280] =	vst v63  }
0xa8: {  	_ =	swait.ge [sflag:s19], $0x1400  }
0xa9: {  	[sflag:s19] =	ssyncset.done $0x0  }
0xaa: {  	[sflag:s19] =	ssyncadd.s32 $0xFFFFEC00  }
0xab: {  	[tilespmem:s20], [sflag:$0x5] =	stream.linear.gather [hbm4b:s13+s31], $0x1400, $0x38;
	[tilespmem:$0x1E280] =	vst v63  }
0xac: {  	_ =	swait.ge [sflag:s19], $0x1400  }
0xad: {  	[sflag:s19] =	ssyncset.done $0x0  }
0xae: {  	[sflag:s19] =	ssyncadd.s32 $0xFFFFEC00  }
0xaf: {  	[tilespmem:s22], [sflag:$0x1] =	stream.indirect.gather [hbm4b:s4+s21], $0x80, s31, s21, $0xb8;
	[tilespmem:$0x1E280] =	vst v63  }
.LBB2_11:
0xb0: {  	_ =	swait.ge [sflag:s24], $0x4000  }
0xb1: {  	s0 =	sshra.s32 s31, $0x2;
	[sflag:s24] =	ssyncset.done $0x0  }
0xb2: {  	p2 =	seq.s32 s31, $0x0;
	s23 =	sadd.s32 $0x1400, s0;
	[sflag:s24] =	ssyncadd.s32 $0xFFFFC000  }
0xb3: {  	[spmem:s1] =	stream.indirect.scatter.add.f32 [tilespmem:s22], [sflag:$0x3], $0x80, s23, s21, $0xb8;
	[tilespmem:$0x1E280] =	vst v63  }
0xb4: {  	s23 =	simm.s32 @!p2 $0x4  }
0xb5: {  	_ =	swait.ge @!p2 [sflag:s23], $0x4000  }
0xb6: {  	[sflag:s23] =	ssyncset.done @!p2 $0x0  }
0xb7: {  	[sflag:s23] =	ssyncadd.s32 @!p2 $0xFFFFC000;
	s23 =	sadd.s32 $0x80, s0  }
0xb8: {  	[tilespmem:s25], [sflag:$0x2] =	stream.indirect.gather [hbm4b:s4+s21], $0x80, s23, s21, $0xb8;
	[tilespmem:$0x1E280] =	vst v63  }
0xb9: {  	_ =	swait.ge [sflag:s26], $0x4000  }
0xba: {  	[sflag:s26] =	ssyncset.done $0x0  }
0xbb: {  	s23 =	sadd.s32 $0x1480, s0;
	[sflag:s26] =	ssyncadd.s32 $0xFFFFC000  }
0xbc: {  	[spmem:s1] =	stream.indirect.scatter.add.f32 [tilespmem:s25], [sflag:$0x4], $0x80, s23, s21, $0xb8;
	[tilespmem:$0x1E280] =	vst v63  }
0xbd: {  	_ =	swait.ge [sflag:s28], $0x4000  }
0xbe: {  	[sflag:s28] =	ssyncset.done $0x0  }
0xbf: {  	s23 =	sadd.s32 $0x100, s0;
	[sflag:s28] =	ssyncadd.s32 $0xFFFFC000  }
0xc0: {  	[tilespmem:s22], [sflag:$0x1] =	stream.indirect.gather [hbm4b:s4+s21], $0x80, s23, s21, $0xb8;
	[tilespmem:$0x1E280] =	vst v63  }
0xc1: {  	_ =	swait.ge [sflag:s24], $0x4000  }
0xc2: {  	[sflag:s24] =	ssyncset.done $0x0  }
0xc3: {  	s23 =	sadd.s32 $0x1500, s0;
	[sflag:s24] =	ssyncadd.s32 $0xFFFFC000  }
0xc4: {  	[spmem:s1] =	stream.indirect.scatter.add.f32 [tilespmem:s22], [sflag:$0x3], $0x80, s23, s21, $0xb8;
	[tilespmem:$0x1E280] =	vst v63  }
0xc5: {  	_ =	swait.ge [sflag:s29], $0x4000  }
0xc6: {  	[sflag:s29] =	ssyncset.done $0x0  }
0xc7: {  	s23 =	sadd.s32 $0x180, s0;
	[sflag:s29] =	ssyncadd.s32 $0xFFFFC000  }
0xc8: {  	[tilespmem:s25], [sflag:$0x2] =	stream.indirect.gather [hbm4b:s4+s21], $0x80, s23, s21, $0xb8;
	[tilespmem:$0x1E280] =	vst v63  }
0xc9: {  	_ =	swait.ge [sflag:s26], $0x4000  }
0xca: {  	[sflag:s26] =	ssyncset.done $0x0  }
0xcb: {  	s23 =	sadd.s32 $0x1580, s0;
	[sflag:s26] =	ssyncadd.s32 $0xFFFFC000  }
0xcc: {  	[spmem:s1] =	stream.indirect.scatter.add.f32 [tilespmem:s25], [sflag:$0x4], $0x80, s23, s21, $0xb8;
	[tilespmem:$0x1E280] =	vst v63  }
0xcd: {  	_ =	swait.ge [sflag:s28], $0x4000  }
0xce: {  	[sflag:s28] =	ssyncset.done $0x0  }
0xcf: {  	s23 =	sadd.s32 $0x200, s0;
	[sflag:s28] =	ssyncadd.s32 $0xFFFFC000  }
0xd0: {  	[tilespmem:s22], [sflag:$0x1] =	stream.indirect.gather [hbm4b:s4+s21], $0x80, s23, s21, $0xb8;
	[tilespmem:$0x1E280] =	vst v63  }
0xd1: {  	_ =	swait.ge [sflag:s24], $0x4000  }
0xd2: {  	[sflag:s24] =	ssyncset.done $0x0  }
0xd3: {  	s23 =	sadd.s32 $0x1600, s0;
	[sflag:s24] =	ssyncadd.s32 $0xFFFFC000  }
0xd4: {  	[spmem:s1] =	stream.indirect.scatter.add.f32 [tilespmem:s22], [sflag:$0x3], $0x80, s23, s21, $0xb8;
	[tilespmem:$0x1E280] =	vst v63  }
0xd5: {  	_ =	swait.ge [sflag:s29], $0x4000  }
0xd6: {  	[sflag:s29] =	ssyncset.done $0x0  }
0xd7: {  	s23 =	sadd.s32 $0x280, s0;
	[sflag:s29] =	ssyncadd.s32 $0xFFFFC000  }
0xd8: {  	[tilespmem:s25], [sflag:$0x2] =	stream.indirect.gather [hbm4b:s4+s21], $0x80, s23, s21, $0xb8;
	[tilespmem:$0x1E280] =	vst v63  }
0xd9: {  	_ =	swait.ge [sflag:s26], $0x4000  }
0xda: {  	[sflag:s26] =	ssyncset.done $0x0  }
0xdb: {  	s23 =	sadd.s32 $0x1680, s0;
	[sflag:s26] =	ssyncadd.s32 $0xFFFFC000  }
0xdc: {  	[spmem:s1] =	stream.indirect.scatter.add.f32 [tilespmem:s25], [sflag:$0x4], $0x80, s23, s21, $0xb8;
	[tilespmem:$0x1E280] =	vst v63  }
0xdd: {  	_ =	swait.ge [sflag:s28], $0x4000  }
0xde: {  	[sflag:s28] =	ssyncset.done $0x0  }
0xdf: {  	s23 =	sadd.s32 $0x300, s0;
	[sflag:s28] =	ssyncadd.s32 $0xFFFFC000  }
0xe0: {  	[tilespmem:s22], [sflag:$0x1] =	stream.indirect.gather [hbm4b:s4+s21], $0x80, s23, s21, $0xb8;
	[tilespmem:$0x1E280] =	vst v63  }
0xe1: {  	_ =	swait.ge [sflag:s24], $0x4000  }
0xe2: {  	[sflag:s24] =	ssyncset.done $0x0  }
0xe3: {  	s23 =	sadd.s32 $0x1700, s0;
	[sflag:s24] =	ssyncadd.s32 $0xFFFFC000  }
0xe4: {  	[spmem:s1] =	stream.indirect.scatter.add.f32 [tilespmem:s22], [sflag:$0x3], $0x80, s23, s21, $0xb8;
	[tilespmem:$0x1E280] =	vst v63  }
0xe5: {  	_ =	swait.ge [sflag:s29], $0x4000  }
0xe6: {  	[sflag:s29] =	ssyncset.done $0x0  }
0xe7: {  	s23 =	sadd.s32 $0x380, s0;
	[sflag:s29] =	ssyncadd.s32 $0xFFFFC000  }
0xe8: {  	[tilespmem:s25], [sflag:$0x2] =	stream.indirect.gather [hbm4b:s4+s21], $0x80, s23, s21, $0xb8;
	[tilespmem:$0x1E280] =	vst v63  }
0xe9: {  	_ =	swait.ge [sflag:s26], $0x4000  }
0xea: {  	p2 =	seq.s32 s31, $0x4000;
	[sflag:s26] =	ssyncset.done $0x0  }
.Ltmp9:
0xeb: {  	s23 =	sadd.s32 $0x1780, s0;
	[sflag:s26] =	ssyncadd.s32 $0xFFFFC000;
	(pc) =	sbr.rel @p2 .LBB2_13-.Ltmp9, $4  }
0xec: {  	[spmem:s1] =	stream.indirect.scatter.add.f32 [tilespmem:s25], [sflag:$0x4], $0x80, s23, s21, $0xb8;
	[tilespmem:$0x1E280] =	vst v63  }
0xed: {  	_ =	swait.ge [sflag:s28], $0x4000  }
0xee: {  	[sflag:s28] =	ssyncset.done $0x0  }
0xef: {  	[sflag:s28] =	ssyncadd.s32 $0xFFFFC000  }
.Ltmp10:
0xf0: {  	(pc) =	sbr.rel .LBB2_11-.Ltmp10, $3  }
0xf1: {  	_ =	sdelay $0x1  }
0xf2: {  	s0 =	sadd.s32 $0x400, s0;
	s31 =	sadd.s32 $0x1000, s31  }
0xf3: {  	[tilespmem:s22], [sflag:$0x1] =	stream.indirect.gather [hbm4b:s4+s21], $0x80, s0, s21, $0xb8;
	[tilespmem:$0x1E280] =	vst v63  }
.LBB2_14:
0xf4: {  	_ =	sfence.sel $0x180000  }
0xf5: {  	[bflag:$0x0] =	sbarrier.arrive $0xFFFF  }
0xf6: {  	_ =	strace $0x9000004A  }
0xf7: {  	[bflag:$0x2] =	sbarrier.arrive $0xFFFF  }
0xf8: {  	p0 =	sne.s32 s2, $0x0;
	s0 =	rddreg [dreg:$0x3]  }
0xf9: {  	s0 =	sadd.s32 @!p0 $0x100000, s0  }
0xfa: {  	[sflag:s0] =	ssyncadd.tile.s32 @!p0 $0x1;
	_ =	shalt  }
.Lfunc_end2:
_tile_overlayer_lowered:
.L_overlay_start_2:
0xfb: {  	(tag) =	ssettag $0x2  }
0xfc: {  	s0 =	rddreg [dreg:$0x0];
	s2 =	stileid.u32  }
0xfd: {  	s1 =	rddreg [dreg:$0x1];
	p0 =	sne.s32 s2, $0x0  }
0xfe: {  	s3 =	rddreg [dreg:$0x2];
	[bflag:$0x3] =	sbarrier.arrive $0xFFFF;
	s2 =	simm.s32 @!p0 $0x1C05  }
0xff: {  	[timem:s3], [sflag:s2] =	dma.local @!p0 [hbm:s0], s1  }
0x100: {  	s0 =	simm.s32 @!p0 $0x5  }
0x101: {  	_ =	swait.ge @!p0 [sflag:s0], s1  }
0x102: {  	s1 =	ssub.s32 @!p0 $0x0, s1;
	[sflag:s0] =	ssyncset.done @!p0 $0x0  }
0x103: {  	[sflag:s0] =	ssyncadd.s32 @!p0 s1  }
0x104: {  	[bflag:$0x3] =	sbarrier.arrive $0xFFFF  }
0x105: {  	_ =	shalt  }

// kernel: kernel.7.cloned.1.call-start
scs
__scs_entry_jumppad:
0x0: {  	(pc) =	sbr.rel $0x88, $3  }
0x1: {  	(tag) =	ssettag $0x0;
	lr =	simm.s32 $0x1  }
0x2: {  	[smem:$0x3F9D] =	sst lr;
	_ =	strace $0xD0000000  }
0x3: {  	_ = 	snop  }
0x4: {  	_ = 	snop  }
0x5: {  	_ = 	snop  }
0x6: {  	_ = 	snop  }
0x7: {  	_ = 	snop  }
__scs_overlays_trampoline_lowered:
0x8: {  	[smem:$0x3FAC] =	sst s0  }
0x9: {  	[smem:$0x3FAD] =	sst s1  }
0xa: {  	[smem:$0x3FAE] =	sst s2  }
0xb: {  	[smem:$0x3FAF] =	sst s3  }
0xc: {  	[smem:$0x3FB0] =	sst s4  }
0xd: {  	[smem:$0x3FB1] =	sst s5  }
0xe: {  	[smem:$0x3FB2] =	sst s6  }
0xf: {  	[smem:$0x3FB3] =	sst s7  }
0x10: {  	[smem:$0x3FB4] =	sst s8  }
0x11: {  	[smem:$0x3FB5] =	sst s9;
	s0 =	simm.s32 @!p0 $0x0  }
0x12: {  	s1 =	sld [smem:$0x3F9B];
	s0 =	simm.s32 @p0 $0x1  }
0x13: {  	[smem:$0x3FB6] =	sst s0;
	s0 =	simm.s32 @!p1 $0x0  }
0x14: {  	s2 =	sld [smem:$0x3F9A];
	s0 =	simm.s32 @p1 $0x1  }
0x15: {  	[smem:$0x3FB7] =	sst s0;
	s0 =	simm.s32 @!p2 $0x0  }
0x16: {  	s3 =	sld [smem:$0x3FDB];
	s0 =	simm.s32 @p2 $0x1  }
0x17: {  	s4 =	simm.s32 $0x1BF5;
	[smem:$0x3FB9] =	sst s0  }
0x18: {  	s0 =	sld [smem:$0x3F9C];
	_ =	swait.ge [sflag:s4], $0x0  }
0x19: {  	s7 =	sld [smem:$0x3F9D]  }
0x1a: {  	s8 =	sadd.s32 $0xFFFFE003, lr  }
0x1b: {  	s9 =	sadd.s32 $0xFFFFFEF7, lr;
	s5 =	simm.s32 $0xFFFFFFFF;
	p2 =	slt.u32 s8, $0xFFFFF086  }
0x1c: {  	p1 =	slt.u32 s9, $0xF7A;
	s5 =	simm.s32 @!p2 $0x0  }
0x1d: {  	s5 =	simm.s32 @p1 $0x1;
	p0 =	seq.s32 s7, s2  }
0x1e: {  	s7 =	smul.u32 @!p0 $0xF7A, s2;
	p2 =	seq.s32 @!p0 s5, $0x0  }
0x1f: {  	s9 =	smul.u32 $0xF7A, s1;
	s8 =	simm.s32 @!p0 $0x1BF5;
	p2 =	por !p2, p0  }
0x20: {  	[sflag:s8] =	ssyncset.s32 @!p0 $0xFFFFF086;
	s6 =	sadd.s32 @!p0 s3, s7;
	s7 =	simm.s32 @!p0 $0x108  }
0x21: {  	s3 =	sadd.s32 s3, s9;
	s6 =	sadd.s32 @!p0 $0x88, s6;
	s7 =	simm.s32 @p2 $0x1082  }
0x22: {  	[simem:s7], [sflag:s8] =	dma.local @!p0 [hbm:s6], $0xF7A  }
0x23: {  	s9 =	sor.u32 $0xD0000000, s2;
	s6 =	simm.s32 $0x108;
	_ =	swait.ge @!p0 [sflag:s8], $0x0  }
0x24: {  	s3 =	sadd.s32 $0x88, s3;
	s6 =	simm.s32 @!p1 $0x1082;
	[sflag:s4] =	ssyncset.s32 $0xFFFFF086  }
0x25: {  	[simem:s6], [sflag:s4] =	dma.local [hbm:s3], $0xF7A  }
0x26: {  	[smem:$0x3F9D] =	sst s1;
	(tag) =	ssettag s2;
	_ =	strace s9  }
0x27: {  	s1 =	sld [smem:$0x3FAD]  }
0x28: {  	s2 =	sld [smem:$0x3FAE]  }
0x29: {  	s4 =	sld [smem:$0x3FB0]  }
0x2a: {  	p0 =	seq.s32 s5, $0x0;
	s5 =	sld [smem:$0x3FB1]  }
0x2b: {  	s6 =	sld [smem:$0x3FB2]  }
0x2c: {  	s7 =	sld [smem:$0x3FB3]  }
0x2d: {  	s3 =	simm.s32 $0x108;
	s8 =	sld [smem:$0x3FB4]  }
0x2e: {  	s3 =	simm.s32 @!p0 $0x1082;
	s9 =	sld [smem:$0x3FB5]  }
0x2f: {  	lr =	sadd.s32 s0, s3;
	s0 =	sld [smem:$0x3FAC]  }
0x30: {  	s3 =	sld [smem:$0x3FAF]  }
0x31: {  	[smem:$0x3FB8] =	sst s10  }
0x32: {  	s10 =	sld [smem:$0x3FB6];
	_ =	sdelay $0x3  }
0x33: {  	p0 =	seq.s32 s10, $0x1;
	s10 =	sld [smem:$0x3FB8];
	_ =	sdelay $0x3  }
0x34: {  	[smem:$0x3FB8] =	sst s10  }
0x35: {  	s10 =	sld [smem:$0x3FB7];
	_ =	sdelay $0x3  }
0x36: {  	p1 =	seq.s32 s10, $0x1;
	s10 =	sld [smem:$0x3FB8];
	_ =	sdelay $0x3  }
0x37: {  	[smem:$0x3FB8] =	sst s10  }
0x38: {  	s10 =	sld [smem:$0x3FB9]  }
0x39: {  	_ = 	snop;
	(pc) =	sbr.ind lr, $3  }
0x3a: {  	_ = 	snop  }
0x3b: {  	_ = 	snop  }
0x3c: {  	p2 =	seq.s32 s10, $0x1;
	s10 =	sld [smem:$0x3FB8]  }
0x3d: {  	_ =	shalt  }
0x3e: {  	_ =	shalt  }
0x3f: {  	_ =	shalt  }
0x40: {  	_ =	shalt  }
0x41: {  	_ =	shalt  }
0x42: {  	_ =	shalt  }
0x43: {  	_ =	shalt  }
0x44: {  	_ =	shalt  }
0x45: {  	_ =	shalt  }
0x46: {  	_ =	shalt  }
0x47: {  	_ =	shalt  }
0x48: {  	_ =	shalt  }
0x49: {  	_ =	shalt  }
0x4a: {  	_ =	shalt  }
0x4b: {  	_ =	shalt  }
0x4c: {  	_ =	shalt  }
0x4d: {  	_ =	shalt  }
0x4e: {  	_ =	shalt  }
0x4f: {  	_ =	shalt  }
0x50: {  	_ =	shalt  }
0x51: {  	_ =	shalt  }
0x52: {  	_ =	shalt  }
0x53: {  	_ =	shalt  }
0x54: {  	_ =	shalt  }
0x55: {  	_ =	shalt  }
0x56: {  	_ =	shalt  }
0x57: {  	_ =	shalt  }
0x58: {  	_ =	shalt  }
0x59: {  	_ =	shalt  }
0x5a: {  	_ =	shalt  }
0x5b: {  	_ =	shalt  }
0x5c: {  	_ =	shalt  }
0x5d: {  	_ =	shalt  }
0x5e: {  	_ =	shalt  }
0x5f: {  	_ =	shalt  }
0x60: {  	_ =	shalt  }
0x61: {  	_ =	shalt  }
0x62: {  	_ =	shalt  }
0x63: {  	_ =	shalt  }
0x64: {  	_ =	shalt  }
0x65: {  	_ =	shalt  }
0x66: {  	_ =	shalt  }
0x67: {  	_ =	shalt  }
0x68: {  	_ =	shalt  }
0x69: {  	_ =	shalt  }
0x6a: {  	_ =	shalt  }
0x6b: {  	_ =	shalt  }
0x6c: {  	_ =	shalt  }
0x6d: {  	_ =	shalt  }
0x6e: {  	_ =	shalt  }
0x6f: {  	_ =	shalt  }
0x70: {  	_ =	shalt  }
0x71: {  	_ =	shalt  }
0x72: {  	_ =	shalt  }
0x73: {  	_ =	shalt  }
0x74: {  	_ =	shalt  }
0x75: {  	_ =	shalt  }
0x76: {  	_ =	shalt  }
0x77: {  	_ =	shalt  }
0x78: {  	_ =	shalt  }
0x79: {  	_ =	shalt  }
0x7a: {  	_ =	shalt  }
0x7b: {  	_ =	shalt  }
0x7c: {  	_ =	shalt  }
0x7d: {  	_ =	shalt  }
0x7e: {  	_ =	shalt  }
0x7f: {  	_ =	shalt  }
0x80: {  	_ =	shalt  }
0x81: {  	_ =	shalt  }
0x82: {  	_ =	shalt  }
0x83: {  	_ =	shalt  }
0x84: {  	_ =	shalt  }
0x85: {  	_ =	shalt  }
0x86: {  	_ =	shalt  }
0x87: {  	_ =	shalt  }
.Lfunc_end0:
.L_simem_size_0:
called_computation_lowered:
.L_overlay_start_0:
0x88: {  	s2 =	sld [smem:$0x3FD9]  }
0x89: {  	s3 =	sld [smem:$0x3FFE];
	_ =	sdelay $0x1  }
0x8a: {  	s1 =	srdreg.scid  }
0x8b: {  	s0 =	sand.u32 $0x1, s1  }
0x8c: {  	s17 =	sshll.u32 s0, $0xA;
	s2 =	sadd.s32 s3, s2  }
0x8d: {  	s2 =	sadd.s32 s2, s17  }
0x8e: {  	[smem:$0x3FC4] =	sst s2  }
0x8f: {  	_ = 	snop  }
0x90: {  	s2 =	sld [smem:$0x3FD0];
	(tm) =	ssettm $0x1  }
0x91: {  	s18 =	sld [smem:$0x3FFB];
	_ =	sdelay $0x3  }
0x92: {  	_ =	strace s18  }
0x93: {  	s3 =	sld [smem:$0x3FFC];
	_ =	sdelay $0x3  }
0x94: {  	_ =	strace s3  }
0x95: {  	s3 =	sld [smem:$0x3FFD];
	_ =	sdelay $0x3  }
0x96: {  	_ =	strace s3  }
0x97: {  	_ =	strace $0x8FFFFFFF  }
0x98: {  	s19 =	sld [smem:$0x3FDB];
	_ =	sdelay $0x1  }
0x99: {  	s4 =	simm.s32 $_scs_section_size  }
0x9a: {  	s5 =	simm.s32 $_size__tile_overlayer_lowered;
	s6 =	simm.s32 $_tile_overlayer_lowered  }
0x9b: {  	s22 =	simm.s32 $0x1BFF;
	s21 =	sshll.u32 s6, $0x1;
	s3 =	sadd.s32 s4, s19  }
0x9c: {  	s7 =	simm.s32 $0x0;
	s20 =	sshll.u32 s5, $0x1;
	s5 =	sadd.s32 s21, s3  }
0x9d: {  	[timem:s7], [sflag:s22] =	dma.local [hbm:s5], s20  }
0x9e: {  	_ =	swait.ge [sflag:s22], s20  }
0x9f: {  	s4 =	ssub.s32 $0x0, s20;
	[sflag:s22] =	ssyncset.done $0x0  }
0xa0: {  	[sflag:s22] =	ssyncadd.s32 s4;
	_ =	sdelay $0x1  }
0xa1: {  	s23 =	simm.s32 $0x1B8B  }
0xa2: {  	_ =	swait.ge [sflag:s23], $0x1  }
0xa3: {  	[sflag:s23] =	ssyncset.done $0x0  }
0xa4: {  	s25 =	simm.s32 $0x1B8E;
	s24 =	sld [smem:$0x3FFE];
	[sflag:s23] =	ssyncadd.s32 $0xFFFFFFFF  }
0xa5: {  	s26 =	simm.s32 $execute0_lowered;
	[smem:$0x3FD2] =	sst s25  }
0xa6: {  	s5 =	sshll.u32 s26, $0x1;
	_ =	strace $0x80000046;
	[dreg:$0x1] =	wrdreg $0xFFFFFFFF  }
0xa7: {  	s28 =	simm.s32 $_size_execute0_lowered;
	s3 =	sadd.s32 s3, s5;
	[dreg:$0x0] =	wrdreg $0x0  }
0xa8: {  	s5 =	sshll.u32 s28, $0x1;
	[dreg:$0x2] =	wrdreg s3  }
0xa9: {  	[dreg:$0x3] =	wrdreg s5  }
0xaa: {  	[dreg:$0x4] =	wrdreg $0xC0  }
0xab: {  	_ =	task [dreg:s7], $0x5FFFF  }
0xac: {  	[dreg:$0x1] =	wrdreg $0xFFFFFFFF  }
0xad: {  	[dreg:$0x0] =	wrdreg $0x60  }
0xae: {  	[dreg:$0x2] =	wrdreg s24  }
0xaf: {  	[dreg:$0x3] =	wrdreg s2  }
0xb0: {  	[dreg:$0x4] =	wrdreg $0x50800  }
0xb1: {  	[dreg:$0x5] =	wrdreg $0x53000  }
0xb2: {  	[dreg:$0x6] =	wrdreg $0x9  }
0xb3: {  	_ =	task.clear_ibuf [dreg:s7], $0x7FFFF;
	_ =	strace $0x90000046  }
0xb4: {  	s29 =	simm.s32 $0x9;
	_ =	strace $0x80000048  }
0xb5: {  	_ =	swait.ge [sflag:s29], $0x1  }
0xb6: {  	[sflag:s29] =	ssyncadd.s32 $0xFFFFFFFF  }
0xb7: {  	_ =	strace $0x90000048  }
0xb8: {  	_ =	sfence  }
0xb9: {  	s30 =	sld [smem:$0x0];
	_ =	sdelay $0x2  }
0xba: {  	s31 =	sshll.u32 s1, $0xD;
	s1 =	sshrl.u32 s1, $0x2  }
0xbb: {  	s3 =	sand.u32 $0x4000, s31;
	s1 =	sadd.s32 s1, s30  }
0xbc: {  	s0 =	sor.u32 s3, s0;
	s1 =	sshll.u32 s1, $0x11  }
0xbd: {  	s0 =	sor.u32 s1, s0  }
0xbe: {  	s0 =	sadd.s32 $0x8F2B, s0  }
0xbf: {  	[sflag:s0] =	ssyncadd.remote.s32 $0x1  }
0xc0: {  	_ =	sfence.sel $0xFFFF  }
0xc1: {  	[dreg:$0x0] =	wrdreg $0xFFFFFFFF;
	(pc) =	sbr.abs _section_cstart, $3  }
0xc2: {  	[dreg:$0x1] =	wrdreg $0xFFFFFFFF  }
0xc3: {  	_ =	task.clear_ibuf [dreg:s7], $0x2FFFF;
	_ =	strace $0x9FFFFFFF  }
0xc4: {  	(tm) =	ssettm $0x7FFFFFFF  }
0xc5: {  	_ =	shalt  }
tec
execute0_lowered:
.L_overlay_start_1:
0x0: {  	(tag) =	ssettag $0x1  }
0x1: {  	s0 =	rddreg [dreg:$0x0]  }
0x2: {  	s1 =	rddreg [dreg:$0x1]  }
0x3: {  	s3 =	srdreg.scid;
	s15 =	stileid.u32  }
0x4: {  	s2 =	rddreg [dreg:$0x2];
	s17 =	simm.s32 $0x2800;
	s18 =	simm.s32 $0x80  }
0x5: {  	s28 =	simm.s32 $0x4D80;
	s29 =	simm.s32 $0x2600;
	s30 =	simm.s32 $0x4E00  }
0x6: {  	s31 =	simm.s32 $0x2680;
	s19 =	simm.s32 $0x4F00;
	s20 =	simm.s32 $0x2780  }
0x7: {  	s21 =	simm.s32 $0x4F80;
	s22 =	simm.s32 $0x1;
	s23 =	simm.s32 $0x0  }
0x8: {  	s10 =	sand.u32 $0x1, s3;
	s4 =	sshll.u32 s15, $0x1;
	s3 =	rddreg [dreg:$0x3]  }
0x9: {  	s6 =	sadd.s32 $0x16E00, s0;
	s12 =	sadd.s32 $0x17000, s0;
	s11 =	sadd.s32 $0x17600, s0  }
0xa: {  	s13 =	smul.u32 $0x280, s15;
	s25 =	sshll.u32 s15, $0x6;
	s5 =	sor.u32 s10, s4  }
0xb: {  	s4 =	simm.s32 $0x0;
	s7 =	ssub.s32 $0x2, s10;
	p0 =	seq.s32 s10, $0x1  }
0xc: {  	s5 =	smul.u32 $0x500, s5;
	[smem:$0x7FF] =	sst s4;
	s8 =	sshrl.u32 s7, $0x1  }
0xd: {  	s26 =	sadd.s32 s13, s2;
	s16 =	sadd.s32 s13, s3;
	s13 =	sshrl.u32 s13, $0x3  }
0xe: {  	s1 =	smov.u32 @p0 s11;
	_ =	strace $0x80000047;
	s14 =	ssub.s32 s7, s8  }
0xf: {  	s7 =	sor.u32 $0x1C02, s25;
	s11 =	sadd.s32 s1, s13;
	s15 =	sshrl.u32 s16, $0x3  }
0x10: {  	s16 =	simm.s32 $0x5000;
	s25 =	simm.s32 $0x4D00;
	s1 =	simm.s32 $0x4E80  }
0x11: {  	s9 =	sadd.s32 s5, s0;
	s5 =	sadd.s32 $0x16C00, s0;
	s0 =	sadd.s32 $0x17C00, s0  }
0x12: {  	s10 =	smax.u32 s14, $0x1;
	s14 =	simm.s32 $0x2;
	s8 =	sadd.s32 $0xCC00, s9  }
0x13: {  	s9 =	sadd.s32 $0x2C00, s9;
	s12 =	smov.u32 @p0 s0;
	s0 =	simm.s32 $0x2700  }
0x14: {  	s12 =	sadd.s32 s12, s13;
	s13 =	sshrl.u32 s26, $0x3;
	s26 =	simm.s32 $0x2580  }
.LBB2_1:
0x15: {  	[spmem:s13], [sflag:s7] =	dma.local [hbm:s6], $0x50  }
0x16: {  	_ =	swait.ge [sflag:s14], $0x50  }
0x17: {  	[sflag:s14] =	ssyncset.done $0x0  }
0x18: {  	[sflag:s14] =	ssyncadd.s32 $0xFFFFFFB0  }
0x19: {  	[spmem:s15], [sflag:s7] =	dma.local [hbm:s6], $0x50  }
0x1a: {  	_ =	swait.ge [sflag:s14], $0x50  }
0x1b: {  	[sflag:s14] =	ssyncset.done $0x0  }
0x1c: {  	[sflag:s14] =	ssyncadd.s32 $0xFFFFFFB0  }
0x1d: {  	[tilespmem:s16], [sflag:$0x2] =	stream.linear.gather [hbm4b:s5+s4], $0x80, $0x38;
	[tilespmem:$0x5580] =	vst v63  }
0x1e: {  	_ =	swait.ge [sflag:s14], $0x80  }
0x1f: {  	[sflag:s14] =	ssyncset.done $0x0  }
0x20: {  	[sflag:s14] =	ssyncadd.s32 $0xFFFFFF80  }
0x21: {  	[bflag:$0x0] =	sbarrier.arrive $0xFFFF  }
0x22: {  	[tilespmem:s4], [sflag:$0x2] =	stream.linear.gather [hbm4b:s8+s4], $0x2800, $0x38;
	[tilespmem:$0x5580] =	vst v63  }
0x23: {  	_ =	swait.ge [sflag:s14], $0x2800  }
0x24: {  	[sflag:s14] =	ssyncset.done $0x0  }
0x25: {  	[sflag:s14] =	ssyncadd.s32 $0xFFFFD800  }
0x26: {  	[tilespmem:s17], [sflag:$0x2] =	stream.linear.gather [hbm4b:s9+s4], $0x2800, $0x38;
	[tilespmem:$0x5580] =	vst v63  }
0x27: {  	_ =	swait.ge [sflag:s14], $0x2800  }
0x28: {  	[sflag:s14] =	ssyncset.done $0x0  }
0x29: {  	[sflag:s14] =	ssyncadd.s32 $0xFFFFD800  }
0x2a: {  	[spmem:s2] =	stream.indirect.scatter.add.f32 [tilespmem:s16], [sflag:$0x1], $0x1, s4, s18, $0xb8;
	[tilespmem:$0x5580] =	vst v63  }
0x2b: {  	_ = 	snop  }
0x2c: {  	[spmem:s3] =	stream.indirect.scatter.add.f32 [tilespmem:s16], [sflag:$0x1], $0x1, s17, s18, $0xb8;
	[tilespmem:$0x5580] =	vst v63  }
0x2d: {  	_ = 	snop  }
0x2e: {  	[spmem:s2] =	stream.indirect.scatter.add.f32 [tilespmem:s16], [sflag:$0x1], $0x1, s18, s18, $0xb8;
	[tilespmem:$0x5580] =	vst v63  }
0x2f: {  	s24 =	simm.s32 $0x2880  }
0x30: {  	[spmem:s3] =	stream.indirect.scatter.add.f32 [tilespmem:s16], [sflag:$0x1], $0x1, s24, s18, $0xb8;
	[tilespmem:$0x5580] =	vst v63  }
0x31: {  	s24 =	simm.s32 $0x100  }
0x32: {  	[spmem:s2] =	stream.indirect.scatter.add.f32 [tilespmem:s16], [sflag:$0x1], $0x1, s24, s18, $0xb8;
	[tilespmem:$0x5580] =	vst v63  }
0x33: {  	s24 =	simm.s32 $0x2900  }
0x34: {  	[spmem:s3] =	stream.indirect.scatter.add.f32 [tilespmem:s16], [sflag:$0x1], $0x1, s24, s18, $0xb8;
	[tilespmem:$0x5580] =	vst v63  }
0x35: {  	s24 =	simm.s32 $0x180  }
0x36: {  	[spmem:s2] =	stream.indirect.scatter.add.f32 [tilespmem:s16], [sflag:$0x1], $0x1, s24, s18, $0xb8;
	[tilespmem:$0x5580] =	vst v63  }
0x37: {  	s24 =	simm.s32 $0x2980  }
0x38: {  	[spmem:s3] =	stream.indirect.scatter.add.f32 [tilespmem:s16], [sflag:$0x1], $0x1, s24, s18, $0xb8;
	[tilespmem:$0x5580] =	vst v63  }
0x39: {  	s24 =	simm.s32 $0x200  }
0x3a: {  	[spmem:s2] =	stream.indirect.scatter.add.f32 [tilespmem:s16], [sflag:$0x1], $0x1, s24, s18, $0xb8;
	[tilespmem:$0x5580] =	vst v63  }
0x3b: {  	s24 =	simm.s32 $0x2A00  }
0x3c: {  	[spmem:s3] =	stream.indirect.scatter.add.f32 [tilespmem:s16], [sflag:$0x1], $0x1, s24, s18, $0xb8;
	[tilespmem:$0x5580] =	vst v63  }
0x3d: {  	s24 =	simm.s32 $0x280  }
0x3e: {  	[spmem:s2] =	stream.indirect.scatter.add.f32 [tilespmem:s16], [sflag:$0x1], $0x1, s24, s18, $0xb8;
	[tilespmem:$0x5580] =	vst v63  }
0x3f: {  	s24 =	simm.s32 $0x2A80  }
0x40: {  	[spmem:s3] =	stream.indirect.scatter.add.f32 [tilespmem:s16], [sflag:$0x1], $0x1, s24, s18, $0xb8;
	[tilespmem:$0x5580] =	vst v63  }
0x41: {  	s24 =	simm.s32 $0x300  }
0x42: {  	[spmem:s2] =	stream.indirect.scatter.add.f32 [tilespmem:s16], [sflag:$0x1], $0x1, s24, s18, $0xb8;
	[tilespmem:$0x5580] =	vst v63  }
0x43: {  	s24 =	simm.s32 $0x2B00  }
0x44: {  	[spmem:s3] =	stream.indirect.scatter.add.f32 [tilespmem:s16], [sflag:$0x1], $0x1, s24, s18, $0xb8;
	[tilespmem:$0x5580] =	vst v63  }
0x45: {  	s24 =	simm.s32 $0x380  }
0x46: {  	[spmem:s2] =	stream.indirect.scatter.add.f32 [tilespmem:s16], [sflag:$0x1], $0x1, s24, s18, $0xb8;
	[tilespmem:$0x5580] =	vst v63  }
0x47: {  	s24 =	simm.s32 $0x2B80  }
0x48: {  	[spmem:s3] =	stream.indirect.scatter.add.f32 [tilespmem:s16], [sflag:$0x1], $0x1, s24, s18, $0xb8;
	[tilespmem:$0x5580] =	vst v63  }
0x49: {  	s24 =	simm.s32 $0x400  }
0x4a: {  	[spmem:s2] =	stream.indirect.scatter.add.f32 [tilespmem:s16], [sflag:$0x1], $0x1, s24, s18, $0xb8;
	[tilespmem:$0x5580] =	vst v63  }
0x4b: {  	s24 =	simm.s32 $0x2C00  }
0x4c: {  	[spmem:s3] =	stream.indirect.scatter.add.f32 [tilespmem:s16], [sflag:$0x1], $0x1, s24, s18, $0xb8;
	[tilespmem:$0x5580] =	vst v63  }
0x4d: {  	s24 =	simm.s32 $0x480  }
0x4e: {  	[spmem:s2] =	stream.indirect.scatter.add.f32 [tilespmem:s16], [sflag:$0x1], $0x1, s24, s18, $0xb8;
	[tilespmem:$0x5580] =	vst v63  }
0x4f: {  	s24 =	simm.s32 $0x2C80  }
0x50: {  	[spmem:s3] =	stream.indirect.scatter.add.f32 [tilespmem:s16], [sflag:$0x1], $0x1, s24, s18, $0xb8;
	[tilespmem:$0x5580] =	vst v63  }
0x51: {  	s24 =	simm.s32 $0x500  }
0x52: {  	[spmem:s2] =	stream.indirect.scatter.add.f32 [tilespmem:s16], [sflag:$0x1], $0x1, s24, s18, $0xb8;
	[tilespmem:$0x5580] =	vst v63  }
0x53: {  	s24 =	simm.s32 $0x2D00  }
0x54: {  	[spmem:s3] =	stream.indirect.scatter.add.f32 [tilespmem:s16], [sflag:$0x1], $0x1, s24, s18, $0xb8;
	[tilespmem:$0x5580] =	vst v63  }
0x55: {  	s24 =	simm.s32 $0x580  }
0x56: {  	[spmem:s2] =	stream.indirect.scatter.add.f32 [tilespmem:s16], [sflag:$0x1], $0x1, s24, s18, $0xb8;
	[tilespmem:$0x5580] =	vst v63  }
0x57: {  	s24 =	simm.s32 $0x2D80  }
0x58: {  	[spmem:s3] =	stream.indirect.scatter.add.f32 [tilespmem:s16], [sflag:$0x1], $0x1, s24, s18, $0xb8;
	[tilespmem:$0x5580] =	vst v63  }
0x59: {  	s24 =	simm.s32 $0x600  }
0x5a: {  	[spmem:s2] =	stream.indirect.scatter.add.f32 [tilespmem:s16], [sflag:$0x1], $0x1, s24, s18, $0xb8;
	[tilespmem:$0x5580] =	vst v63  }
0x5b: {  	s24 =	simm.s32 $0x2E00  }
0x5c: {  	[spmem:s3] =	stream.indirect.scatter.add.f32 [tilespmem:s16], [sflag:$0x1], $0x1, s24, s18, $0xb8;
	[tilespmem:$0x5580] =	vst v63  }
0x5d: {  	s24 =	simm.s32 $0x680  }
0x5e: {  	[spmem:s2] =	stream.indirect.scatter.add.f32 [tilespmem:s16], [sflag:$0x1], $0x1, s24, s18, $0xb8;
	[tilespmem:$0x5580] =	vst v63  }
0x5f: {  	s24 =	simm.s32 $0x2E80  }
0x60: {  	[spmem:s3] =	stream.indirect.scatter.add.f32 [tilespmem:s16], [sflag:$0x1], $0x1, s24, s18, $0xb8;
	[tilespmem:$0x5580] =	vst v63  }
0x61: {  	s24 =	simm.s32 $0x700  }
0x62: {  	[spmem:s2] =	stream.indirect.scatter.add.f32 [tilespmem:s16], [sflag:$0x1], $0x1, s24, s18, $0xb8;
	[tilespmem:$0x5580] =	vst v63  }
0x63: {  	s24 =	simm.s32 $0x2F00  }
0x64: {  	[spmem:s3] =	stream.indirect.scatter.add.f32 [tilespmem:s16], [sflag:$0x1], $0x1, s24, s18, $0xb8;
	[tilespmem:$0x5580] =	vst v63  }
0x65: {  	s24 =	simm.s32 $0x780  }
0x66: {  	[spmem:s2] =	stream.indirect.scatter.add.f32 [tilespmem:s16], [sflag:$0x1], $0x1, s24, s18, $0xb8;
	[tilespmem:$0x5580] =	vst v63  }
0x67: {  	s24 =	simm.s32 $0x2F80  }
0x68: {  	[spmem:s3] =	stream.indirect.scatter.add.f32 [tilespmem:s16], [sflag:$0x1], $0x1, s24, s18, $0xb8;
	[tilespmem:$0x5580] =	vst v63  }
0x69: {  	s24 =	simm.s32 $0x800  }
0x6a: {  	[spmem:s2] =	stream.indirect.scatter.add.f32 [tilespmem:s16], [sflag:$0x1], $0x1, s24, s18, $0xb8;
	[tilespmem:$0x5580] =	vst v63  }
0x6b: {  	s24 =	simm.s32 $0x3000  }
0x6c: {  	[spmem:s3] =	stream.indirect.scatter.add.f32 [tilespmem:s16], [sflag:$0x1], $0x1, s24, s18, $0xb8;
	[tilespmem:$0x5580] =	vst v63  }
0x6d: {  	s24 =	simm.s32 $0x880  }
0x6e: {  	[spmem:s2] =	stream.indirect.scatter.add.f32 [tilespmem:s16], [sflag:$0x1], $0x1, s24, s18, $0xb8;
	[tilespmem:$0x5580] =	vst v63  }
0x6f: {  	s24 =	simm.s32 $0x3080  }
0x70: {  	[spmem:s3] =	stream.indirect.scatter.add.f32 [tilespmem:s16], [sflag:$0x1], $0x1, s24, s18, $0xb8;
	[tilespmem:$0x5580] =	vst v63  }
0x71: {  	s24 =	simm.s32 $0x900  }
0x72: {  	[spmem:s2] =	stream.indirect.scatter.add.f32 [tilespmem:s16], [sflag:$0x1], $0x1, s24, s18, $0xb8;
	[tilespmem:$0x5580] =	vst v63  }
0x73: {  	s24 =	simm.s32 $0x3100  }
0x74: {  	[spmem:s3] =	stream.indirect.scatter.add.f32 [tilespmem:s16], [sflag:$0x1], $0x1, s24, s18, $0xb8;
	[tilespmem:$0x5580] =	vst v63  }
0x75: {  	s24 =	simm.s32 $0x980  }
0x76: {  	[spmem:s2] =	stream.indirect.scatter.add.f32 [tilespmem:s16], [sflag:$0x1], $0x1, s24, s18, $0xb8;
	[tilespmem:$0x5580] =	vst v63  }
0x77: {  	s24 =	simm.s32 $0x3180  }
0x78: {  	[spmem:s3] =	stream.indirect.scatter.add.f32 [tilespmem:s16], [sflag:$0x1], $0x1, s24, s18, $0xb8;
	[tilespmem:$0x5580] =	vst v63  }
0x79: {  	s24 =	simm.s32 $0xA00  }
0x7a: {  	[spmem:s2] =	stream.indirect.scatter.add.f32 [tilespmem:s16], [sflag:$0x1], $0x1, s24, s18, $0xb8;
	[tilespmem:$0x5580] =	vst v63  }
0x7b: {  	s24 =	simm.s32 $0x3200  }
0x7c: {  	[spmem:s3] =	stream.indirect.scatter.add.f32 [tilespmem:s16], [sflag:$0x1], $0x1, s24, s18, $0xb8;
	[tilespmem:$0x5580] =	vst v63  }
0x7d: {  	s24 =	simm.s32 $0xA80  }
0x7e: {  	[spmem:s2] =	stream.indirect.scatter.add.f32 [tilespmem:s16], [sflag:$0x1], $0x1, s24, s18, $0xb8;
	[tilespmem:$0x5580] =	vst v63  }
0x7f: {  	s24 =	simm.s32 $0x3280  }
0x80: {  	[spmem:s3] =	stream.indirect.scatter.add.f32 [tilespmem:s16], [sflag:$0x1], $0x1, s24, s18, $0xb8;
	[tilespmem:$0x5580] =	vst v63  }
0x81: {  	s24 =	simm.s32 $0xB00  }
0x82: {  	[spmem:s2] =	stream.indirect.scatter.add.f32 [tilespmem:s16], [sflag:$0x1], $0x1, s24, s18, $0xb8;
	[tilespmem:$0x5580] =	vst v63  }
0x83: {  	s24 =	simm.s32 $0x3300  }
0x84: {  	[spmem:s3] =	stream.indirect.scatter.add.f32 [tilespmem:s16], [sflag:$0x1], $0x1, s24, s18, $0xb8;
	[tilespmem:$0x5580] =	vst v63  }
0x85: {  	s24 =	simm.s32 $0xB80  }
0x86: {  	[spmem:s2] =	stream.indirect.scatter.add.f32 [tilespmem:s16], [sflag:$0x1], $0x1, s24, s18, $0xb8;
	[tilespmem:$0x5580] =	vst v63  }
0x87: {  	s24 =	simm.s32 $0x3380  }
0x88: {  	[spmem:s3] =	stream.indirect.scatter.add.f32 [tilespmem:s16], [sflag:$0x1], $0x1, s24, s18, $0xb8;
	[tilespmem:$0x5580] =	vst v63  }
0x89: {  	s24 =	simm.s32 $0xC00  }
0x8a: {  	[spmem:s2] =	stream.indirect.scatter.add.f32 [tilespmem:s16], [sflag:$0x1], $0x1, s24, s18, $0xb8;
	[tilespmem:$0x5580] =	vst v63  }
0x8b: {  	s24 =	simm.s32 $0x3400  }
0x8c: {  	[spmem:s3] =	stream.indirect.scatter.add.f32 [tilespmem:s16], [sflag:$0x1], $0x1, s24, s18, $0xb8;
	[tilespmem:$0x5580] =	vst v63  }
0x8d: {  	s24 =	simm.s32 $0xC80  }
0x8e: {  	[spmem:s2] =	stream.indirect.scatter.add.f32 [tilespmem:s16], [sflag:$0x1], $0x1, s24, s18, $0xb8;
	[tilespmem:$0x5580] =	vst v63  }
0x8f: {  	s24 =	simm.s32 $0x3480  }
0x90: {  	[spmem:s3] =	stream.indirect.scatter.add.f32 [tilespmem:s16], [sflag:$0x1], $0x1, s24, s18, $0xb8;
	[tilespmem:$0x5580] =	vst v63  }
0x91: {  	s24 =	simm.s32 $0xD00  }
0x92: {  	[spmem:s2] =	stream.indirect.scatter.add.f32 [tilespmem:s16], [sflag:$0x1], $0x1, s24, s18, $0xb8;
	[tilespmem:$0x5580] =	vst v63  }
0x93: {  	s24 =	simm.s32 $0x3500  }
0x94: {  	[spmem:s3] =	stream.indirect.scatter.add.f32 [tilespmem:s16], [sflag:$0x1], $0x1, s24, s18, $0xb8;
	[tilespmem:$0x5580] =	vst v63  }
0x95: {  	s24 =	simm.s32 $0xD80  }
0x96: {  	[spmem:s2] =	stream.indirect.scatter.add.f32 [tilespmem:s16], [sflag:$0x1], $0x1, s24, s18, $0xb8;
	[tilespmem:$0x5580] =	vst v63  }
0x97: {  	s24 =	simm.s32 $0x3580  }
0x98: {  	[spmem:s3] =	stream.indirect.scatter.add.f32 [tilespmem:s16], [sflag:$0x1], $0x1, s24, s18, $0xb8;
	[tilespmem:$0x5580] =	vst v63  }
0x99: {  	s24 =	simm.s32 $0xE00  }
0x9a: {  	[spmem:s2] =	stream.indirect.scatter.add.f32 [tilespmem:s16], [sflag:$0x1], $0x1, s24, s18, $0xb8;
	[tilespmem:$0x5580] =	vst v63  }
0x9b: {  	s24 =	simm.s32 $0x3600  }
0x9c: {  	[spmem:s3] =	stream.indirect.scatter.add.f32 [tilespmem:s16], [sflag:$0x1], $0x1, s24, s18, $0xb8;
	[tilespmem:$0x5580] =	vst v63  }
0x9d: {  	s24 =	simm.s32 $0xE80  }
0x9e: {  	[spmem:s2] =	stream.indirect.scatter.add.f32 [tilespmem:s16], [sflag:$0x1], $0x1, s24, s18, $0xb8;
	[tilespmem:$0x5580] =	vst v63  }
0x9f: {  	s24 =	simm.s32 $0x3680  }
0xa0: {  	[spmem:s3] =	stream.indirect.scatter.add.f32 [tilespmem:s16], [sflag:$0x1], $0x1, s24, s18, $0xb8;
	[tilespmem:$0x5580] =	vst v63  }
0xa1: {  	s24 =	simm.s32 $0xF00  }
0xa2: {  	[spmem:s2] =	stream.indirect.scatter.add.f32 [tilespmem:s16], [sflag:$0x1], $0x1, s24, s18, $0xb8;
	[tilespmem:$0x5580] =	vst v63  }
0xa3: {  	s24 =	simm.s32 $0x3700  }
0xa4: {  	[spmem:s3] =	stream.indirect.scatter.add.f32 [tilespmem:s16], [sflag:$0x1], $0x1, s24, s18, $0xb8;
	[tilespmem:$0x5580] =	vst v63  }
0xa5: {  	s24 =	simm.s32 $0xF80  }
0xa6: {  	[spmem:s2] =	stream.indirect.scatter.add.f32 [tilespmem:s16], [sflag:$0x1], $0x1, s24, s18, $0xb8;
	[tilespmem:$0x5580] =	vst v63  }
0xa7: {  	s24 =	simm.s32 $0x3780  }
0xa8: {  	[spmem:s3] =	stream.indirect.scatter.add.f32 [tilespmem:s16], [sflag:$0x1], $0x1, s24, s18, $0xb8;
	[tilespmem:$0x5580] =	vst v63  }
0xa9: {  	s24 =	simm.s32 $0x1000  }
0xaa: {  	[spmem:s2] =	stream.indirect.scatter.add.f32 [tilespmem:s16], [sflag:$0x1], $0x1, s24, s18, $0xb8;
	[tilespmem:$0x5580] =	vst v63  }
0xab: {  	s24 =	simm.s32 $0x3800  }
0xac: {  	[spmem:s3] =	stream.indirect.scatter.add.f32 [tilespmem:s16], [sflag:$0x1], $0x1, s24, s18, $0xb8;
	[tilespmem:$0x5580] =	vst v63  }
0xad: {  	s24 =	simm.s32 $0x1080  }
0xae: {  	[spmem:s2] =	stream.indirect.scatter.add.f32 [tilespmem:s16], [sflag:$0x1], $0x1, s24, s18, $0xb8;
	[tilespmem:$0x5580] =	vst v63  }
0xaf: {  	s24 =	simm.s32 $0x3880  }
0xb0: {  	[spmem:s3] =	stream.indirect.scatter.add.f32 [tilespmem:s16], [sflag:$0x1], $0x1, s24, s18, $0xb8;
	[tilespmem:$0x5580] =	vst v63  }
0xb1: {  	s24 =	simm.s32 $0x1100  }
0xb2: {  	[spmem:s2] =	stream.indirect.scatter.add.f32 [tilespmem:s16], [sflag:$0x1], $0x1, s24, s18, $0xb8;
	[tilespmem:$0x5580] =	vst v63  }
0xb3: {  	s24 =	simm.s32 $0x3900  }
0xb4: {  	[spmem:s3] =	stream.indirect.scatter.add.f32 [tilespmem:s16], [sflag:$0x1], $0x1, s24, s18, $0xb8;
	[tilespmem:$0x5580] =	vst v63  }
0xb5: {  	s24 =	simm.s32 $0x1180  }
0xb6: {  	[spmem:s2] =	stream.indirect.scatter.add.f32 [tilespmem:s16], [sflag:$0x1], $0x1, s24, s18, $0xb8;
	[tilespmem:$0x5580] =	vst v63  }
0xb7: {  	s24 =	simm.s32 $0x3980  }
0xb8: {  	[spmem:s3] =	stream.indirect.scatter.add.f32 [tilespmem:s16], [sflag:$0x1], $0x1, s24, s18, $0xb8;
	[tilespmem:$0x5580] =	vst v63  }
0xb9: {  	s24 =	simm.s32 $0x1200  }
0xba: {  	[spmem:s2] =	stream.indirect.scatter.add.f32 [tilespmem:s16], [sflag:$0x1], $0x1, s24, s18, $0xb8;
	[tilespmem:$0x5580] =	vst v63  }
0xbb: {  	s24 =	simm.s32 $0x3A00  }
0xbc: {  	[spmem:s3] =	stream.indirect.scatter.add.f32 [tilespmem:s16], [sflag:$0x1], $0x1, s24, s18, $0xb8;
	[tilespmem:$0x5580] =	vst v63  }
0xbd: {  	s24 =	simm.s32 $0x1280  }
0xbe: {  	[spmem:s2] =	stream.indirect.scatter.add.f32 [tilespmem:s16], [sflag:$0x1], $0x1, s24, s18, $0xb8;
	[tilespmem:$0x5580] =	vst v63  }
0xbf: {  	s24 =	simm.s32 $0x3A80  }
0xc0: {  	[spmem:s3] =	stream.indirect.scatter.add.f32 [tilespmem:s16], [sflag:$0x1], $0x1, s24, s18, $0xb8;
	[tilespmem:$0x5580] =	vst v63  }
0xc1: {  	s24 =	simm.s32 $0x1300  }
0xc2: {  	[spmem:s2] =	stream.indirect.scatter.add.f32 [tilespmem:s16], [sflag:$0x1], $0x1, s24, s18, $0xb8;
	[tilespmem:$0x5580] =	vst v63  }
0xc3: {  	s24 =	simm.s32 $0x3B00  }
0xc4: {  	[spmem:s3] =	stream.indirect.scatter.add.f32 [tilespmem:s16], [sflag:$0x1], $0x1, s24, s18, $0xb8;
	[tilespmem:$0x5580] =	vst v63  }
0xc5: {  	s24 =	simm.s32 $0x1380  }
0xc6: {  	[spmem:s2] =	stream.indirect.scatter.add.f32 [tilespmem:s16], [sflag:$0x1], $0x1, s24, s18, $0xb8;
	[tilespmem:$0x5580] =	vst v63  }
0xc7: {  	s24 =	simm.s32 $0x3B80  }
0xc8: {  	[spmem:s3] =	stream.indirect.scatter.add.f32 [tilespmem:s16], [sflag:$0x1], $0x1, s24, s18, $0xb8;
	[tilespmem:$0x5580] =	vst v63  }
0xc9: {  	s24 =	simm.s32 $0x1400  }
0xca: {  	[spmem:s2] =	stream.indirect.scatter.add.f32 [tilespmem:s16], [sflag:$0x1], $0x1, s24, s18, $0xb8;
	[tilespmem:$0x5580] =	vst v63  }
0xcb: {  	s24 =	simm.s32 $0x3C00  }
0xcc: {  	[spmem:s3] =	stream.indirect.scatter.add.f32 [tilespmem:s16], [sflag:$0x1], $0x1, s24, s18, $0xb8;
	[tilespmem:$0x5580] =	vst v63  }
0xcd: {  	s24 =	simm.s32 $0x1480  }
0xce: {  	[spmem:s2] =	stream.indirect.scatter.add.f32 [tilespmem:s16], [sflag:$0x1], $0x1, s24, s18, $0xb8;
	[tilespmem:$0x5580] =	vst v63  }
0xcf: {  	s24 =	simm.s32 $0x3C80  }
0xd0: {  	[spmem:s3] =	stream.indirect.scatter.add.f32 [tilespmem:s16], [sflag:$0x1], $0x1, s24, s18, $0xb8;
	[tilespmem:$0x5580] =	vst v63  }
0xd1: {  	s24 =	simm.s32 $0x1500  }
0xd2: {  	[spmem:s2] =	stream.indirect.scatter.add.f32 [tilespmem:s16], [sflag:$0x1], $0x1, s24, s18, $0xb8;
	[tilespmem:$0x5580] =	vst v63  }
0xd3: {  	s24 =	simm.s32 $0x3D00  }
0xd4: {  	[spmem:s3] =	stream.indirect.scatter.add.f32 [tilespmem:s16], [sflag:$0x1], $0x1, s24, s18, $0xb8;
	[tilespmem:$0x5580] =	vst v63  }
0xd5: {  	s24 =	simm.s32 $0x1580  }
0xd6: {  	[spmem:s2] =	stream.indirect.scatter.add.f32 [tilespmem:s16], [sflag:$0x1], $0x1, s24, s18, $0xb8;
	[tilespmem:$0x5580] =	vst v63  }
0xd7: {  	s24 =	simm.s32 $0x3D80  }
0xd8: {  	[spmem:s3] =	stream.indirect.scatter.add.f32 [tilespmem:s16], [sflag:$0x1], $0x1, s24, s18, $0xb8;
	[tilespmem:$0x5580] =	vst v63  }
0xd9: {  	s24 =	simm.s32 $0x1600  }
0xda: {  	[spmem:s2] =	stream.indirect.scatter.add.f32 [tilespmem:s16], [sflag:$0x1], $0x1, s24, s18, $0xb8;
	[tilespmem:$0x5580] =	vst v63  }
0xdb: {  	s24 =	simm.s32 $0x3E00  }
0xdc: {  	[spmem:s3] =	stream.indirect.scatter.add.f32 [tilespmem:s16], [sflag:$0x1], $0x1, s24, s18, $0xb8;
	[tilespmem:$0x5580] =	vst v63  }
0xdd: {  	s24 =	simm.s32 $0x1680  }
0xde: {  	[spmem:s2] =	stream.indirect.scatter.add.f32 [tilespmem:s16], [sflag:$0x1], $0x1, s24, s18, $0xb8;
	[tilespmem:$0x5580] =	vst v63  }
0xdf: {  	s24 =	simm.s32 $0x3E80  }
0xe0: {  	[spmem:s3] =	stream.indirect.scatter.add.f32 [tilespmem:s16], [sflag:$0x1], $0x1, s24, s18, $0xb8;
	[tilespmem:$0x5580] =	vst v63  }
0xe1: {  	s24 =	simm.s32 $0x1700  }
0xe2: {  	[spmem:s2] =	stream.indirect.scatter.add.f32 [tilespmem:s16], [sflag:$0x1], $0x1, s24, s18, $0xb8;
	[tilespmem:$0x5580] =	vst v63  }
0xe3: {  	s24 =	simm.s32 $0x3F00  }
0xe4: {  	[spmem:s3] =	stream.indirect.scatter.add.f32 [tilespmem:s16], [sflag:$0x1], $0x1, s24, s18, $0xb8;
	[tilespmem:$0x5580] =	vst v63  }
0xe5: {  	s24 =	simm.s32 $0x1780  }
0xe6: {  	[spmem:s2] =	stream.indirect.scatter.add.f32 [tilespmem:s16], [sflag:$0x1], $0x1, s24, s18, $0xb8;
	[tilespmem:$0x5580] =	vst v63  }
0xe7: {  	s24 =	simm.s32 $0x3F80  }
0xe8: {  	[spmem:s3] =	stream.indirect.scatter.add.f32 [tilespmem:s16], [sflag:$0x1], $0x1, s24, s18, $0xb8;
	[tilespmem:$0x5580] =	vst v63  }
0xe9: {  	s24 =	simm.s32 $0x1800  }
0xea: {  	[spmem:s2] =	stream.indirect.scatter.add.f32 [tilespmem:s16], [sflag:$0x1], $0x1, s24, s18, $0xb8;
	[tilespmem:$0x5580] =	vst v63  }
0xeb: {  	s24 =	simm.s32 $0x4000  }
0xec: {  	[spmem:s3] =	stream.indirect.scatter.add.f32 [tilespmem:s16], [sflag:$0x1], $0x1, s24, s18, $0xb8;
	[tilespmem:$0x5580] =	vst v63  }
0xed: {  	s24 =	simm.s32 $0x1880  }
0xee: {  	[spmem:s2] =	stream.indirect.scatter.add.f32 [tilespmem:s16], [sflag:$0x1], $0x1, s24, s18, $0xb8;
	[tilespmem:$0x5580] =	vst v63  }
0xef: {  	s24 =	simm.s32 $0x4080  }
0xf0: {  	[spmem:s3] =	stream.indirect.scatter.add.f32 [tilespmem:s16], [sflag:$0x1], $0x1, s24, s18, $0xb8;
	[tilespmem:$0x5580] =	vst v63  }
0xf1: {  	s24 =	simm.s32 $0x1900  }
0xf2: {  	[spmem:s2] =	stream.indirect.scatter.add.f32 [tilespmem:s16], [sflag:$0x1], $0x1, s24, s18, $0xb8;
	[tilespmem:$0x5580] =	vst v63  }
0xf3: {  	s24 =	simm.s32 $0x4100  }
0xf4: {  	[spmem:s3] =	stream.indirect.scatter.add.f32 [tilespmem:s16], [sflag:$0x1], $0x1, s24, s18, $0xb8;
	[tilespmem:$0x5580] =	vst v63  }
0xf5: {  	s24 =	simm.s32 $0x1980  }
0xf6: {  	[spmem:s2] =	stream.indirect.scatter.add.f32 [tilespmem:s16], [sflag:$0x1], $0x1, s24, s18, $0xb8;
	[tilespmem:$0x5580] =	vst v63  }
0xf7: {  	s24 =	simm.s32 $0x4180  }
0xf8: {  	[spmem:s3] =	stream.indirect.scatter.add.f32 [tilespmem:s16], [sflag:$0x1], $0x1, s24, s18, $0xb8;
	[tilespmem:$0x5580] =	vst v63  }
0xf9: {  	s24 =	simm.s32 $0x1A00  }
0xfa: {  	[spmem:s2] =	stream.indirect.scatter.add.f32 [tilespmem:s16], [sflag:$0x1], $0x1, s24, s18, $0xb8;
	[tilespmem:$0x5580] =	vst v63  }
0xfb: {  	s24 =	simm.s32 $0x4200  }
0xfc: {  	[spmem:s3] =	stream.indirect.scatter.add.f32 [tilespmem:s16], [sflag:$0x1], $0x1, s24, s18, $0xb8;
	[tilespmem:$0x5580] =	vst v63  }
0xfd: {  	s24 =	simm.s32 $0x1A80  }
0xfe: {  	[spmem:s2] =	stream.indirect.scatter.add.f32 [tilespmem:s16], [sflag:$0x1], $0x1, s24, s18, $0xb8;
	[tilespmem:$0x5580] =	vst v63  }
0xff: {  	s24 =	simm.s32 $0x4280  }
0x100: {  	[spmem:s3] =	stream.indirect.scatter.add.f32 [tilespmem:s16], [sflag:$0x1], $0x1, s24, s18, $0xb8;
	[tilespmem:$0x5580] =	vst v63  }
0x101: {  	s24 =	simm.s32 $0x1B00  }
0x102: {  	[spmem:s2] =	stream.indirect.scatter.add.f32 [tilespmem:s16], [sflag:$0x1], $0x1, s24, s18, $0xb8;
	[tilespmem:$0x5580] =	vst v63  }
0x103: {  	s24 =	simm.s32 $0x4300  }
0x104: {  	[spmem:s3] =	stream.indirect.scatter.add.f32 [tilespmem:s16], [sflag:$0x1], $0x1, s24, s18, $0xb8;
	[tilespmem:$0x5580] =	vst v63  }
0x105: {  	s24 =	simm.s32 $0x1B80  }
0x106: {  	[spmem:s2] =	stream.indirect.scatter.add.f32 [tilespmem:s16], [sflag:$0x1], $0x1, s24, s18, $0xb8;
	[tilespmem:$0x5580] =	vst v63  }
0x107: {  	s24 =	simm.s32 $0x4380  }
0x108: {  	[spmem:s3] =	stream.indirect.scatter.add.f32 [tilespmem:s16], [sflag:$0x1], $0x1, s24, s18, $0xb8;
	[tilespmem:$0x5580] =	vst v63  }
0x109: {  	s24 =	simm.s32 $0x1C00  }
0x10a: {  	[spmem:s2] =	stream.indirect.scatter.add.f32 [tilespmem:s16], [sflag:$0x1], $0x1, s24, s18, $0xb8;
	[tilespmem:$0x5580] =	vst v63  }
0x10b: {  	s24 =	simm.s32 $0x4400  }
0x10c: {  	[spmem:s3] =	stream.indirect.scatter.add.f32 [tilespmem:s16], [sflag:$0x1], $0x1, s24, s18, $0xb8;
	[tilespmem:$0x5580] =	vst v63  }
0x10d: {  	s24 =	simm.s32 $0x1C80  }
0x10e: {  	[spmem:s2] =	stream.indirect.scatter.add.f32 [tilespmem:s16], [sflag:$0x1], $0x1, s24, s18, $0xb8;
	[tilespmem:$0x5580] =	vst v63  }
0x10f: {  	s24 =	simm.s32 $0x4480  }
0x110: {  	[spmem:s3] =	stream.indirect.scatter.add.f32 [tilespmem:s16], [sflag:$0x1], $0x1, s24, s18, $0xb8;
	[tilespmem:$0x5580] =	vst v63  }
0x111: {  	s24 =	simm.s32 $0x1D00  }
0x112: {  	[spmem:s2] =	stream.indirect.scatter.add.f32 [tilespmem:s16], [sflag:$0x1], $0x1, s24, s18, $0xb8;
	[tilespmem:$0x5580] =	vst v63  }
0x113: {  	s24 =	simm.s32 $0x4500  }
0x114: {  	[spmem:s3] =	stream.indirect.scatter.add.f32 [tilespmem:s16], [sflag:$0x1], $0x1, s24, s18, $0xb8;
	[tilespmem:$0x5580] =	vst v63  }
0x115: {  	s24 =	simm.s32 $0x1D80  }
0x116: {  	[spmem:s2] =	stream.indirect.scatter.add.f32 [tilespmem:s16], [sflag:$0x1], $0x1, s24, s18, $0xb8;
	[tilespmem:$0x5580] =	vst v63  }
0x117: {  	s24 =	simm.s32 $0x4580  }
0x118: {  	[spmem:s3] =	stream.indirect.scatter.add.f32 [tilespmem:s16], [sflag:$0x1], $0x1, s24, s18, $0xb8;
	[tilespmem:$0x5580] =	vst v63  }
0x119: {  	s24 =	simm.s32 $0x1E00  }
0x11a: {  	[spmem:s2] =	stream.indirect.scatter.add.f32 [tilespmem:s16], [sflag:$0x1], $0x1, s24, s18, $0xb8;
	[tilespmem:$0x5580] =	vst v63  }
0x11b: {  	s24 =	simm.s32 $0x4600  }
0x11c: {  	[spmem:s3] =	stream.indirect.scatter.add.f32 [tilespmem:s16], [sflag:$0x1], $0x1, s24, s18, $0xb8;
	[tilespmem:$0x5580] =	vst v63  }
0x11d: {  	s24 =	simm.s32 $0x1E80  }
0x11e: {  	[spmem:s2] =	stream.indirect.scatter.add.f32 [tilespmem:s16], [sflag:$0x1], $0x1, s24, s18, $0xb8;
	[tilespmem:$0x5580] =	vst v63  }
0x11f: {  	s24 =	simm.s32 $0x4680  }
0x120: {  	[spmem:s3] =	stream.indirect.scatter.add.f32 [tilespmem:s16], [sflag:$0x1], $0x1, s24, s18, $0xb8;
	[tilespmem:$0x5580] =	vst v63  }
0x121: {  	s24 =	simm.s32 $0x1F00  }
0x122: {  	[spmem:s2] =	stream.indirect.scatter.add.f32 [tilespmem:s16], [sflag:$0x1], $0x1, s24, s18, $0xb8;
	[tilespmem:$0x5580] =	vst v63  }
0x123: {  	s24 =	simm.s32 $0x4700  }
0x124: {  	[spmem:s3] =	stream.indirect.scatter.add.f32 [tilespmem:s16], [sflag:$0x1], $0x1, s24, s18, $0xb8;
	[tilespmem:$0x5580] =	vst v63  }
0x125: {  	s24 =	simm.s32 $0x1F80  }
0x126: {  	[spmem:s2] =	stream.indirect.scatter.add.f32 [tilespmem:s16], [sflag:$0x1], $0x1, s24, s18, $0xb8;
	[tilespmem:$0x5580] =	vst v63  }
0x127: {  	s24 =	simm.s32 $0x4780  }
0x128: {  	[spmem:s3] =	stream.indirect.scatter.add.f32 [tilespmem:s16], [sflag:$0x1], $0x1, s24, s18, $0xb8;
	[tilespmem:$0x5580] =	vst v63  }
0x129: {  	s24 =	simm.s32 $0x2000  }
0x12a: {  	[spmem:s2] =	stream.indirect.scatter.add.f32 [tilespmem:s16], [sflag:$0x1], $0x1, s24, s18, $0xb8;
	[tilespmem:$0x5580] =	vst v63  }
0x12b: {  	s24 =	simm.s32 $0x4800  }
0x12c: {  	[spmem:s3] =	stream.indirect.scatter.add.f32 [tilespmem:s16], [sflag:$0x1], $0x1, s24, s18, $0xb8;
	[tilespmem:$0x5580] =	vst v63  }
0x12d: {  	s24 =	simm.s32 $0x2080  }
0x12e: {  	[spmem:s2] =	stream.indirect.scatter.add.f32 [tilespmem:s16], [sflag:$0x1], $0x1, s24, s18, $0xb8;
	[tilespmem:$0x5580] =	vst v63  }
0x12f: {  	s24 =	simm.s32 $0x4880  }
0x130: {  	[spmem:s3] =	stream.indirect.scatter.add.f32 [tilespmem:s16], [sflag:$0x1], $0x1, s24, s18, $0xb8;
	[tilespmem:$0x5580] =	vst v63  }
0x131: {  	s24 =	simm.s32 $0x2100  }
0x132: {  	[spmem:s2] =	stream.indirect.scatter.add.f32 [tilespmem:s16], [sflag:$0x1], $0x1, s24, s18, $0xb8;
	[tilespmem:$0x5580] =	vst v63  }
0x133: {  	s24 =	simm.s32 $0x4900  }
0x134: {  	[spmem:s3] =	stream.indirect.scatter.add.f32 [tilespmem:s16], [sflag:$0x1], $0x1, s24, s18, $0xb8;
	[tilespmem:$0x5580] =	vst v63  }
0x135: {  	s24 =	simm.s32 $0x2180  }
0x136: {  	[spmem:s2] =	stream.indirect.scatter.add.f32 [tilespmem:s16], [sflag:$0x1], $0x1, s24, s18, $0xb8;
	[tilespmem:$0x5580] =	vst v63  }
0x137: {  	s24 =	simm.s32 $0x4980  }
0x138: {  	[spmem:s3] =	stream.indirect.scatter.add.f32 [tilespmem:s16], [sflag:$0x1], $0x1, s24, s18, $0xb8;
	[tilespmem:$0x5580] =	vst v63  }
0x139: {  	s24 =	simm.s32 $0x2200  }
0x13a: {  	[spmem:s2] =	stream.indirect.scatter.add.f32 [tilespmem:s16], [sflag:$0x1], $0x1, s24, s18, $0xb8;
	[tilespmem:$0x5580] =	vst v63  }
0x13b: {  	s24 =	simm.s32 $0x4A00  }
0x13c: {  	[spmem:s3] =	stream.indirect.scatter.add.f32 [tilespmem:s16], [sflag:$0x1], $0x1, s24, s18, $0xb8;
	[tilespmem:$0x5580] =	vst v63  }
0x13d: {  	s24 =	simm.s32 $0x2280  }
0x13e: {  	[spmem:s2] =	stream.indirect.scatter.add.f32 [tilespmem:s16], [sflag:$0x1], $0x1, s24, s18, $0xb8;
	[tilespmem:$0x5580] =	vst v63  }
0x13f: {  	s24 =	simm.s32 $0x4A80  }
0x140: {  	[spmem:s3] =	stream.indirect.scatter.add.f32 [tilespmem:s16], [sflag:$0x1], $0x1, s24, s18, $0xb8;
	[tilespmem:$0x5580] =	vst v63  }
0x141: {  	s24 =	simm.s32 $0x2300  }
0x142: {  	[spmem:s2] =	stream.indirect.scatter.add.f32 [tilespmem:s16], [sflag:$0x1], $0x1, s24, s18, $0xb8;
	[tilespmem:$0x5580] =	vst v63  }
0x143: {  	s24 =	simm.s32 $0x4B00  }
0x144: {  	[spmem:s3] =	stream.indirect.scatter.add.f32 [tilespmem:s16], [sflag:$0x1], $0x1, s24, s18, $0xb8;
	[tilespmem:$0x5580] =	vst v63  }
0x145: {  	s24 =	simm.s32 $0x2380  }
0x146: {  	[spmem:s2] =	stream.indirect.scatter.add.f32 [tilespmem:s16], [sflag:$0x1], $0x1, s24, s18, $0xb8;
	[tilespmem:$0x5580] =	vst v63  }
0x147: {  	s24 =	simm.s32 $0x4B80  }
0x148: {  	[spmem:s3] =	stream.indirect.scatter.add.f32 [tilespmem:s16], [sflag:$0x1], $0x1, s24, s18, $0xb8;
	[tilespmem:$0x5580] =	vst v63  }
0x149: {  	s24 =	simm.s32 $0x2400  }
0x14a: {  	[spmem:s2] =	stream.indirect.scatter.add.f32 [tilespmem:s16], [sflag:$0x1], $0x1, s24, s18, $0xb8;
	[tilespmem:$0x5580] =	vst v63  }
0x14b: {  	s24 =	simm.s32 $0x4C00  }
0x14c: {  	[spmem:s3] =	stream.indirect.scatter.add.f32 [tilespmem:s16], [sflag:$0x1], $0x1, s24, s18, $0xb8;
	[tilespmem:$0x5580] =	vst v63  }
0x14d: {  	s24 =	simm.s32 $0x2480  }
0x14e: {  	[spmem:s2] =	stream.indirect.scatter.add.f32 [tilespmem:s16], [sflag:$0x1], $0x1, s24, s18, $0xb8;
	[tilespmem:$0x5580] =	vst v63  }
0x14f: {  	s24 =	simm.s32 $0x4C80  }
0x150: {  	[spmem:s3] =	stream.indirect.scatter.add.f32 [tilespmem:s16], [sflag:$0x1], $0x1, s24, s18, $0xb8;
	[tilespmem:$0x5580] =	vst v63  }
0x151: {  	s24 =	simm.s32 $0x2500  }
0x152: {  	[spmem:s2] =	stream.indirect.scatter.add.f32 [tilespmem:s16], [sflag:$0x1], $0x1, s24, s18, $0xb8;
	[tilespmem:$0x5580] =	vst v63  }
0x153: {  	_ = 	snop  }
0x154: {  	[spmem:s3] =	stream.indirect.scatter.add.f32 [tilespmem:s16], [sflag:$0x1], $0x1, s25, s18, $0xb8;
	[tilespmem:$0x5580] =	vst v63  }
0x155: {  	_ = 	snop  }
0x156: {  	[spmem:s2] =	stream.indirect.scatter.add.f32 [tilespmem:s16], [sflag:$0x1], $0x1, s26, s18, $0xb8;
	[tilespmem:$0x5580] =	vst v63  }
0x157: {  	_ = 	snop  }
0x158: {  	[spmem:s3] =	stream.indirect.scatter.add.f32 [tilespmem:s16], [sflag:$0x1], $0x1, s28, s18, $0xb8;
	[tilespmem:$0x5580] =	vst v63  }
0x159: {  	_ = 	snop  }
0x15a: {  	[spmem:s2] =	stream.indirect.scatter.add.f32 [tilespmem:s16], [sflag:$0x1], $0x1, s29, s18, $0xb8;
	[tilespmem:$0x5580] =	vst v63  }
0x15b: {  	_ = 	snop  }
0x15c: {  	[spmem:s3] =	stream.indirect.scatter.add.f32 [tilespmem:s16], [sflag:$0x1], $0x1, s30, s18, $0xb8;
	[tilespmem:$0x5580] =	vst v63  }
0x15d: {  	_ = 	snop  }
0x15e: {  	[spmem:s2] =	stream.indirect.scatter.add.f32 [tilespmem:s16], [sflag:$0x1], $0x1, s31, s18, $0xb8;
	[tilespmem:$0x5580] =	vst v63  }
0x15f: {  	_ = 	snop  }
0x160: {  	[spmem:s3] =	stream.indirect.scatter.add.f32 [tilespmem:s16], [sflag:$0x1], $0x1, s1, s18, $0xb8;
	[tilespmem:$0x5580] =	vst v63  }
0x161: {  	_ = 	snop  }
0x162: {  	[spmem:s2] =	stream.indirect.scatter.add.f32 [tilespmem:s16], [sflag:$0x1], $0x1, s0, s18, $0xb8;
	[tilespmem:$0x5580] =	vst v63  }
0x163: {  	_ = 	snop  }
0x164: {  	[spmem:s3] =	stream.indirect.scatter.add.f32 [tilespmem:s16], [sflag:$0x1], $0x1, s19, s18, $0xb8;
	[tilespmem:$0x5580] =	vst v63  }
0x165: {  	_ = 	snop  }
0x166: {  	[spmem:s2] =	stream.indirect.scatter.add.f32 [tilespmem:s16], [sflag:$0x1], $0x1, s20, s18, $0xb8;
	[tilespmem:$0x5580] =	vst v63  }
0x167: {  	_ = 	snop  }
0x168: {  	[spmem:s3] =	stream.indirect.scatter.add.f32 [tilespmem:s16], [sflag:$0x1], $0x1, s21, s18, $0xb8;
	[tilespmem:$0x5580] =	vst v63  }
0x169: {  	_ =	swait.ge [sflag:s22], $0x80  }
0x16a: {  	[sflag:s22] =	ssyncset.done $0x0  }
0x16b: {  	[sflag:s22] =	ssyncadd.s32 $0xFFFFFF80  }
0x16c: {  	_ =	swait.ge [sflag:s22], $0x80  }
0x16d: {  	[sflag:s22] =	ssyncset.done $0x0  }
0x16e: {  	[sflag:s22] =	ssyncadd.s32 $0xFFFFFF80  }
0x16f: {  	_ =	swait.ge [sflag:s22], $0x80  }
0x170: {  	[sflag:s22] =	ssyncset.done $0x0  }
0x171: {  	[sflag:s22] =	ssyncadd.s32 $0xFFFFFF80  }
0x172: {  	_ =	swait.ge [sflag:s22], $0x80  }
0x173: {  	[sflag:s22] =	ssyncset.done $0x0  }
0x174: {  	[sflag:s22] =	ssyncadd.s32 $0xFFFFFF80  }
0x175: {  	_ =	swait.ge [sflag:s22], $0x80  }
0x176: {  	[sflag:s22] =	ssyncset.done $0x0  }
0x177: {  	[sflag:s22] =	ssyncadd.s32 $0xFFFFFF80  }
0x178: {  	_ =	swait.ge [sflag:s22], $0x80  }
0x179: {  	[sflag:s22] =	ssyncset.done $0x0  }
0x17a: {  	[sflag:s22] =	ssyncadd.s32 $0xFFFFFF80  }
0x17b: {  	_ =	swait.ge [sflag:s22], $0x80  }
0x17c: {  	[sflag:s22] =	ssyncset.done $0x0  }
0x17d: {  	[sflag:s22] =	ssyncadd.s32 $0xFFFFFF80  }
0x17e: {  	_ =	swait.ge [sflag:s22], $0x80  }
0x17f: {  	[sflag:s22] =	ssyncset.done $0x0  }
0x180: {  	[sflag:s22] =	ssyncadd.s32 $0xFFFFFF80  }
0x181: {  	_ =	swait.ge [sflag:s22], $0x80  }
0x182: {  	[sflag:s22] =	ssyncset.done $0x0  }
0x183: {  	[sflag:s22] =	ssyncadd.s32 $0xFFFFFF80  }
0x184: {  	_ =	swait.ge [sflag:s22], $0x80  }
0x185: {  	[sflag:s22] =	ssyncset.done $0x0  }
0x186: {  	[sflag:s22] =	ssyncadd.s32 $0xFFFFFF80  }
0x187: {  	_ =	swait.ge [sflag:s22], $0x80  }
0x188: {  	[sflag:s22] =	ssyncset.done $0x0  }
0x189: {  	[sflag:s22] =	ssyncadd.s32 $0xFFFFFF80  }
0x18a: {  	_ =	swait.ge [sflag:s22], $0x80  }
0x18b: {  	[sflag:s22] =	ssyncset.done $0x0  }
0x18c: {  	[sflag:s22] =	ssyncadd.s32 $0xFFFFFF80  }
0x18d: {  	_ =	swait.ge [sflag:s22], $0x80  }
0x18e: {  	[sflag:s22] =	ssyncset.done $0x0  }
0x18f: {  	[sflag:s22] =	ssyncadd.s32 $0xFFFFFF80  }
0x190: {  	_ =	swait.ge [sflag:s22], $0x80  }
0x191: {  	[sflag:s22] =	ssyncset.done $0x0  }
0x192: {  	[sflag:s22] =	ssyncadd.s32 $0xFFFFFF80  }
0x193: {  	_ =	swait.ge [sflag:s22], $0x80  }
0x194: {  	[sflag:s22] =	ssyncset.done $0x0  }
0x195: {  	[sflag:s22] =	ssyncadd.s32 $0xFFFFFF80  }
0x196: {  	_ =	swait.ge [sflag:s22], $0x80  }
0x197: {  	s24 =	simm.s32 $0x9;
	[sflag:s22] =	ssyncset.done $0x0  }
.LBB2_2:
0x198: {  	p0 =	sne.s32 s24, $0x1;
	s24 =	sadd.s32 $0xFFFFFFFF, s24;
	[sflag:s22] =	ssyncadd.s32 $0xFFFFFF80  }
0x199: {  	_ =	swait.ge [sflag:s22], $0x80  }
0x19a: {  	[sflag:s22] =	ssyncset.done $0x0  }
0x19b: {  	[sflag:s22] =	ssyncadd.s32 $0xFFFFFF80  }
0x19c: {  	_ =	swait.ge [sflag:s22], $0x80  }
0x19d: {  	[sflag:s22] =	ssyncset.done $0x0  }
0x19e: {  	[sflag:s22] =	ssyncadd.s32 $0xFFFFFF80  }
0x19f: {  	_ =	swait.ge [sflag:s22], $0x80  }
0x1a0: {  	[sflag:s22] =	ssyncset.done $0x0  }
0x1a1: {  	[sflag:s22] =	ssyncadd.s32 $0xFFFFFF80  }
0x1a2: {  	_ =	swait.ge [sflag:s22], $0x80  }
0x1a3: {  	[sflag:s22] =	ssyncset.done $0x0  }
0x1a4: {  	[sflag:s22] =	ssyncadd.s32 $0xFFFFFF80  }
0x1a5: {  	_ =	swait.ge [sflag:s22], $0x80  }
0x1a6: {  	[sflag:s22] =	ssyncset.done $0x0  }
0x1a7: {  	[sflag:s22] =	ssyncadd.s32 $0xFFFFFF80  }
0x1a8: {  	_ =	swait.ge [sflag:s22], $0x80  }
0x1a9: {  	[sflag:s22] =	ssyncset.done $0x0  }
0x1aa: {  	[sflag:s22] =	ssyncadd.s32 $0xFFFFFF80  }
0x1ab: {  	_ =	swait.ge [sflag:s22], $0x80  }
0x1ac: {  	[sflag:s22] =	ssyncset.done $0x0  }
0x1ad: {  	[sflag:s22] =	ssyncadd.s32 $0xFFFFFF80  }
0x1ae: {  	_ =	swait.ge [sflag:s22], $0x80  }
0x1af: {  	[sflag:s22] =	ssyncset.done $0x0  }
0x1b0: {  	[sflag:s22] =	ssyncadd.s32 $0xFFFFFF80  }
0x1b1: {  	_ =	swait.ge [sflag:s22], $0x80  }
0x1b2: {  	[sflag:s22] =	ssyncset.done $0x0  }
0x1b3: {  	[sflag:s22] =	ssyncadd.s32 $0xFFFFFF80  }
0x1b4: {  	_ =	swait.ge [sflag:s22], $0x80  }
0x1b5: {  	[sflag:s22] =	ssyncset.done $0x0  }
0x1b6: {  	[sflag:s22] =	ssyncadd.s32 $0xFFFFFF80  }
0x1b7: {  	_ =	swait.ge [sflag:s22], $0x80  }
0x1b8: {  	[sflag:s22] =	ssyncset.done $0x0  }
0x1b9: {  	[sflag:s22] =	ssyncadd.s32 $0xFFFFFF80  }
0x1ba: {  	_ =	swait.ge [sflag:s22], $0x80  }
0x1bb: {  	[sflag:s22] =	ssyncset.done $0x0  }
0x1bc: {  	[sflag:s22] =	ssyncadd.s32 $0xFFFFFF80  }
0x1bd: {  	_ =	swait.ge [sflag:s22], $0x80  }
0x1be: {  	[sflag:s22] =	ssyncset.done $0x0  }
0x1bf: {  	[sflag:s22] =	ssyncadd.s32 $0xFFFFFF80  }
0x1c0: {  	_ =	swait.ge [sflag:s22], $0x80  }
0x1c1: {  	[sflag:s22] =	ssyncset.done $0x0  }
0x1c2: {  	[sflag:s22] =	ssyncadd.s32 $0xFFFFFF80  }
.Ltmp0:
0x1c3: {  	_ =	swait.ge [sflag:s22], $0x80;
	(pc) =	sbr.rel @p0 .LBB2_2-.Ltmp0, $4  }
0x1c4: {  	[sflag:s22] =	ssyncset.done $0x0  }
0x1c5: {  	[sflag:s22] =	ssyncadd.s32 $0xFFFFFF80  }
0x1c6: {  	_ =	swait.ge [sflag:s22], $0x80  }
0x1c7: {  	[sflag:s22] =	ssyncset.done $0x0  }
0x1c8: {  	[sflag:s22] =	ssyncadd.s32 $0xFFFFFF80  }
0x1c9: {  	[bflag:$0x0] =	sbarrier.arrive $0xFFFF  }
0x1ca: {  	[hbm:s11], [sflag:s7] =	dma.local [spmem:s13], $0x50  }
0x1cb: {  	s23 =	sadd.s32 $0x1, s23;
	_ =	swait.ge [sflag:s14], $0x50  }
0x1cc: {  	p0 =	sne.s32 s23, s10;
	[sflag:s14] =	ssyncset.done $0x0  }
.Ltmp1:
0x1cd: {  	[sflag:s14] =	ssyncadd.s32 $0xFFFFFFB0;
	(pc) =	sbr.rel @p0 .LBB2_1-.Ltmp1, $4  }
0x1ce: {  	[hbm:s12], [sflag:s7] =	dma.local [spmem:s15], $0x50  }
0x1cf: {  	_ =	swait.ge [sflag:s14], $0x50  }
0x1d0: {  	[sflag:s14] =	ssyncset.done $0x0  }
0x1d1: {  	[sflag:s14] =	ssyncadd.s32 $0xFFFFFFB0  }
0x1d2: {  	_ =	sfence.sel $0x180000  }
0x1d3: {  	[bflag:$0x0] =	sbarrier.arrive $0xFFFF  }
0x1d4: {  	_ =	strace $0x90000047  }
0x1d5: {  	s0 =	stileid.u32;
	[bflag:$0x2] =	sbarrier.arrive $0xFFFF  }
0x1d6: {  	p0 =	sne.s32 s0, $0x0;
	s0 =	rddreg [dreg:$0x4]  }
0x1d7: {  	s0 =	sadd.s32 @!p0 $0x100000, s0  }
0x1d8: {  	[sflag:s0] =	ssyncadd.tile.s32 @!p0 $0x1;
	_ =	shalt  }
.Lfunc_end2:
_tile_overlayer_lowered:
.L_overlay_start_2:
0x1d9: {  	(tag) =	ssettag $0x2  }
0x1da: {  	s0 =	rddreg [dreg:$0x0];
	s2 =	stileid.u32  }
0x1db: {  	s1 =	rddreg [dreg:$0x1];
	p0 =	sne.s32 s2, $0x0  }
0x1dc: {  	s3 =	rddreg [dreg:$0x2];
	[bflag:$0x3] =	sbarrier.arrive $0xFFFF;
	s2 =	simm.s32 @!p0 $0x1C02  }
0x1dd: {  	[timem:s3], [sflag:s2] =	dma.local @!p0 [hbm:s0], s1  }
0x1de: {  	s0 =	simm.s32 @!p0 $0x2  }
0x1df: {  	_ =	swait.ge @!p0 [sflag:s0], s1  }
0x1e0: {  	s1 =	ssub.s32 @!p0 $0x0, s1;
	[sflag:s0] =	ssyncset.done @!p0 $0x0  }
0x1e1: {  	[sflag:s0] =	ssyncadd.s32 @!p0 s1  }
0x1e2: {  	[bflag:$0x3] =	sbarrier.arrive $0xFFFF  }
0x1e3: {  	_ =	shalt  }

</sc_bundles>
